<compile_context>
chip_gen: v7x
topology: tpu7x:2x2x1
jax: 0.10.2.dev20260603
libtpu: 0.0.44.dev20260713+nightly
codegen_flags: <defaults>
</compile_context>

<pallas_src>
import functools

import jax
import jax.numpy as jnp
from jax import lax
from jax.experimental import pallas as pl
from jax.experimental.pallas import tpu as pltpu
from jax.experimental.pallas import tpu_sc as plsc

B, S, D, H, E, K, M = 1, 2048, 768, 1536, 8, 2, 4
ROWT = 128
CAP = S
TPG = CAP // ROWT
NSTEP_R = E * K * S // ROWT + E
NSTEP_M = S // ROWT + M
NROW_R = E * CAP
NROW_M = M * CAP
NA_R = K * S
NA_M = S
RB = 512
CHUNK = 128
CH2 = 64
WPAD = 128
SQ2I = 0.7071067811865476


def _gelu(v):
    return 0.5 * v * (1.0 + jax.lax.erf(v * SQ2I))


def _router_kernel(x_ref, mode_ref, rw_ref, rb_ref, logits_ref, tidx_ref,
                   tprob_ref, sgr_ref, sbr_ref, totr_ref, sgm_ref, sbm_ref,
                   totm_ref, dstr_ref, wr2d_ref, dstm_ref):
    x = x_ref[...]
    logits = jax.lax.dot_general(x, rw_ref[...], (((1,), (1,)), ((), ())),
                                 preferred_element_type=jnp.float32)
    logits = logits + rb_ref[...][None, :]
    logits_ref[...] = logits
    mx = jnp.max(logits, axis=1, keepdims=True)
    ex = jnp.exp(logits - mx)
    probs = ex / jnp.sum(ex, axis=1, keepdims=True)
    iota = jax.lax.broadcasted_iota(jnp.int32, (S, E), 1)
    p0 = jnp.max(probs, axis=1, keepdims=True)
    i0 = jnp.min(jnp.where(probs == p0, iota, E), axis=1, keepdims=True)
    masked = jnp.where(iota == i0, -jnp.inf, probs)
    p1 = jnp.max(masked, axis=1, keepdims=True)
    i1 = jnp.min(jnp.where(masked == p1, iota, E), axis=1, keepdims=True)
    tidx_ref[...] = jnp.concatenate([i0, i1], axis=1)
    tprob_ref[...] = jnp.concatenate([p0, p1], axis=1)

    def ranks(oh, n_a):
        ii = jax.lax.broadcasted_iota(jnp.int32, (RB, RB), 0)
        jj = jax.lax.broadcasted_iota(jnp.int32, (RB, RB), 1)
        tri = (jj < ii).astype(jnp.float32)
        n_g = oh.shape[1]
        running = jnp.zeros((1, n_g), jnp.float32)
        outs = []
        for b in range(n_a // RB):
            oh_b = oh[b * RB:(b + 1) * RB]
            local = jax.lax.dot_general(tri, oh_b, (((1,), (0,)), ((), ())),
                                        preferred_element_type=jnp.float32)
            outs.append(local + running)
            running = running + jnp.sum(oh_b, axis=0, keepdims=True)
        rank = jnp.concatenate(outs, axis=0)
        lanes = jax.lax.broadcasted_iota(jnp.int32, (n_a, n_g),
                                         1).astype(jnp.float32)
        rank_col = jnp.sum(rank * oh, axis=1, keepdims=True)
        e_col = jnp.sum(lanes * oh, axis=1, keepdims=True)
        dst = e_col * float(CAP) + rank_col
        return dst.astype(jnp.int32), running

    oh_r = jnp.concatenate([(iota == i0).astype(jnp.float32),
                            (iota == i1).astype(jnp.float32)], axis=0)
    dst_r, counts_r = ranks(oh_r, NA_R)
    dstr_ref[...] = dst_r
    w_col = jnp.concatenate([p0, p1], axis=0)
    wr2d_ref[...] = jnp.broadcast_to(w_col, (NA_R, WPAD))

    miota = jax.lax.broadcasted_iota(jnp.int32, (S, M), 1)
    oh_m = (mode_ref[...] == miota).astype(jnp.float32)
    dst_m, counts_m = ranks(oh_m, NA_M)
    dstm_ref[...] = dst_m

    def steps(counts_row, n_g, n_step, sg_ref, sb_ref, tot_ref):
        nt_row = jnp.floor((counts_row + float(ROWT - 1)) / float(ROWT))
        gi8 = jax.lax.broadcasted_iota(jnp.int32, (n_g, n_g), 0)
        gj8 = jax.lax.broadcasted_iota(jnp.int32, (n_g, n_g), 1)
        tri_inc = (gj8 <= gi8).astype(jnp.float32)
        iden = (gj8 == gi8).astype(jnp.float32)
        nt_col = jax.lax.dot_general(iden, nt_row, (((1,), (1,)), ((), ())),
                                     preferred_element_type=jnp.float32)
        cum_col = jax.lax.dot_general(tri_inc, nt_col,
                                      (((1,), (0,)), ((), ())),
                                      preferred_element_type=jnp.float32)
        cumprev_col = cum_col - nt_col
        total = jnp.sum(nt_col, axis=0, keepdims=True)
        s = jax.lax.broadcasted_iota(jnp.int32, (1, n_step),
                                     1).astype(jnp.float32)
        s_eff = jnp.minimum(s, jnp.maximum(total - 1.0, 0.0))
        ge = (s_eff >= cum_col).astype(jnp.float32)
        g_of_s = jnp.sum(ge, axis=0, keepdims=True)
        gi = jax.lax.broadcasted_iota(jnp.int32, (n_g, n_step),
                                      0).astype(jnp.float32)
        onehot = (gi == g_of_s).astype(jnp.float32)
        cumprev_of_s = jnp.sum(cumprev_col * onehot, axis=0, keepdims=True)
        j_of_s = s_eff - cumprev_of_s
        sg_ref[...] = g_of_s.astype(jnp.int32)
        sb_ref[...] = (g_of_s * TPG + j_of_s).astype(jnp.int32)
        tot_ref[...] = total.astype(jnp.int32)

    steps(counts_r, E, NSTEP_R, sgr_ref, sbr_ref, totr_ref)
    steps(counts_m, M, NSTEP_M, sgm_ref, sbm_ref, totm_ref)


def _run_router(flat, mode_flat, router_w, router_b):
    return pl.pallas_call(
        _router_kernel,
        grid=(1,),
        in_specs=[
            pl.BlockSpec((S, D), lambda i: (0, 0)),
            pl.BlockSpec((S, 1), lambda i: (0, 0)),
            pl.BlockSpec((E, D), lambda i: (0, 0)),
            pl.BlockSpec((E,), lambda i: (0,)),
        ],
        out_specs=[
            pl.BlockSpec((S, E), lambda i: (0, 0)),
            pl.BlockSpec((S, K), lambda i: (0, 0)),
            pl.BlockSpec((S, K), lambda i: (0, 0)),
            pl.BlockSpec((1, NSTEP_R), lambda i: (0, 0)),
            pl.BlockSpec((1, NSTEP_R), lambda i: (0, 0)),
            pl.BlockSpec((1, 1), lambda i: (0, 0)),
            pl.BlockSpec((1, NSTEP_M), lambda i: (0, 0)),
            pl.BlockSpec((1, NSTEP_M), lambda i: (0, 0)),
            pl.BlockSpec((1, 1), lambda i: (0, 0)),
            pl.BlockSpec((NA_R, 1), lambda i: (0, 0)),
            pl.BlockSpec((NA_R, WPAD), lambda i: (0, 0)),
            pl.BlockSpec((NA_M, 1), lambda i: (0, 0)),
        ],
        out_shape=[
            jax.ShapeDtypeStruct((S, E), jnp.float32),
            jax.ShapeDtypeStruct((S, K), jnp.int32),
            jax.ShapeDtypeStruct((S, K), jnp.float32),
            jax.ShapeDtypeStruct((1, NSTEP_R), jnp.int32),
            jax.ShapeDtypeStruct((1, NSTEP_R), jnp.int32),
            jax.ShapeDtypeStruct((1, 1), jnp.int32),
            jax.ShapeDtypeStruct((1, NSTEP_M), jnp.int32),
            jax.ShapeDtypeStruct((1, NSTEP_M), jnp.int32),
            jax.ShapeDtypeStruct((1, 1), jnp.int32),
            jax.ShapeDtypeStruct((NA_R, 1), jnp.int32),
            jax.ShapeDtypeStruct((NA_R, WPAD), jnp.float32),
            jax.ShapeDtypeStruct((NA_M, 1), jnp.int32),
        ],
    )(flat, mode_flat, router_w, router_b)


def _shared_ffn_kernel(x_ref, w1_ref, b1_ref, w2_ref, b2_ref, out_ref):
    h = jax.lax.dot_general(x_ref[...], w1_ref[0], (((1,), (1,)), ((), ())),
                            preferred_element_type=jnp.float32)
    h = _gelu(h + b1_ref[0])
    y = jax.lax.dot_general(h, w2_ref[0], (((1,), (1,)), ((), ())),
                            preferred_element_type=jnp.float32)
    out_ref[...] = y + b2_ref[0]


def _run_shared(flat, w1, b1, w2, b2):
    tt = 1024
    return pl.pallas_call(
        _shared_ffn_kernel,
        grid=(S // tt,),
        in_specs=[
            pl.BlockSpec((tt, D), lambda i: (i, 0)),
            pl.BlockSpec((1, H, D), lambda i: (0, 0, 0)),
            pl.BlockSpec((1, 1, H), lambda i: (0, 0, 0)),
            pl.BlockSpec((1, D, H), lambda i: (0, 0, 0)),
            pl.BlockSpec((1, 1, D), lambda i: (0, 0, 0)),
        ],
        out_specs=pl.BlockSpec((tt, D), lambda i: (i, 0)),
        out_shape=jax.ShapeDtypeStruct((S, D), jnp.float32),
    )(flat, w1, b1.reshape(1, 1, H), w2, b2.reshape(1, 1, D))


def _sc_dispatch_body(tokr_hbm, dstr_hbm, wr2d_hbm, tokm_hbm, dstm_hbm,
                      x_hbm, xgr_hbm, wrow_hbm, xgm_hbm, tb, db, wb, xb, sem):
    wid = lax.axis_index("s") * 2 + lax.axis_index("c")

    def move(tok_src, dst_src, base, xg_dst):
        pltpu.sync_copy(tok_src.at[pl.ds(base, CHUNK)], tb)
        pltpu.sync_copy(dst_src.at[pl.ds(base, CHUNK)], db)
        pltpu.async_copy(x_hbm.at[tb], xb, sem).wait()
        pltpu.async_copy(xb, xg_dst.at[db], sem).wait()

    move(tokr_hbm, dstr_hbm, wid * CHUNK, xgr_hbm)
    pltpu.sync_copy(wr2d_hbm.at[pl.ds(wid * CHUNK, CHUNK)], wb)
    pltpu.async_copy(wb, wrow_hbm.at[db], sem).wait()

    @pl.when(wid < NA_M // CHUNK)
    def _():
        move(tokm_hbm, dstm_hbm, wid * CHUNK, xgm_hbm)


def _run_sc_dispatch(tokr, dstr, wr2d, tokm, dstm, flat):
    mesh = plsc.VectorSubcoreMesh(core_axis_name="c", subcore_axis_name="s",
                                  num_cores=2, num_subcores=16)
    f = pl.kernel(
        _sc_dispatch_body,
        out_type=[
            jax.ShapeDtypeStruct((NROW_R, D), jnp.float32),
            jax.ShapeDtypeStruct((NROW_R, WPAD), jnp.float32),
            jax.ShapeDtypeStruct((NROW_M, D), jnp.float32),
        ],
        mesh=mesh,
        scratch_types=[
            pltpu.VMEM((CHUNK,), jnp.int32),
            pltpu.VMEM((CHUNK,), jnp.int32),
            pltpu.VMEM((CHUNK, WPAD), jnp.float32),
            pltpu.VMEM((CHUNK, D), jnp.float32),
            pltpu.SemaphoreType.DMA,
        ],
    )
    return f(tokr, dstr, wr2d, tokm, dstm, flat)


def _sc_combine_body(dstr_hbm, dstm_hbm, yr_hbm, ym_hbm, y0_hbm, y1_hbm,
                     ym_out_hbm, ib, yb, sem):
    wid = lax.axis_index("s") * 2 + lax.axis_index("c")
    base = wid * CH2

    def gather_back(dst_src, dst_off, y_src, out_dst):
        pltpu.sync_copy(dst_src.at[pl.ds(dst_off + base, CH2)], ib)
        pltpu.async_copy(y_src.at[ib], yb, sem).wait()
        pltpu.sync_copy(yb, out_dst.at[pl.ds(base, CH2)])

    gather_back(dstr_hbm, 0, yr_hbm, y0_hbm)
    gather_back(dstr_hbm, S, yr_hbm, y1_hbm)
    gather_back(dstm_hbm, 0, ym_hbm, ym_out_hbm)


def _run_sc_combine(dstr, dstm, y_r, y_m):
    mesh = plsc.VectorSubcoreMesh(core_axis_name="c", subcore_axis_name="s",
                                  num_cores=2, num_subcores=16)
    f = pl.kernel(
        _sc_combine_body,
        out_type=[
            jax.ShapeDtypeStruct((S, D), jnp.float32),
            jax.ShapeDtypeStruct((S, D), jnp.float32),
            jax.ShapeDtypeStruct((S, D), jnp.float32),
        ],
        mesh=mesh,
        scratch_types=[
            pltpu.VMEM((CH2,), jnp.int32),
            pltpu.VMEM((CH2, D), jnp.float32),
            pltpu.SemaphoreType.DMA,
        ],
    )
    return f(dstr, dstm, y_r, y_m)


def _grouped_ffn_kernel(sg_ref, sb_ref, tot_ref, x_ref, w1_ref, b1_ref,
                        w2_ref, b2_ref, wrow_ref, y_ref):
    s = pl.program_id(0)

    @pl.when(s < tot_ref[0])
    def _():
        h = jax.lax.dot_general(x_ref[...], w1_ref[0],
                                (((1,), (1,)), ((), ())),
                                preferred_element_type=jnp.float32)
        h = _gelu(h + b1_ref[0])
        y = jax.lax.dot_general(h, w2_ref[0], (((1,), (1,)), ((), ())),
                                preferred_element_type=jnp.float32)
        y = y + b2_ref[0]
        if wrow_ref is not None:
            y = y * wrow_ref[0, :, 0:1]
        y_ref[...] = y


def _run_grouped(xg, wrow, w1, b1, w2, b2, sg, sb, tot, n_g, n_step):
    nrow = n_g * CAP
    in_specs = [
        pl.BlockSpec((ROWT, D), lambda s, sg, sb, tot: (sb[s], 0)),
        pl.BlockSpec((1, H, D), lambda s, sg, sb, tot: (sg[s], 0, 0)),
        pl.BlockSpec((1, 1, H), lambda s, sg, sb, tot: (sg[s], 0, 0)),
        pl.BlockSpec((1, D, H), lambda s, sg, sb, tot: (sg[s], 0, 0)),
        pl.BlockSpec((1, 1, D), lambda s, sg, sb, tot: (sg[s], 0, 0)),
    ]
    args = [xg, w1, b1.reshape(n_g, 1, H), w2, b2.reshape(n_g, 1, D)]
    if wrow is not None:
        in_specs.append(
            pl.BlockSpec((1, ROWT, WPAD), lambda s, sg, sb, tot: (sb[s], 0, 0)))
        args.append(wrow.reshape(nrow // ROWT, ROWT, WPAD))
        body = _grouped_ffn_kernel
    else:
        def body(sg_ref, sb_ref, tot_ref, x_ref, w1_ref, b1_ref, w2_ref,
                 b2_ref, y_ref):
            _grouped_ffn_kernel(sg_ref, sb_ref, tot_ref, x_ref, w1_ref,
                                b1_ref, w2_ref, b2_ref, None, y_ref)
    grid_spec = pltpu.PrefetchScalarGridSpec(
        num_scalar_prefetch=3,
        grid=(n_step,),
        in_specs=in_specs,
        out_specs=pl.BlockSpec((ROWT, D), lambda s, sg, sb, tot: (sb[s], 0)),
        scratch_shapes=[],
    )
    return pl.pallas_call(
        body,
        grid_spec=grid_spec,
        out_shape=jax.ShapeDtypeStruct((nrow, D), jnp.float32),
    )(sg, sb, tot, *args)


def _combine_kernel(a_ref, b_ref, c_ref, d_ref, out_ref):
    out_ref[...] = a_ref[...] + b_ref[...] + c_ref[...] + d_ref[...]


def _run_combine(a, b, c, d):
    return pl.pallas_call(
        _combine_kernel,
        grid=(1,),
        in_specs=[pl.BlockSpec((S, D), lambda i: (0, 0))] * 4,
        out_specs=pl.BlockSpec((S, D), lambda i: (0, 0)),
        out_shape=jax.ShapeDtypeStruct((S, D), jnp.float32),
    )(a, b, c, d)


def kernel(hidden, mode_ids, router_w, router_b, shared_w1, shared_b1,
           shared_w2, shared_b2, routed_w1, routed_b1, routed_w2, routed_b2,
           mode_w1, mode_b1, mode_w2, mode_b2):
    flat = hidden.reshape(S, D)
    mode_flat = mode_ids.reshape(S, 1).astype(jnp.int32)

    (logits, tidx, tprob, sgr, sbr, totr, sgm, sbm, totm, dstr, wr2d,
     dstm) = _run_router(flat, mode_flat, router_w, router_b)

    tok1 = jnp.arange(S, dtype=jnp.int32)
    tokr = jnp.concatenate([tok1, tok1])
    dstr1 = dstr.reshape(NA_R)
    dstm1 = dstm.reshape(NA_M)

    xg_r, wrow_r, xg_m = _run_sc_dispatch(tokr, dstr1, wr2d, tok1, dstm1,
                                          flat)
    shared_out = _run_shared(flat, shared_w1, shared_b1, shared_w2, shared_b2)

    y_r = _run_grouped(xg_r, wrow_r, routed_w1, routed_b1, routed_w2,
                       routed_b2, sgr.reshape(-1), sbr.reshape(-1),
                       totr.reshape(-1), E, NSTEP_R)
    y_m = _run_grouped(xg_m, None, mode_w1, mode_b1, mode_w2, mode_b2,
                       sgm.reshape(-1), sbm.reshape(-1),
                       totm.reshape(-1), M, NSTEP_M)
    yc0, yc1, ycm = _run_sc_combine(dstr1, dstm1, y_r, y_m)

    out = _run_combine(shared_out, yc0, yc1, ycm)
    return (out.reshape(B, S, D), logits.reshape(B, S, E),
            tidx.reshape(B, S, K), tprob.reshape(B, S, K))

# --- scband reference (transcript-rebuilt; emitter-appended) ---
"""Pipeline reference for scband-mode-conditioned-sparse-mo-e-75007308857547 (READ-ONLY COPY).

The authoritative reference and input builder live on the scoring server;
editing this copy changes nothing except your own understanding.
"""

import jax, jax.numpy as jnp
import numpy as np

B, S, D, H, E, K, M = 1, 2048, 768, 1536, 8, 2, 4


def _ffn(x, w1, b1, w2, b2):
    h = jax.nn.gelu(x @ w1.T + b1, approximate=False)
    return h @ w2.T + b2


def setup_inputs(seed: int = 0) -> dict:
    key = jax.random.key(seed)
    ks = [jax.random.fold_in(key, i) for i in range(20)]
    s = 0.02
    inp = {}
    inp["hidden"] = jax.random.normal(ks[0], (B, S, D), dtype=jnp.float32)
    inp["mode_ids"] = jax.random.randint(ks[1], (B, S), 0, M, dtype=jnp.int64)
    inp["router_w"] = jax.random.normal(ks[2], (E, D), dtype=jnp.float32) * s
    inp["router_b"] = jnp.zeros((E,), dtype=jnp.float32)
    inp["shared_w1"] = jax.random.normal(ks[3], (1, H, D), dtype=jnp.float32) * s
    inp["shared_b1"] = jnp.zeros((1, H), dtype=jnp.float32)
    inp["shared_w2"] = jax.random.normal(ks[4], (1, D, H), dtype=jnp.float32) * s
    inp["shared_b2"] = jnp.zeros((1, D), dtype=jnp.float32)
    inp["routed_w1"] = jax.random.normal(ks[5], (E, H, D), dtype=jnp.float32) * s
    inp["routed_b1"] = jnp.zeros((E, H), dtype=jnp.float32)
    inp["routed_w2"] = jax.random.normal(ks[6], (E, D, H), dtype=jnp.float32) * s
    inp["routed_b2"] = jnp.zeros((E, D), dtype=jnp.float32)
    inp["mode_w1"] = jax.random.normal(ks[7], (M, H, D), dtype=jnp.float32) * s
    inp["mode_b1"] = jnp.zeros((M, H), dtype=jnp.float32)
    inp["mode_w2"] = jax.random.normal(ks[8], (M, D, H), dtype=jnp.float32) * s
    inp["mode_b2"] = jnp.zeros((M, D), dtype=jnp.float32)
    return inp


def reference(hidden, mode_ids, router_w, router_b, shared_w1, shared_b1, shared_w2, shared_b2, routed_w1, routed_b1, routed_w2, routed_b2, mode_w1, mode_b1, mode_w2, mode_b2):
    batch, seq_len, dim = hidden.shape
    flat = hidden.reshape(batch * seq_len, dim)
    router_logits = flat @ router_w.T + router_b
    router_probs = jax.nn.softmax(router_logits, axis=-1)
    topk_probs, topk_indices = jax.lax.top_k(router_probs, K)

    # shared experts (averaged)
    n_shared = shared_w1.shape[0]
    shared_out = jnp.zeros_like(flat)
    for i in range(n_shared):
        shared_out = shared_out + _ffn(flat, shared_w1[i], shared_b1[i], shared_w2[i], shared_b2[i])
    shared_out = shared_out / n_shared

    # mode-conditioned shared experts (1 expert per mode; dense masked form is
    # mathematically identical to index_select + index_add in the torch code)
    mode_flat = mode_ids.reshape(-1)
    mode_out = jnp.zeros_like(flat)
    for m in range(M):
        mask = (mode_flat == m).astype(flat.dtype)[:, None]
        mode_out = mode_out + mask * _ffn(flat, mode_w1[m], mode_b1[m], mode_w2[m], mode_b2[m])
    shared_out = shared_out + mode_out

    # routed experts: per-token weight is zero for unselected tokens, so the
    # dense weighted sum equals the gather/scatter-add in the torch code
    mixed = jnp.zeros_like(flat)
    for e in range(E):
        w = (topk_probs * (topk_indices == e).astype(topk_probs.dtype)).sum(axis=-1, keepdims=True)
        mixed = mixed + w * _ffn(flat, routed_w1[e], routed_b1[e], routed_w2[e], routed_b2[e])

    output = (shared_out + mixed).reshape(batch, seq_len, dim)
    return (output,
            router_logits.reshape(batch, seq_len, E),
            topk_indices.reshape(batch, seq_len, K),
            topk_probs.reshape(batch, seq_len, K))

if __name__ == "__main__":
    import jax
    _d = setup_inputs()
    print(jax.jit(kernel)(*tuple(_d.values())))

</pallas_src>

<mosaic_0001>
#map = affine_map<(d0, d1) -> (0)>
#map1 = affine_map<(d0, d1) -> (0, 0)>
module attributes {stable_mosaic.version = 14 : i64} {
  func.func @_sc_dispatch_body(%arg0: i32, %arg1: i32, %arg2: memref<4096xi32, #tpu.memory_space<hbm>>, %arg3: memref<4096xi32, #tpu.memory_space<hbm>>, %arg4: memref<4096x128xf32, #tpu.memory_space<hbm>>, %arg5: memref<2048xi32, #tpu.memory_space<hbm>>, %arg6: memref<2048xi32, #tpu.memory_space<hbm>>, %arg7: memref<2048x768xf32, #tpu.memory_space<hbm>>, %arg8: memref<16384x768xf32, #tpu.memory_space<hbm>>, %arg9: memref<16384x128xf32, #tpu.memory_space<hbm>>, %arg10: memref<8192x768xf32, #tpu.memory_space<hbm>>, %arg11: memref<128xi32, #tpu.memory_space<vmem>>, %arg12: memref<128xi32, #tpu.memory_space<vmem>>, %arg13: memref<128x128xf32, #tpu.memory_space<vmem>>, %arg14: memref<128x768xf32, #tpu.memory_space<vmem>>, %arg15: memref<!tpu.dma_semaphore, #tpu.memory_space<semaphore_mem>>) attributes {dimension_semantics = [#tpu.dimension_semantics<core_parallel>, #tpu.dimension_semantics<subcore_parallel>], iteration_bounds = array<i64: 2, 16>, scalar_prefetch = 0 : i64, scratch_operands = 5 : i64, tpu.core_type = #tpu.core_type<sc_vector_subcore>, window_params = [{transform_indices = #map}, {transform_indices = #map}, {transform_indices = #map1}, {transform_indices = #map}, {transform_indices = #map}, {transform_indices = #map1}, {transform_indices = #map1}, {transform_indices = #map1}, {transform_indices = #map1}]} {
    %mul3A = arith.constant 2 : i32
    %mul3A_0 = arith.muli %arg1, %mul3A : i32
    %add3A = arith.addi %mul3A_0, %arg0 : i32
    %mul3A_1 = arith.constant 128 : i32
    %mul3A_2 = arith.muli %add3A, %mul3A_1 : i32
    "tpu.region"() ({
      %run_scoped3A = tpu.sem_alloc : memref<!tpu.dma_semaphore, #tpu.memory_space<semaphore_mem>>
      %dma_start3A_23 = tpu.memref_slice %arg2[%mul3A_2] : memref<4096xi32, #tpu.memory_space<hbm>> -> memref<128xi32, #tpu.memory_space<hbm>>
      %dma_start3A_24 = tpu.memref_slice %arg2[%mul3A_2] : memref<4096xi32, #tpu.memory_space<hbm>> -> memref<128xi32, #tpu.memory_space<hbm>>
      tpu.enqueue_dma source(%dma_start3A_24 : memref<128xi32, #tpu.memory_space<hbm>>) target(%arg11 : memref<128xi32, #tpu.memory_space<vmem>>) target_semaphore(%run_scoped3A : memref<!tpu.dma_semaphore, #tpu.memory_space<semaphore_mem>>)
      %dma_wait3A_25 = tpu.memref_slice %arg2[%mul3A_2] : memref<4096xi32, #tpu.memory_space<hbm>> -> memref<128xi32, #tpu.memory_space<hbm>>
      %dma_wait3A_26 = tpu.memref_slice %arg2[%mul3A_2] : memref<4096xi32, #tpu.memory_space<hbm>> -> memref<128xi32, #tpu.memory_space<hbm>>
      tpu.wait_dma2 semaphore(%run_scoped3A : memref<!tpu.dma_semaphore, #tpu.memory_space<semaphore_mem>>) src(%dma_wait3A_26 : memref<128xi32, #tpu.memory_space<hbm>>) dst(%arg11 : memref<128xi32, #tpu.memory_space<vmem>>)
      tpu.yield
    }) : () -> ()
    "tpu.region"() ({
      %run_scoped3A = tpu.sem_alloc : memref<!tpu.dma_semaphore, #tpu.memory_space<semaphore_mem>>
      %dma_start3A_23 = tpu.memref_slice %arg3[%mul3A_2] : memref<4096xi32, #tpu.memory_space<hbm>> -> memref<128xi32, #tpu.memory_space<hbm>>
      %dma_start3A_24 = tpu.memref_slice %arg3[%mul3A_2] : memref<4096xi32, #tpu.memory_space<hbm>> -> memref<128xi32, #tpu.memory_space<hbm>>
      tpu.enqueue_dma source(%dma_start3A_24 : memref<128xi32, #tpu.memory_space<hbm>>) target(%arg12 : memref<128xi32, #tpu.memory_space<vmem>>) target_semaphore(%run_scoped3A : memref<!tpu.dma_semaphore, #tpu.memory_space<semaphore_mem>>)
      %dma_wait3A_25 = tpu.memref_slice %arg3[%mul3A_2] : memref<4096xi32, #tpu.memory_space<hbm>> -> memref<128xi32, #tpu.memory_space<hbm>>
      %dma_wait3A_26 = tpu.memref_slice %arg3[%mul3A_2] : memref<4096xi32, #tpu.memory_space<hbm>> -> memref<128xi32, #tpu.memory_space<hbm>>
      tpu.wait_dma2 semaphore(%run_scoped3A : memref<!tpu.dma_semaphore, #tpu.memory_space<semaphore_mem>>) src(%dma_wait3A_26 : memref<128xi32, #tpu.memory_space<hbm>>) dst(%arg12 : memref<128xi32, #tpu.memory_space<vmem>>)
      tpu.yield
    }) : () -> ()
    %dma_start3A = arith.constant 0 : i32
    %dma_start3A_3 = arith.constant 0 : i32
    %dma_start3A_4 = tpu.memref_slice %arg7[%dma_start3A, %dma_start3A_3] : memref<2048x768xf32, #tpu.memory_space<hbm>> -> memref<2048x768xf32, #tpu.memory_space<hbm>>
    tpu.enqueue_indirect_dma source(%dma_start3A_4 : memref<2048x768xf32, #tpu.memory_space<hbm>>) target(%arg14 : memref<128x768xf32, #tpu.memory_space<vmem>>) offsets(%arg11 : memref<128xi32, #tpu.memory_space<vmem>>) semaphore(%arg15 : memref<!tpu.dma_semaphore, #tpu.memory_space<semaphore_mem>>)
    %dma_wait3A = arith.constant 0 : i32
    %dma_wait3A_5 = arith.constant 0 : i32
    %dma_wait3A_6 = tpu.memref_slice %arg7[%dma_wait3A, %dma_wait3A_5] : memref<2048x768xf32, #tpu.memory_space<hbm>> -> memref<2048x768xf32, #tpu.memory_space<hbm>>
    tpu.wait_indirect_dma semaphore(%arg15 : memref<!tpu.dma_semaphore, #tpu.memory_space<semaphore_mem>>) src(%dma_wait3A_6 : memref<2048x768xf32, #tpu.memory_space<hbm>>) dst(%arg14 : memref<128x768xf32, #tpu.memory_space<vmem>>)
    %dma_start3A_7 = arith.constant 0 : i32
    %dma_start3A_8 = arith.constant 0 : i32
    %dma_start3A_9 = tpu.memref_slice %arg8[%dma_start3A_7, %dma_start3A_8] : memref<16384x768xf32, #tpu.memory_space<hbm>> -> memref<16384x768xf32, #tpu.memory_space<hbm>>
    tpu.enqueue_indirect_dma source(%arg14 : memref<128x768xf32, #tpu.memory_space<vmem>>) target(%dma_start3A_9 : memref<16384x768xf32, #tpu.memory_space<hbm>>) offsets(%arg12 : memref<128xi32, #tpu.memory_space<vmem>>) semaphore(%arg15 : memref<!tpu.dma_semaphore, #tpu.memory_space<semaphore_mem>>)
    %dma_wait3A_10 = arith.constant 0 : i32
    %dma_wait3A_11 = arith.constant 0 : i32
    %dma_wait3A_12 = tpu.memref_slice %arg8[%dma_wait3A_10, %dma_wait3A_11] : memref<16384x768xf32, #tpu.memory_space<hbm>> -> memref<16384x768xf32, #tpu.memory_space<hbm>>
    tpu.wait_indirect_dma semaphore(%arg15 : memref<!tpu.dma_semaphore, #tpu.memory_space<semaphore_mem>>) src(%arg14 : memref<128x768xf32, #tpu.memory_space<vmem>>) dst(%dma_wait3A_12 : memref<16384x768xf32, #tpu.memory_space<hbm>>)
    %mul3A_13 = arith.constant 128 : i32
    %mul3A_14 = arith.muli %add3A, %mul3A_13 : i32
    "tpu.region"() ({
      %run_scoped3A = tpu.sem_alloc : memref<!tpu.dma_semaphore, #tpu.memory_space<semaphore_mem>>
      %dma_start3A_23 = arith.constant 0 : i32
      %dma_start3A_24 = tpu.memref_slice %arg4[%mul3A_14, %dma_start3A_23] : memref<4096x128xf32, #tpu.memory_space<hbm>> -> memref<128x128xf32, #tpu.memory_space<hbm>>
      %dma_start3A_25 = arith.constant 0 : i32
      %dma_start3A_26 = tpu.memref_slice %arg4[%mul3A_14, %dma_start3A_25] : memref<4096x128xf32, #tpu.memory_space<hbm>> -> memref<128x128xf32, #tpu.memory_space<hbm>>
      tpu.enqueue_dma source(%dma_start3A_26 : memref<128x128xf32, #tpu.memory_space<hbm>>) target(%arg13 : memref<128x128xf32, #tpu.memory_space<vmem>>) target_semaphore(%run_scoped3A : memref<!tpu.dma_semaphore, #tpu.memory_space<semaphore_mem>>)
      %dma_wait3A_27 = arith.constant 0 : i32
      %dma_wait3A_28 = tpu.memref_slice %arg4[%mul3A_14, %dma_wait3A_27] : memref<4096x128xf32, #tpu.memory_space<hbm>> -> memref<128x128xf32, #tpu.memory_space<hbm>>
      %dma_wait3A_29 = arith.constant 0 : i32
      %dma_wait3A_30 = tpu.memref_slice %arg4[%mul3A_14, %dma_wait3A_29] : memref<4096x128xf32, #tpu.memory_space<hbm>> -> memref<128x128xf32, #tpu.memory_space<hbm>>
      tpu.wait_dma2 semaphore(%run_scoped3A : memref<!tpu.dma_semaphore, #tpu.memory_space<semaphore_mem>>) src(%dma_wait3A_30 : memref<128x128xf32, #tpu.memory_space<hbm>>) dst(%arg13 : memref<128x128xf32, #tpu.memory_space<vmem>>)
      tpu.yield
    }) : () -> ()
    %dma_start3A_15 = arith.constant 0 : i32
    %dma_start3A_16 = arith.constant 0 : i32
    %dma_start3A_17 = tpu.memref_slice %arg9[%dma_start3A_15, %dma_start3A_16] : memref<16384x128xf32, #tpu.memory_space<hbm>> -> memref<16384x128xf32, #tpu.memory_space<hbm>>
    tpu.enqueue_indirect_dma source(%arg13 : memref<128x128xf32, #tpu.memory_space<vmem>>) target(%dma_start3A_17 : memref<16384x128xf32, #tpu.memory_space<hbm>>) offsets(%arg12 : memref<128xi32, #tpu.memory_space<vmem>>) semaphore(%arg15 : memref<!tpu.dma_semaphore, #tpu.memory_space<semaphore_mem>>)
    %dma_wait3A_18 = arith.constant 0 : i32
    %dma_wait3A_19 = arith.constant 0 : i32
    %dma_wait3A_20 = tpu.memref_slice %arg9[%dma_wait3A_18, %dma_wait3A_19] : memref<16384x128xf32, #tpu.memory_space<hbm>> -> memref<16384x128xf32, #tpu.memory_space<hbm>>
    tpu.wait_indirect_dma semaphore(%arg15 : memref<!tpu.dma_semaphore, #tpu.memory_space<semaphore_mem>>) src(%arg13 : memref<128x128xf32, #tpu.memory_space<vmem>>) dst(%dma_wait3A_20 : memref<16384x128xf32, #tpu.memory_space<hbm>>)
    %lt3A = arith.constant 16 : i32
    %lt3A_21 = arith.cmpi slt, %add3A, %lt3A : i32
    %convert_element_type3A = arith.extui %lt3A_21 : i1 to i32
    %cond3A = arith.constant 0 : i32
    %cond3A_22 = arith.cmpi ne, %convert_element_type3A, %cond3A : i32
    scf.if %cond3A_22 {
      %mul3A_23 = arith.constant 128 : i32
      %mul3A_24 = arith.muli %add3A, %mul3A_23 : i32
      "tpu.region"() ({
        %run_scoped3A = tpu.sem_alloc : memref<!tpu.dma_semaphore, #tpu.memory_space<semaphore_mem>>
        %dma_start3A_37 = tpu.memref_slice %arg5[%mul3A_24] : memref<2048xi32, #tpu.memory_space<hbm>> -> memref<128xi32, #tpu.memory_space<hbm>>
        %dma_start3A_38 = tpu.memref_slice %arg5[%mul3A_24] : memref<2048xi32, #tpu.memory_space<hbm>> -> memref<128xi32, #tpu.memory_space<hbm>>
        tpu.enqueue_dma source(%dma_start3A_38 : memref<128xi32, #tpu.memory_space<hbm>>) target(%arg11 : memref<128xi32, #tpu.memory_space<vmem>>) target_semaphore(%run_scoped3A : memref<!tpu.dma_semaphore, #tpu.memory_space<semaphore_mem>>)
        %dma_wait3A_39 = tpu.memref_slice %arg5[%mul3A_24] : memref<2048xi32, #tpu.memory_space<hbm>> -> memref<128xi32, #tpu.memory_space<hbm>>
        %dma_wait3A_40 = tpu.memref_slice %arg5[%mul3A_24] : memref<2048xi32, #tpu.memory_space<hbm>> -> memref<128xi32, #tpu.memory_space<hbm>>
        tpu.wait_dma2 semaphore(%run_scoped3A : memref<!tpu.dma_semaphore, #tpu.memory_space<semaphore_mem>>) src(%dma_wait3A_40 : memref<128xi32, #tpu.memory_space<hbm>>) dst(%arg11 : memref<128xi32, #tpu.memory_space<vmem>>)
        tpu.yield
      }) : () -> ()
      "tpu.region"() ({
        %run_scoped3A = tpu.sem_alloc : memref<!tpu.dma_semaphore, #tpu.memory_space<semaphore_mem>>
        %dma_start3A_37 = tpu.memref_slice %arg6[%mul3A_24] : memref<2048xi32, #tpu.memory_space<hbm>> -> memref<128xi32, #tpu.memory_space<hbm>>
        %dma_start3A_38 = tpu.memref_slice %arg6[%mul3A_24] : memref<2048xi32, #tpu.memory_space<hbm>> -> memref<128xi32, #tpu.memory_space<hbm>>
        tpu.enqueue_dma source(%dma_start3A_38 : memref<128xi32, #tpu.memory_space<hbm>>) target(%arg12 : memref<128xi32, #tpu.memory_space<vmem>>) target_semaphore(%run_scoped3A : memref<!tpu.dma_semaphore, #tpu.memory_space<semaphore_mem>>)
        %dma_wait3A_39 = tpu.memref_slice %arg6[%mul3A_24] : memref<2048xi32, #tpu.memory_space<hbm>> -> memref<128xi32, #tpu.memory_space<hbm>>
        %dma_wait3A_40 = tpu.memref_slice %arg6[%mul3A_24] : memref<2048xi32, #tpu.memory_space<hbm>> -> memref<128xi32, #tpu.memory_space<hbm>>
        tpu.wait_dma2 semaphore(%run_scoped3A : memref<!tpu.dma_semaphore, #tpu.memory_space<semaphore_mem>>) src(%dma_wait3A_40 : memref<128xi32, #tpu.memory_space<hbm>>) dst(%arg12 : memref<128xi32, #tpu.memory_space<vmem>>)
        tpu.yield
      }) : () -> ()
      %dma_start3A_25 = arith.constant 0 : i32
      %dma_start3A_26 = arith.constant 0 : i32
      %dma_start3A_27 = tpu.memref_slice %arg7[%dma_start3A_25, %dma_start3A_26] : memref<2048x768xf32, #tpu.memory_space<hbm>> -> memref<2048x768xf32, #tpu.memory_space<hbm>>
      tpu.enqueue_indirect_dma source(%dma_start3A_27 : memref<2048x768xf32, #tpu.memory_space<hbm>>) target(%arg14 : memref<128x768xf32, #tpu.memory_space<vmem>>) offsets(%arg11 : memref<128xi32, #tpu.memory_space<vmem>>) semaphore(%arg15 : memref<!tpu.dma_semaphore, #tpu.memory_space<semaphore_mem>>)
      %dma_wait3A_28 = arith.constant 0 : i32
      %dma_wait3A_29 = arith.constant 0 : i32
      %dma_wait3A_30 = tpu.memref_slice %arg7[%dma_wait3A_28, %dma_wait3A_29] : memref<2048x768xf32, #tpu.memory_space<hbm>> -> memref<2048x768xf32, #tpu.memory_space<hbm>>
      tpu.wait_indirect_dma semaphore(%arg15 : memref<!tpu.dma_semaphore, #tpu.memory_space<semaphore_mem>>) src(%dma_wait3A_30 : memref<2048x768xf32, #tpu.memory_space<hbm>>) dst(%arg14 : memref<128x768xf32, #tpu.memory_space<vmem>>)
      %dma_start3A_31 = arith.constant 0 : i32
      %dma_start3A_32 = arith.constant 0 : i32
      %dma_start3A_33 = tpu.memref_slice %arg10[%dma_start3A_31, %dma_start3A_32] : memref<8192x768xf32, #tpu.memory_space<hbm>> -> memref<8192x768xf32, #tpu.memory_space<hbm>>
      tpu.enqueue_indirect_dma source(%arg14 : memref<128x768xf32, #tpu.memory_space<vmem>>) target(%dma_start3A_33 : memref<8192x768xf32, #tpu.memory_space<hbm>>) offsets(%arg12 : memref<128xi32, #tpu.memory_space<vmem>>) semaphore(%arg15 : memref<!tpu.dma_semaphore, #tpu.memory_space<semaphore_mem>>)
      %dma_wait3A_34 = arith.constant 0 : i32
      %dma_wait3A_35 = arith.constant 0 : i32
      %dma_wait3A_36 = tpu.memref_slice %arg10[%dma_wait3A_34, %dma_wait3A_35] : memref<8192x768xf32, #tpu.memory_space<hbm>> -> memref<8192x768xf32, #tpu.memory_space<hbm>>
      tpu.wait_indirect_dma semaphore(%arg15 : memref<!tpu.dma_semaphore, #tpu.memory_space<semaphore_mem>>) src(%arg14 : memref<128x768xf32, #tpu.memory_space<vmem>>) dst(%dma_wait3A_36 : memref<8192x768xf32, #tpu.memory_space<hbm>>)
    } else {
    }
    return
  }
}

#map = affine_map<(d0, d1) -> (0)>
#map1 = affine_map<(d0, d1) -> (0, 0)>
module attributes {stable_mosaic.version = 14 : i64} {
  func.func @_sc_combine_body(%arg0: i32, %arg1: i32, %arg2: memref<4096xi32, #tpu.memory_space<hbm>>, %arg3: memref<2048xi32, #tpu.memory_space<hbm>>, %arg4: memref<16384x768xf32, #tpu.memory_space<hbm>>, %arg5: memref<8192x768xf32, #tpu.memory_space<hbm>>, %arg6: memref<2048x768xf32, #tpu.memory_space<hbm>>, %arg7: memref<2048x768xf32, #tpu.memory_space<hbm>>, %arg8: memref<2048x768xf32, #tpu.memory_space<hbm>>, %arg9: memref<64xi32, #tpu.memory_space<vmem>>, %arg10: memref<64x768xf32, #tpu.memory_space<vmem>>, %arg11: memref<!tpu.dma_semaphore, #tpu.memory_space<semaphore_mem>>) attributes {dimension_semantics = [#tpu.dimension_semantics<core_parallel>, #tpu.dimension_semantics<subcore_parallel>], iteration_bounds = array<i64: 2, 16>, scalar_prefetch = 0 : i64, scratch_operands = 3 : i64, tpu.core_type = #tpu.core_type<sc_vector_subcore>, window_params = [{transform_indices = #map}, {transform_indices = #map}, {transform_indices = #map1}, {transform_indices = #map1}, {transform_indices = #map1}, {transform_indices = #map1}, {transform_indices = #map1}]} {
    %mul3A = arith.constant 2 : i32
    %mul3A_0 = arith.muli %arg1, %mul3A : i32
    %add3A = arith.addi %mul3A_0, %arg0 : i32
    %mul3A_1 = arith.constant 64 : i32
    %mul3A_2 = arith.muli %add3A, %mul3A_1 : i32
    %add3A_3 = arith.constant 0 : i32
    %add3A_4 = arith.addi %add3A_3, %mul3A_2 : i32
    "tpu.region"() ({
      %run_scoped3A = tpu.sem_alloc : memref<!tpu.dma_semaphore, #tpu.memory_space<semaphore_mem>>
      %dma_start3A_25 = tpu.memref_slice %arg2[%add3A_4] : memref<4096xi32, #tpu.memory_space<hbm>> -> memref<64xi32, #tpu.memory_space<hbm>>
      %dma_start3A_26 = tpu.memref_slice %arg2[%add3A_4] : memref<4096xi32, #tpu.memory_space<hbm>> -> memref<64xi32, #tpu.memory_space<hbm>>
      tpu.enqueue_dma source(%dma_start3A_26 : memref<64xi32, #tpu.memory_space<hbm>>) target(%arg9 : memref<64xi32, #tpu.memory_space<vmem>>) target_semaphore(%run_scoped3A : memref<!tpu.dma_semaphore, #tpu.memory_space<semaphore_mem>>)
      %dma_wait3A_27 = tpu.memref_slice %arg2[%add3A_4] : memref<4096xi32, #tpu.memory_space<hbm>> -> memref<64xi32, #tpu.memory_space<hbm>>
      %dma_wait3A_28 = tpu.memref_slice %arg2[%add3A_4] : memref<4096xi32, #tpu.memory_space<hbm>> -> memref<64xi32, #tpu.memory_space<hbm>>
      tpu.wait_dma2 semaphore(%run_scoped3A : memref<!tpu.dma_semaphore, #tpu.memory_space<semaphore_mem>>) src(%dma_wait3A_28 : memref<64xi32, #tpu.memory_space<hbm>>) dst(%arg9 : memref<64xi32, #tpu.memory_space<vmem>>)
      tpu.yield
    }) : () -> ()
    %dma_start3A = arith.constant 0 : i32
    %dma_start3A_5 = arith.constant 0 : i32
    %dma_start3A_6 = tpu.memref_slice %arg4[%dma_start3A, %dma_start3A_5] : memref<16384x768xf32, #tpu.memory_space<hbm>> -> memref<16384x768xf32, #tpu.memory_space<hbm>>
    tpu.enqueue_indirect_dma source(%dma_start3A_6 : memref<16384x768xf32, #tpu.memory_space<hbm>>) target(%arg10 : memref<64x768xf32, #tpu.memory_space<vmem>>) offsets(%arg9 : memref<64xi32, #tpu.memory_space<vmem>>) semaphore(%arg11 : memref<!tpu.dma_semaphore, #tpu.memory_space<semaphore_mem>>)
    %dma_wait3A = arith.constant 0 : i32
    %dma_wait3A_7 = arith.constant 0 : i32
    %dma_wait3A_8 = tpu.memref_slice %arg4[%dma_wait3A, %dma_wait3A_7] : memref<16384x768xf32, #tpu.memory_space<hbm>> -> memref<16384x768xf32, #tpu.memory_space<hbm>>
    tpu.wait_indirect_dma semaphore(%arg11 : memref<!tpu.dma_semaphore, #tpu.memory_space<semaphore_mem>>) src(%dma_wait3A_8 : memref<16384x768xf32, #tpu.memory_space<hbm>>) dst(%arg10 : memref<64x768xf32, #tpu.memory_space<vmem>>)
    "tpu.region"() ({
      %run_scoped3A = tpu.sem_alloc : memref<!tpu.dma_semaphore, #tpu.memory_space<semaphore_mem>>
      %dma_start3A_25 = arith.constant 0 : i32
      %dma_start3A_26 = tpu.memref_slice %arg6[%mul3A_2, %dma_start3A_25] : memref<2048x768xf32, #tpu.memory_space<hbm>> -> memref<64x768xf32, #tpu.memory_space<hbm>>
      %dma_start3A_27 = arith.constant 0 : i32
      %dma_start3A_28 = tpu.memref_slice %arg6[%mul3A_2, %dma_start3A_27] : memref<2048x768xf32, #tpu.memory_space<hbm>> -> memref<64x768xf32, #tpu.memory_space<hbm>>
      tpu.enqueue_dma source(%arg10 : memref<64x768xf32, #tpu.memory_space<vmem>>) target(%dma_start3A_28 : memref<64x768xf32, #tpu.memory_space<hbm>>) target_semaphore(%run_scoped3A : memref<!tpu.dma_semaphore, #tpu.memory_space<semaphore_mem>>)
      %dma_wait3A_29 = arith.constant 0 : i32
      %dma_wait3A_30 = tpu.memref_slice %arg6[%mul3A_2, %dma_wait3A_29] : memref<2048x768xf32, #tpu.memory_space<hbm>> -> memref<64x768xf32, #tpu.memory_space<hbm>>
      %dma_wait3A_31 = arith.constant 0 : i32
      %dma_wait3A_32 = tpu.memref_slice %arg6[%mul3A_2, %dma_wait3A_31] : memref<2048x768xf32, #tpu.memory_space<hbm>> -> memref<64x768xf32, #tpu.memory_space<hbm>>
      tpu.wait_dma2 semaphore(%run_scoped3A : memref<!tpu.dma_semaphore, #tpu.memory_space<semaphore_mem>>) src(%arg10 : memref<64x768xf32, #tpu.memory_space<vmem>>) dst(%dma_wait3A_32 : memref<64x768xf32, #tpu.memory_space<hbm>>)
      tpu.yield
    }) : () -> ()
    %add3A_9 = arith.constant 2048 : i32
    %add3A_10 = arith.addi %add3A_9, %mul3A_2 : i32
    "tpu.region"() ({
      %run_scoped3A = tpu.sem_alloc : memref<!tpu.dma_semaphore, #tpu.memory_space<semaphore_mem>>
      %dma_start3A_25 = tpu.memref_slice %arg2[%add3A_10] : memref<4096xi32, #tpu.memory_space<hbm>> -> memref<64xi32, #tpu.memory_space<hbm>>
      %dma_start3A_26 = tpu.memref_slice %arg2[%add3A_10] : memref<4096xi32, #tpu.memory_space<hbm>> -> memref<64xi32, #tpu.memory_space<hbm>>
      tpu.enqueue_dma source(%dma_start3A_26 : memref<64xi32, #tpu.memory_space<hbm>>) target(%arg9 : memref<64xi32, #tpu.memory_space<vmem>>) target_semaphore(%run_scoped3A : memref<!tpu.dma_semaphore, #tpu.memory_space<semaphore_mem>>)
      %dma_wait3A_27 = tpu.memref_slice %arg2[%add3A_10] : memref<4096xi32, #tpu.memory_space<hbm>> -> memref<64xi32, #tpu.memory_space<hbm>>
      %dma_wait3A_28 = tpu.memref_slice %arg2[%add3A_10] : memref<4096xi32, #tpu.memory_space<hbm>> -> memref<64xi32, #tpu.memory_space<hbm>>
      tpu.wait_dma2 semaphore(%run_scoped3A : memref<!tpu.dma_semaphore, #tpu.memory_space<semaphore_mem>>) src(%dma_wait3A_28 : memref<64xi32, #tpu.memory_space<hbm>>) dst(%arg9 : memref<64xi32, #tpu.memory_space<vmem>>)
      tpu.yield
    }) : () -> ()
    %dma_start3A_11 = arith.constant 0 : i32
    %dma_start3A_12 = arith.constant 0 : i32
    %dma_start3A_13 = tpu.memref_slice %arg4[%dma_start3A_11, %dma_start3A_12] : memref<16384x768xf32, #tpu.memory_space<hbm>> -> memref<16384x768xf32, #tpu.memory_space<hbm>>
    tpu.enqueue_indirect_dma source(%dma_start3A_13 : memref<16384x768xf32, #tpu.memory_space<hbm>>) target(%arg10 : memref<64x768xf32, #tpu.memory_space<vmem>>) offsets(%arg9 : memref<64xi32, #tpu.memory_space<vmem>>) semaphore(%arg11 : memref<!tpu.dma_semaphore, #tpu.memory_space<semaphore_mem>>)
    %dma_wait3A_14 = arith.constant 0 : i32
    %dma_wait3A_15 = arith.constant 0 : i32
    %dma_wait3A_16 = tpu.memref_slice %arg4[%dma_wait3A_14, %dma_wait3A_15] : memref<16384x768xf32, #tpu.memory_space<hbm>> -> memref<16384x768xf32, #tpu.memory_space<hbm>>
    tpu.wait_indirect_dma semaphore(%arg11 : memref<!tpu.dma_semaphore, #tpu.memory_space<semaphore_mem>>) src(%dma_wait3A_16 : memref<16384x768xf32, #tpu.memory_space<hbm>>) dst(%arg10 : memref<64x768xf32, #tpu.memory_space<vmem>>)
    "tpu.region"() ({
      %run_scoped3A = tpu.sem_alloc : memref<!tpu.dma_semaphore, #tpu.memory_space<semaphore_mem>>
      %dma_start3A_25 = arith.constant 0 : i32
      %dma_start3A_26 = tpu.memref_slice %arg7[%mul3A_2, %dma_start3A_25] : memref<2048x768xf32, #tpu.memory_space<hbm>> -> memref<64x768xf32, #tpu.memory_space<hbm>>
      %dma_start3A_27 = arith.constant 0 : i32
      %dma_start3A_28 = tpu.memref_slice %arg7[%mul3A_2, %dma_start3A_27] : memref<2048x768xf32, #tpu.memory_space<hbm>> -> memref<64x768xf32, #tpu.memory_space<hbm>>
      tpu.enqueue_dma source(%arg10 : memref<64x768xf32, #tpu.memory_space<vmem>>) target(%dma_start3A_28 : memref<64x768xf32, #tpu.memory_space<hbm>>) target_semaphore(%run_scoped3A : memref<!tpu.dma_semaphore, #tpu.memory_space<semaphore_mem>>)
      %dma_wait3A_29 = arith.constant 0 : i32
      %dma_wait3A_30 = tpu.memref_slice %arg7[%mul3A_2, %dma_wait3A_29] : memref<2048x768xf32, #tpu.memory_space<hbm>> -> memref<64x768xf32, #tpu.memory_space<hbm>>
      %dma_wait3A_31 = arith.constant 0 : i32
      %dma_wait3A_32 = tpu.memref_slice %arg7[%mul3A_2, %dma_wait3A_31] : memref<2048x768xf32, #tpu.memory_space<hbm>> -> memref<64x768xf32, #tpu.memory_space<hbm>>
      tpu.wait_dma2 semaphore(%run_scoped3A : memref<!tpu.dma_semaphore, #tpu.memory_space<semaphore_mem>>) src(%arg10 : memref<64x768xf32, #tpu.memory_space<vmem>>) dst(%dma_wait3A_32 : memref<64x768xf32, #tpu.memory_space<hbm>>)
      tpu.yield
    }) : () -> ()
    %add3A_17 = arith.constant 0 : i32
    %add3A_18 = arith.addi %add3A_17, %mul3A_2 : i32
    "tpu.region"() ({
      %run_scoped3A = tpu.sem_alloc : memref<!tpu.dma_semaphore, #tpu.memory_space<semaphore_mem>>
      %dma_start3A_25 = tpu.memref_slice %arg3[%add3A_18] : memref<2048xi32, #tpu.memory_space<hbm>> -> memref<64xi32, #tpu.memory_space<hbm>>
      %dma_start3A_26 = tpu.memref_slice %arg3[%add3A_18] : memref<2048xi32, #tpu.memory_space<hbm>> -> memref<64xi32, #tpu.memory_space<hbm>>
      tpu.enqueue_dma source(%dma_start3A_26 : memref<64xi32, #tpu.memory_space<hbm>>) target(%arg9 : memref<64xi32, #tpu.memory_space<vmem>>) target_semaphore(%run_scoped3A : memref<!tpu.dma_semaphore, #tpu.memory_space<semaphore_mem>>)
      %dma_wait3A_27 = tpu.memref_slice %arg3[%add3A_18] : memref<2048xi32, #tpu.memory_space<hbm>> -> memref<64xi32, #tpu.memory_space<hbm>>
      %dma_wait3A_28 = tpu.memref_slice %arg3[%add3A_18] : memref<2048xi32, #tpu.memory_space<hbm>> -> memref<64xi32, #tpu.memory_space<hbm>>
      tpu.wait_dma2 semaphore(%run_scoped3A : memref<!tpu.dma_semaphore, #tpu.memory_space<semaphore_mem>>) src(%dma_wait3A_28 : memref<64xi32, #tpu.memory_space<hbm>>) dst(%arg9 : memref<64xi32, #tpu.memory_space<vmem>>)
      tpu.yield
    }) : () -> ()
    %dma_start3A_19 = arith.constant 0 : i32
    %dma_start3A_20 = arith.constant 0 : i32
    %dma_start3A_21 = tpu.memref_slice %arg5[%dma_start3A_19, %dma_start3A_20] : memref<8192x768xf32, #tpu.memory_space<hbm>> -> memref<8192x768xf32, #tpu.memory_space<hbm>>
    tpu.enqueue_indirect_dma source(%dma_start3A_21 : memref<8192x768xf32, #tpu.memory_space<hbm>>) target(%arg10 : memref<64x768xf32, #tpu.memory_space<vmem>>) offsets(%arg9 : memref<64xi32, #tpu.memory_space<vmem>>) semaphore(%arg11 : memref<!tpu.dma_semaphore, #tpu.memory_space<semaphore_mem>>)
    %dma_wait3A_22 = arith.constant 0 : i32
    %dma_wait3A_23 = arith.constant 0 : i32
    %dma_wait3A_24 = tpu.memref_slice %arg5[%dma_wait3A_22, %dma_wait3A_23] : memref<8192x768xf32, #tpu.memory_space<hbm>> -> memref<8192x768xf32, #tpu.memory_space<hbm>>
    tpu.wait_indirect_dma semaphore(%arg11 : memref<!tpu.dma_semaphore, #tpu.memory_space<semaphore_mem>>) src(%dma_wait3A_24 : memref<8192x768xf32, #tpu.memory_space<hbm>>) dst(%arg10 : memref<64x768xf32, #tpu.memory_space<vmem>>)
    "tpu.region"() ({
      %run_scoped3A = tpu.sem_alloc : memref<!tpu.dma_semaphore, #tpu.memory_space<semaphore_mem>>
      %dma_start3A_25 = arith.constant 0 : i32
      %dma_start3A_26 = tpu.memref_slice %arg8[%mul3A_2, %dma_start3A_25] : memref<2048x768xf32, #tpu.memory_space<hbm>> -> memref<64x768xf32, #tpu.memory_space<hbm>>
      %dma_start3A_27 = arith.constant 0 : i32
      %dma_start3A_28 = tpu.memref_slice %arg8[%mul3A_2, %dma_start3A_27] : memref<2048x768xf32, #tpu.memory_space<hbm>> -> memref<64x768xf32, #tpu.memory_space<hbm>>
      tpu.enqueue_dma source(%arg10 : memref<64x768xf32, #tpu.memory_space<vmem>>) target(%dma_start3A_28 : memref<64x768xf32, #tpu.memory_space<hbm>>) target_semaphore(%run_scoped3A : memref<!tpu.dma_semaphore, #tpu.memory_space<semaphore_mem>>)
      %dma_wait3A_29 = arith.constant 0 : i32
      %dma_wait3A_30 = tpu.memref_slice %arg8[%mul3A_2, %dma_wait3A_29] : memref<2048x768xf32, #tpu.memory_space<hbm>> -> memref<64x768xf32, #tpu.memory_space<hbm>>
      %dma_wait3A_31 = arith.constant 0 : i32
      %dma_wait3A_32 = tpu.memref_slice %arg8[%mul3A_2, %dma_wait3A_31] : memref<2048x768xf32, #tpu.memory_space<hbm>> -> memref<64x768xf32, #tpu.memory_space<hbm>>
      tpu.wait_dma2 semaphore(%run_scoped3A : memref<!tpu.dma_semaphore, #tpu.memory_space<semaphore_mem>>) src(%arg10 : memref<64x768xf32, #tpu.memory_space<vmem>>) dst(%dma_wait3A_32 : memref<64x768xf32, #tpu.memory_space<hbm>>)
      tpu.yield
    }) : () -> ()
    return
  }
}

module attributes {stable_mosaic.version = 14 : i64} {
  func.func @_router_kernel(%arg0: i32, %arg1: memref<2048x768xf32, #tpu.memory_space<vmem>>, %arg2: memref<2048x1xi32, #tpu.memory_space<vmem>>, %arg3: memref<8x768xf32, #tpu.memory_space<vmem>>, %arg4: memref<8xf32, #tpu.memory_space<vmem>>, %arg5: memref<2048x8xf32, #tpu.memory_space<vmem>>, %arg6: memref<2048x2xi32, #tpu.memory_space<vmem>>, %arg7: memref<2048x2xf32, #tpu.memory_space<vmem>>, %arg8: memref<1x264xi32, #tpu.memory_space<vmem>>, %arg9: memref<1x264xi32, #tpu.memory_space<vmem>>, %arg10: memref<1x1xi32, #tpu.memory_space<vmem>>, %arg11: memref<1x20xi32, #tpu.memory_space<vmem>>, %arg12: memref<1x20xi32, #tpu.memory_space<vmem>>, %arg13: memref<1x1xi32, #tpu.memory_space<vmem>>, %arg14: memref<4096x1xi32, #tpu.memory_space<vmem>>, %arg15: memref<4096x128xf32, #tpu.memory_space<vmem>>, %arg16: memref<2048x1xi32, #tpu.memory_space<vmem>>) attributes {dimension_semantics = [#tpu.dimension_semantics<arbitrary>], iteration_bounds = array<i64: 1>, scalar_prefetch = 0 : i64, scratch_operands = 0 : i64, tpu.core_type = #tpu.core_type<tc>, window_params = [{pipeline_mode = #tpu.pipeline_mode<synchronous>, transform_indices = @transform_0, window_bounds = array<i64: 2048, 768>}, {pipeline_mode = #tpu.pipeline_mode<synchronous>, transform_indices = @transform_1, window_bounds = array<i64: 2048, 1>}, {pipeline_mode = #tpu.pipeline_mode<synchronous>, transform_indices = @transform_2, window_bounds = array<i64: 8, 768>}, {pipeline_mode = #tpu.pipeline_mode<synchronous>, transform_indices = @transform_3, window_bounds = array<i64: 8>}, {pipeline_mode = #tpu.pipeline_mode<synchronous>, transform_indices = @transform_4, window_bounds = array<i64: 2048, 8>}, {pipeline_mode = #tpu.pipeline_mode<synchronous>, transform_indices = @transform_5, window_bounds = array<i64: 2048, 2>}, {pipeline_mode = #tpu.pipeline_mode<synchronous>, transform_indices = @transform_6, window_bounds = array<i64: 2048, 2>}, {pipeline_mode = #tpu.pipeline_mode<synchronous>, transform_indices = @transform_7, window_bounds = array<i64: 1, 264>}, {pipeline_mode = #tpu.pipeline_mode<synchronous>, transform_indices = @transform_8, window_bounds = array<i64: 1, 264>}, {pipeline_mode = #tpu.pipeline_mode<synchronous>, transform_indices = @transform_9, window_bounds = array<i64: 1, 1>}, {pipeline_mode = #tpu.pipeline_mode<synchronous>, transform_indices = @transform_10, window_bounds = array<i64: 1, 20>}, {pipeline_mode = #tpu.pipeline_mode<synchronous>, transform_indices = @transform_11, window_bounds = array<i64: 1, 20>}, {pipeline_mode = #tpu.pipeline_mode<synchronous>, transform_indices = @transform_12, window_bounds = array<i64: 1, 1>}, {pipeline_mode = #tpu.pipeline_mode<synchronous>, transform_indices = @transform_13, window_bounds = array<i64: 4096, 1>}, {pipeline_mode = #tpu.pipeline_mode<synchronous>, transform_indices = @transform_14, window_bounds = array<i64: 4096, 128>}, {pipeline_mode = #tpu.pipeline_mode<synchronous>, transform_indices = @transform_15, window_bounds = array<i64: 2048, 1>}]} {
    %get3A = arith.constant 0 : index
    %get3A_0 = arith.constant 0 : index
    %get3A_1 = vector.load %arg1[%get3A, %get3A_0] : memref<2048x768xf32, #tpu.memory_space<vmem>>, vector<2048x768xf32>
    %get3A_2 = arith.constant 0 : index
    %get3A_3 = arith.constant 0 : index
    %get3A_4 = vector.load %arg3[%get3A_2, %get3A_3] : memref<8x768xf32, #tpu.memory_space<vmem>>, vector<8x768xf32>
    %dot_general3A = arith.constant dense<0.000000e+00> : vector<2048x8xf32>
    %dot_general3A_5 = tpu.matmul %get3A_1, %get3A_4, %dot_general3A {dimension_numbers = #tpu.dot_dimension_numbers<[1], [1], [0], [0], [0, 0, 1, 0], [], []>, transpose_lhs_hint = false} : vector<2048x768xf32>, vector<8x768xf32>, vector<2048x8xf32> -> vector<2048x8xf32>
    %get3A_6 = arith.constant 0 : index
    %get3A_7 = vector.load %arg4[%get3A_6] : memref<8xf32, #tpu.memory_space<vmem>>, vector<8xf32>
    %broadcast_in_dim3A = vector.shape_cast %get3A_7 : vector<8xf32> to vector<1x8xf32>
    %add3A = vector.broadcast %broadcast_in_dim3A : vector<1x8xf32> to vector<2048x8xf32>
    %add3A_8 = arith.addf %dot_general3A_5, %add3A : vector<2048x8xf32>
    %swap3A = arith.constant 0 : index
    %swap3A_9 = arith.constant 0 : index
    %swap3A_10 = vector.load %arg5[%swap3A, %swap3A_9] : memref<2048x8xf32, #tpu.memory_space<vmem>>, vector<2048x8xf32>
    tpu.vector_store %arg5[%swap3A, %swap3A_9], %add3A_8 {strides = array<i32>} : memref<2048x8xf32, #tpu.memory_space<vmem>>, vector<2048x8xf32>,
    %reduce_max3A = arith.constant dense<0xFF800000> : vector<2048xf32>
    %reduce_max3A_11 = vector.multi_reduction <maximumf>, %add3A_8, %reduce_max3A [1] : vector<2048x8xf32> to vector<2048xf32>
    %broadcast_in_dim3A_12 = vector.shape_cast %reduce_max3A_11 : vector<2048xf32> to vector<2048x1xf32>
    %sub3A = vector.broadcast %broadcast_in_dim3A_12 : vector<2048x1xf32> to vector<2048x8xf32>
    %sub3A_13 = arith.subf %add3A_8, %sub3A : vector<2048x8xf32>
    %exp3A = math.exp %sub3A_13 : vector<2048x8xf32>
    %reduce_sum3A = arith.constant dense<0.000000e+00> : vector<2048xf32>
    %reduce_sum3A_14 = vector.multi_reduction <add>, %exp3A, %reduce_sum3A [1] : vector<2048x8xf32> to vector<2048xf32>
    %broadcast_in_dim3A_15 = vector.shape_cast %reduce_sum3A_14 : vector<2048xf32> to vector<2048x1xf32>
    %div3A = vector.broadcast %broadcast_in_dim3A_15 : vector<2048x1xf32> to vector<2048x8xf32>
    %div3A_16 = arith.divf %exp3A, %div3A : vector<2048x8xf32>
    %iota3A = tpu.iota {dimensions = array<i32: 1>} : vector<2048x8xi32>
    %reduce_max3A_17 = arith.constant dense<0xFF800000> : vector<2048xf32>
    %reduce_max3A_18 = vector.multi_reduction <maximumf>, %div3A_16, %reduce_max3A_17 [1] : vector<2048x8xf32> to vector<2048xf32>
    %broadcast_in_dim3A_19 = vector.shape_cast %reduce_max3A_18 : vector<2048xf32> to vector<2048x1xf32>
    %eq3A = vector.broadcast %broadcast_in_dim3A_19 : vector<2048x1xf32> to vector<2048x8xf32>
    %eq3A_20 = arith.cmpf oeq, %div3A_16, %eq3A : vector<2048x8xf32>
    %jit3A = arith.constant 8 : i32
    %broadcast_in_dim3A_21 = vector.broadcast %jit3A : i32 to vector<2048x8xi32>
    %select_n3A = arith.select %eq3A_20, %iota3A, %broadcast_in_dim3A_21 : vector<2048x8xi1>, vector<2048x8xi32>
    %reduce_min3A = arith.constant dense<2147483647> : vector<2048xi32>
    %reduce_min3A_22 = vector.multi_reduction <minsi>, %select_n3A, %reduce_min3A [1] : vector<2048x8xi32> to vector<2048xi32>
    %broadcast_in_dim3A_23 = vector.shape_cast %reduce_min3A_22 : vector<2048xi32> to vector<2048x1xi32>
    %eq3A_24 = vector.broadcast %broadcast_in_dim3A_23 : vector<2048x1xi32> to vector<2048x8xi32>
    %eq3A_25 = arith.cmpi eq, %iota3A, %eq3A_24 : vector<2048x8xi32>
    %jit3A_26 = arith.constant 0xFF800000 : f32
    %broadcast_in_dim3A_27 = vector.broadcast %jit3A_26 : f32 to vector<2048x8xf32>
    %select_n3A_28 = arith.select %eq3A_25, %broadcast_in_dim3A_27, %div3A_16 : vector<2048x8xi1>, vector<2048x8xf32>
    %reduce_max3A_29 = arith.constant dense<0xFF800000> : vector<2048xf32>
    %reduce_max3A_30 = vector.multi_reduction <maximumf>, %select_n3A_28, %reduce_max3A_29 [1] : vector<2048x8xf32> to vector<2048xf32>
    %broadcast_in_dim3A_31 = vector.shape_cast %reduce_max3A_30 : vector<2048xf32> to vector<2048x1xf32>
    %eq3A_32 = vector.broadcast %broadcast_in_dim3A_31 : vector<2048x1xf32> to vector<2048x8xf32>
    %eq3A_33 = arith.cmpf oeq, %select_n3A_28, %eq3A_32 : vector<2048x8xf32>
    %jit3A_34 = arith.constant 8 : i32
    %broadcast_in_dim3A_35 = vector.broadcast %jit3A_34 : i32 to vector<2048x8xi32>
    %select_n3A_36 = arith.select %eq3A_33, %iota3A, %broadcast_in_dim3A_35 : vector<2048x8xi1>, vector<2048x8xi32>
    %reduce_min3A_37 = arith.constant dense<2147483647> : vector<2048xi32>
    %reduce_min3A_38 = vector.multi_reduction <minsi>, %select_n3A_36, %reduce_min3A_37 [1] : vector<2048x8xi32> to vector<2048xi32>
    %broadcast_in_dim3A_39 = vector.shape_cast %reduce_min3A_38 : vector<2048xi32> to vector<2048x1xi32>
    %concatenate3A = tpu.concatenate %broadcast_in_dim3A_23, %broadcast_in_dim3A_39 in 1 : vector<2048x1xi32>, vector<2048x1xi32> -> vector<2048x2xi32>
    %swap3A_40 = arith.constant 0 : index
    %swap3A_41 = arith.constant 0 : index
    %swap3A_42 = vector.load %arg6[%swap3A_40, %swap3A_41] : memref<2048x2xi32, #tpu.memory_space<vmem>>, vector<2048x2xi32>
    tpu.vector_store %arg6[%swap3A_40, %swap3A_41], %concatenate3A {strides = array<i32>} : memref<2048x2xi32, #tpu.memory_space<vmem>>, vector<2048x2xi32>,
    %concatenate3A_43 = tpu.concatenate %broadcast_in_dim3A_19, %broadcast_in_dim3A_31 in 1 : vector<2048x1xf32>, vector<2048x1xf32> -> vector<2048x2xf32>
    %swap3A_44 = arith.constant 0 : index
    %swap3A_45 = arith.constant 0 : index
    %swap3A_46 = vector.load %arg7[%swap3A_44, %swap3A_45] : memref<2048x2xf32, #tpu.memory_space<vmem>>, vector<2048x2xf32>
    tpu.vector_store %arg7[%swap3A_44, %swap3A_45], %concatenate3A_43 {strides = array<i32>} : memref<2048x2xf32, #tpu.memory_space<vmem>>, vector<2048x2xf32>,
    %eq3A_47 = vector.broadcast %broadcast_in_dim3A_23 : vector<2048x1xi32> to vector<2048x8xi32>
    %eq3A_48 = arith.cmpi eq, %iota3A, %eq3A_47 : vector<2048x8xi32>
    %convert_element_type3A = arith.extui %eq3A_48 : vector<2048x8xi1> to vector<2048x8xi32>
    %convert_element_type3A_49 = arith.sitofp %convert_element_type3A : vector<2048x8xi32> to vector<2048x8xf32>
    %eq3A_50 = vector.broadcast %broadcast_in_dim3A_39 : vector<2048x1xi32> to vector<2048x8xi32>
    %eq3A_51 = arith.cmpi eq, %iota3A, %eq3A_50 : vector<2048x8xi32>
    %convert_element_type3A_52 = arith.extui %eq3A_51 : vector<2048x8xi1> to vector<2048x8xi32>
    %convert_element_type3A_53 = arith.sitofp %convert_element_type3A_52 : vector<2048x8xi32> to vector<2048x8xf32>
    %concatenate3A_54 = tpu.concatenate %convert_element_type3A_49, %convert_element_type3A_53 in 0 : vector<2048x8xf32>, vector<2048x8xf32> -> vector<4096x8xf32>
    %iota3A_55 = tpu.iota {dimensions = array<i32: 0>} : vector<512x512xi32>
    %iota3A_56 = tpu.iota {dimensions = array<i32: 1>} : vector<512x512xi32>
    %lt3A = arith.cmpi slt, %iota3A_56, %iota3A_55 : vector<512x512xi32>
    %convert_element_type3A_57 = arith.extui %lt3A : vector<512x512xi1> to vector<512x512xi32>
    %convert_element_type3A_58 = arith.sitofp %convert_element_type3A_57 : vector<512x512xi32> to vector<512x512xf32>
    %broadcast_in_dim3A_59 = arith.constant 0.000000e+00 : f32
    %broadcast_in_dim3A_60 = vector.broadcast %broadcast_in_dim3A_59 : f32 to vector<1x8xf32>
    %slice3A = vector.extract_strided_slice %concatenate3A_54 {offsets = [0, 0], sizes = [512, 8], strides = [1, 1]} : vector<4096x8xf32> to vector<512x8xf32>
    %dot_general3A_61 = arith.constant dense<0.000000e+00> : vector<512x8xf32>
    %dot_general3A_62 = tpu.matmul %convert_element_type3A_58, %slice3A, %dot_general3A_61 {dimension_numbers = #tpu.dot_dimension_numbers<[1], [0], [0], [1], [0, 0, 1, 1], [], []>, transpose_lhs_hint = false} : vector<512x512xf32>, vector<512x8xf32>, vector<512x8xf32> -> vector<512x8xf32>
    %add3A_63 = vector.broadcast %broadcast_in_dim3A_60 : vector<1x8xf32> to vector<512x8xf32>
    %add3A_64 = arith.addf %dot_general3A_62, %add3A_63 : vector<512x8xf32>
    %reduce_sum3A_65 = arith.constant dense<0.000000e+00> : vector<8xf32>
    %reduce_sum3A_66 = vector.multi_reduction <add>, %slice3A, %reduce_sum3A_65 [0] : vector<512x8xf32> to vector<8xf32>
    %broadcast_in_dim3A_67 = vector.shape_cast %reduce_sum3A_66 : vector<8xf32> to vector<1x8xf32>
    %add3A_68 = arith.addf %broadcast_in_dim3A_60, %broadcast_in_dim3A_67 : vector<1x8xf32>
    %slice3A_69 = vector.extract_strided_slice %concatenate3A_54 {offsets = [512, 0], sizes = [512, 8], strides = [1, 1]} : vector<4096x8xf32> to vector<512x8xf32>
    %dot_general3A_70 = arith.constant dense<0.000000e+00> : vector<512x8xf32>
    %dot_general3A_71 = tpu.matmul %convert_element_type3A_58, %slice3A_69, %dot_general3A_70 {dimension_numbers = #tpu.dot_dimension_numbers<[1], [0], [0], [1], [0, 0, 1, 1], [], []>, transpose_lhs_hint = false} : vector<512x512xf32>, vector<512x8xf32>, vector<512x8xf32> -> vector<512x8xf32>
    %add3A_72 = vector.broadcast %add3A_68 : vector<1x8xf32> to vector<512x8xf32>
    %add3A_73 = arith.addf %dot_general3A_71, %add3A_72 : vector<512x8xf32>
    %reduce_sum3A_74 = arith.constant dense<0.000000e+00> : vector<8xf32>
    %reduce_sum3A_75 = vector.multi_reduction <add>, %slice3A_69, %reduce_sum3A_74 [0] : vector<512x8xf32> to vector<8xf32>
    %broadcast_in_dim3A_76 = vector.shape_cast %reduce_sum3A_75 : vector<8xf32> to vector<1x8xf32>
    %add3A_77 = arith.addf %add3A_68, %broadcast_in_dim3A_76 : vector<1x8xf32>
    %slice3A_78 = vector.extract_strided_slice %concatenate3A_54 {offsets = [1024, 0], sizes = [512, 8], strides = [1, 1]} : vector<4096x8xf32> to vector<512x8xf32>
    %dot_general3A_79 = arith.constant dense<0.000000e+00> : vector<512x8xf32>
    %dot_general3A_80 = tpu.matmul %convert_element_type3A_58, %slice3A_78, %dot_general3A_79 {dimension_numbers = #tpu.dot_dimension_numbers<[1], [0], [0], [1], [0, 0, 1, 1], [], []>, transpose_lhs_hint = false} : vector<512x512xf32>, vector<512x8xf32>, vector<512x8xf32> -> vector<512x8xf32>
    %add3A_81 = vector.broadcast %add3A_77 : vector<1x8xf32> to vector<512x8xf32>
    %add3A_82 = arith.addf %dot_general3A_80, %add3A_81 : vector<512x8xf32>
    %reduce_sum3A_83 = arith.constant dense<0.000000e+00> : vector<8xf32>
    %reduce_sum3A_84 = vector.multi_reduction <add>, %slice3A_78, %reduce_sum3A_83 [0] : vector<512x8xf32> to vector<8xf32>
    %broadcast_in_dim3A_85 = vector.shape_cast %reduce_sum3A_84 : vector<8xf32> to vector<1x8xf32>
    %add3A_86 = arith.addf %add3A_77, %broadcast_in_dim3A_85 : vector<1x8xf32>
    %slice3A_87 = vector.extract_strided_slice %concatenate3A_54 {offsets = [1536, 0], sizes = [512, 8], strides = [1, 1]} : vector<4096x8xf32> to vector<512x8xf32>
    %dot_general3A_88 = arith.constant dense<0.000000e+00> : vector<512x8xf32>
    %dot_general3A_89 = tpu.matmul %convert_element_type3A_58, %slice3A_87, %dot_general3A_88 {dimension_numbers = #tpu.dot_dimension_numbers<[1], [0], [0], [1], [0, 0, 1, 1], [], []>, transpose_lhs_hint = false} : vector<512x512xf32>, vector<512x8xf32>, vector<512x8xf32> -> vector<512x8xf32>
    %add3A_90 = vector.broadcast %add3A_86 : vector<1x8xf32> to vector<512x8xf32>
    %add3A_91 = arith.addf %dot_general3A_89, %add3A_90 : vector<512x8xf32>
    %reduce_sum3A_92 = arith.constant dense<0.000000e+00> : vector<8xf32>
    %reduce_sum3A_93 = vector.multi_reduction <add>, %slice3A_87, %reduce_sum3A_92 [0] : vector<512x8xf32> to vector<8xf32>
    %broadcast_in_dim3A_94 = vector.shape_cast %reduce_sum3A_93 : vector<8xf32> to vector<1x8xf32>
    %add3A_95 = arith.addf %add3A_86, %broadcast_in_dim3A_94 : vector<1x8xf32>
    %slice3A_96 = vector.extract_strided_slice %concatenate3A_54 {offsets = [2048, 0], sizes = [512, 8], strides = [1, 1]} : vector<4096x8xf32> to vector<512x8xf32>
    %dot_general3A_97 = arith.constant dense<0.000000e+00> : vector<512x8xf32>
    %dot_general3A_98 = tpu.matmul %convert_element_type3A_58, %slice3A_96, %dot_general3A_97 {dimension_numbers = #tpu.dot_dimension_numbers<[1], [0], [0], [1], [0, 0, 1, 1], [], []>, transpose_lhs_hint = false} : vector<512x512xf32>, vector<512x8xf32>, vector<512x8xf32> -> vector<512x8xf32>
    %add3A_99 = vector.broadcast %add3A_95 : vector<1x8xf32> to vector<512x8xf32>
    %add3A_100 = arith.addf %dot_general3A_98, %add3A_99 : vector<512x8xf32>
    %reduce_sum3A_101 = arith.constant dense<0.000000e+00> : vector<8xf32>
    %reduce_sum3A_102 = vector.multi_reduction <add>, %slice3A_96, %reduce_sum3A_101 [0] : vector<512x8xf32> to vector<8xf32>
    %broadcast_in_dim3A_103 = vector.shape_cast %reduce_sum3A_102 : vector<8xf32> to vector<1x8xf32>
    %add3A_104 = arith.addf %add3A_95, %broadcast_in_dim3A_103 : vector<1x8xf32>
    %slice3A_105 = vector.extract_strided_slice %concatenate3A_54 {offsets = [2560, 0], sizes = [512, 8], strides = [1, 1]} : vector<4096x8xf32> to vector<512x8xf32>
    %dot_general3A_106 = arith.constant dense<0.000000e+00> : vector<512x8xf32>
    %dot_general3A_107 = tpu.matmul %convert_element_type3A_58, %slice3A_105, %dot_general3A_106 {dimension_numbers = #tpu.dot_dimension_numbers<[1], [0], [0], [1], [0, 0, 1, 1], [], []>, transpose_lhs_hint = false} : vector<512x512xf32>, vector<512x8xf32>, vector<512x8xf32> -> vector<512x8xf32>
    %add3A_108 = vector.broadcast %add3A_104 : vector<1x8xf32> to vector<512x8xf32>
    %add3A_109 = arith.addf %dot_general3A_107, %add3A_108 : vector<512x8xf32>
    %reduce_sum3A_110 = arith.constant dense<0.000000e+00> : vector<8xf32>
    %reduce_sum3A_111 = vector.multi_reduction <add>, %slice3A_105, %reduce_sum3A_110 [0] : vector<512x8xf32> to vector<8xf32>
    %broadcast_in_dim3A_112 = vector.shape_cast %reduce_sum3A_111 : vector<8xf32> to vector<1x8xf32>
    %add3A_113 = arith.addf %add3A_104, %broadcast_in_dim3A_112 : vector<1x8xf32>
    %slice3A_114 = vector.extract_strided_slice %concatenate3A_54 {offsets = [3072, 0], sizes = [512, 8], strides = [1, 1]} : vector<4096x8xf32> to vector<512x8xf32>
    %dot_general3A_115 = arith.constant dense<0.000000e+00> : vector<512x8xf32>
    %dot_general3A_116 = tpu.matmul %convert_element_type3A_58, %slice3A_114, %dot_general3A_115 {dimension_numbers = #tpu.dot_dimension_numbers<[1], [0], [0], [1], [0, 0, 1, 1], [], []>, transpose_lhs_hint = false} : vector<512x512xf32>, vector<512x8xf32>, vector<512x8xf32> -> vector<512x8xf32>
    %add3A_117 = vector.broadcast %add3A_113 : vector<1x8xf32> to vector<512x8xf32>
    %add3A_118 = arith.addf %dot_general3A_116, %add3A_117 : vector<512x8xf32>
    %reduce_sum3A_119 = arith.constant dense<0.000000e+00> : vector<8xf32>
    %reduce_sum3A_120 = vector.multi_reduction <add>, %slice3A_114, %reduce_sum3A_119 [0] : vector<512x8xf32> to vector<8xf32>
    %broadcast_in_dim3A_121 = vector.shape_cast %reduce_sum3A_120 : vector<8xf32> to vector<1x8xf32>
    %add3A_122 = arith.addf %add3A_113, %broadcast_in_dim3A_121 : vector<1x8xf32>
    %slice3A_123 = vector.extract_strided_slice %concatenate3A_54 {offsets = [3584, 0], sizes = [512, 8], strides = [1, 1]} : vector<4096x8xf32> to vector<512x8xf32>
    %dot_general3A_124 = arith.constant dense<0.000000e+00> : vector<512x8xf32>
    %dot_general3A_125 = tpu.matmul %convert_element_type3A_58, %slice3A_123, %dot_general3A_124 {dimension_numbers = #tpu.dot_dimension_numbers<[1], [0], [0], [1], [0, 0, 1, 1], [], []>, transpose_lhs_hint = false} : vector<512x512xf32>, vector<512x8xf32>, vector<512x8xf32> -> vector<512x8xf32>
    %add3A_126 = vector.broadcast %add3A_122 : vector<1x8xf32> to vector<512x8xf32>
    %add3A_127 = arith.addf %dot_general3A_125, %add3A_126 : vector<512x8xf32>
    %reduce_sum3A_128 = arith.constant dense<0.000000e+00> : vector<8xf32>
    %reduce_sum3A_129 = vector.multi_reduction <add>, %slice3A_123, %reduce_sum3A_128 [0] : vector<512x8xf32> to vector<8xf32>
    %broadcast_in_dim3A_130 = vector.shape_cast %reduce_sum3A_129 : vector<8xf32> to vector<1x8xf32>
    %add3A_131 = arith.addf %add3A_122, %broadcast_in_dim3A_130 : vector<1x8xf32>
    %concatenate3A_132 = tpu.concatenate %add3A_64, %add3A_73, %add3A_82, %add3A_91, %add3A_100, %add3A_109, %add3A_118, %add3A_127 in 0 : vector<512x8xf32>, vector<512x8xf32>, vector<512x8xf32>, vector<512x8xf32>, vector<512x8xf32>, vector<512x8xf32>, vector<512x8xf32>, vector<512x8xf32> -> vector<4096x8xf32>
    %iota3A_133 = tpu.iota {dimensions = array<i32: 1>} : vector<4096x8xi32>
    %convert_element_type3A_134 = arith.sitofp %iota3A_133 : vector<4096x8xi32> to vector<4096x8xf32>
    %mul3A = arith.mulf %concatenate3A_132, %concatenate3A_54 : vector<4096x8xf32>
    %reduce_sum3A_135 = arith.constant dense<0.000000e+00> : vector<4096xf32>
    %reduce_sum3A_136 = vector.multi_reduction <add>, %mul3A, %reduce_sum3A_135 [1] : vector<4096x8xf32> to vector<4096xf32>
    %broadcast_in_dim3A_137 = vector.shape_cast %reduce_sum3A_136 : vector<4096xf32> to vector<4096x1xf32>
    %mul3A_138 = arith.mulf %convert_element_type3A_134, %concatenate3A_54 : vector<4096x8xf32>
    %reduce_sum3A_139 = arith.constant dense<0.000000e+00> : vector<4096xf32>
    %reduce_sum3A_140 = vector.multi_reduction <add>, %mul3A_138, %reduce_sum3A_139 [1] : vector<4096x8xf32> to vector<4096xf32>
    %broadcast_in_dim3A_141 = vector.shape_cast %reduce_sum3A_140 : vector<4096xf32> to vector<4096x1xf32>
    %mul3A_142 = arith.constant 2.048000e+03 : f32
    %mul3A_143 = vector.broadcast %mul3A_142 : f32 to vector<4096x1xf32>
    %mul3A_144 = arith.mulf %broadcast_in_dim3A_141, %mul3A_143 : vector<4096x1xf32>
    %add3A_145 = arith.addf %mul3A_144, %broadcast_in_dim3A_137 : vector<4096x1xf32>
    %convert_element_type3A_146 = arith.fptosi %add3A_145 : vector<4096x1xf32> to vector<4096x1xi32>
    %swap3A_147 = arith.constant 0 : index
    %swap3A_148 = arith.constant 0 : index
    %swap3A_149 = vector.load %arg14[%swap3A_147, %swap3A_148] : memref<4096x1xi32, #tpu.memory_space<vmem>>, vector<4096x1xi32>
    tpu.vector_store %arg14[%swap3A_147, %swap3A_148], %convert_element_type3A_146 {strides = array<i32>} : memref<4096x1xi32, #tpu.memory_space<vmem>>, vector<4096x1xi32>,
    %concatenate3A_150 = tpu.concatenate %broadcast_in_dim3A_19, %broadcast_in_dim3A_31 in 0 : vector<2048x1xf32>, vector<2048x1xf32> -> vector<4096x1xf32>
    %broadcast_in_dim3A_151 = vector.shape_cast %concatenate3A_150 : vector<4096x1xf32> to vector<4096x1xf32>
    %broadcast_in_dim3A_152 = vector.broadcast %broadcast_in_dim3A_151 : vector<4096x1xf32> to vector<4096x128xf32>
    %swap3A_153 = arith.constant 0 : index
    %swap3A_154 = arith.constant 0 : index
    %swap3A_155 = vector.load %arg15[%swap3A_153, %swap3A_154] : memref<4096x128xf32, #tpu.memory_space<vmem>>, vector<4096x128xf32>
    tpu.vector_store %arg15[%swap3A_153, %swap3A_154], %broadcast_in_dim3A_152 {strides = array<i32>} : memref<4096x128xf32, #tpu.memory_space<vmem>>, vector<4096x128xf32>,
    %iota3A_156 = tpu.iota {dimensions = array<i32: 1>} : vector<2048x4xi32>
    %get3A_157 = arith.constant 0 : index
    %get3A_158 = arith.constant 0 : index
    %get3A_159 = vector.load %arg2[%get3A_157, %get3A_158] : memref<2048x1xi32, #tpu.memory_space<vmem>>, vector<2048x1xi32>
    %eq3A_160 = vector.broadcast %get3A_159 : vector<2048x1xi32> to vector<2048x4xi32>
    %eq3A_161 = arith.cmpi eq, %eq3A_160, %iota3A_156 : vector<2048x4xi32>
    %convert_element_type3A_162 = arith.extui %eq3A_161 : vector<2048x4xi1> to vector<2048x4xi32>
    %convert_element_type3A_163 = arith.sitofp %convert_element_type3A_162 : vector<2048x4xi32> to vector<2048x4xf32>
    %iota3A_164 = tpu.iota {dimensions = array<i32: 0>} : vector<512x512xi32>
    %iota3A_165 = tpu.iota {dimensions = array<i32: 1>} : vector<512x512xi32>
    %lt3A_166 = arith.cmpi slt, %iota3A_165, %iota3A_164 : vector<512x512xi32>
    %convert_element_type3A_167 = arith.extui %lt3A_166 : vector<512x512xi1> to vector<512x512xi32>
    %convert_element_type3A_168 = arith.sitofp %convert_element_type3A_167 : vector<512x512xi32> to vector<512x512xf32>
    %broadcast_in_dim3A_169 = arith.constant 0.000000e+00 : f32
    %broadcast_in_dim3A_170 = vector.broadcast %broadcast_in_dim3A_169 : f32 to vector<1x4xf32>
    %slice3A_171 = vector.extract_strided_slice %convert_element_type3A_163 {offsets = [0, 0], sizes = [512, 4], strides = [1, 1]} : vector<2048x4xf32> to vector<512x4xf32>
    %dot_general3A_172 = arith.constant dense<0.000000e+00> : vector<512x4xf32>
    %dot_general3A_173 = tpu.matmul %convert_element_type3A_168, %slice3A_171, %dot_general3A_172 {dimension_numbers = #tpu.dot_dimension_numbers<[1], [0], [0], [1], [0, 0, 1, 1], [], []>, transpose_lhs_hint = false} : vector<512x512xf32>, vector<512x4xf32>, vector<512x4xf32> -> vector<512x4xf32>
    %add3A_174 = vector.broadcast %broadcast_in_dim3A_170 : vector<1x4xf32> to vector<512x4xf32>
    %add3A_175 = arith.addf %dot_general3A_173, %add3A_174 : vector<512x4xf32>
    %reduce_sum3A_176 = arith.constant dense<0.000000e+00> : vector<4xf32>
    %reduce_sum3A_177 = vector.multi_reduction <add>, %slice3A_171, %reduce_sum3A_176 [0] : vector<512x4xf32> to vector<4xf32>
    %broadcast_in_dim3A_178 = vector.shape_cast %reduce_sum3A_177 : vector<4xf32> to vector<1x4xf32>
    %add3A_179 = arith.addf %broadcast_in_dim3A_170, %broadcast_in_dim3A_178 : vector<1x4xf32>
    %slice3A_180 = vector.extract_strided_slice %convert_element_type3A_163 {offsets = [512, 0], sizes = [512, 4], strides = [1, 1]} : vector<2048x4xf32> to vector<512x4xf32>
    %dot_general3A_181 = arith.constant dense<0.000000e+00> : vector<512x4xf32>
    %dot_general3A_182 = tpu.matmul %convert_element_type3A_168, %slice3A_180, %dot_general3A_181 {dimension_numbers = #tpu.dot_dimension_numbers<[1], [0], [0], [1], [0, 0, 1, 1], [], []>, transpose_lhs_hint = false} : vector<512x512xf32>, vector<512x4xf32>, vector<512x4xf32> -> vector<512x4xf32>
    %add3A_183 = vector.broadcast %add3A_179 : vector<1x4xf32> to vector<512x4xf32>
    %add3A_184 = arith.addf %dot_general3A_182, %add3A_183 : vector<512x4xf32>
    %reduce_sum3A_185 = arith.constant dense<0.000000e+00> : vector<4xf32>
    %reduce_sum3A_186 = vector.multi_reduction <add>, %slice3A_180, %reduce_sum3A_185 [0] : vector<512x4xf32> to vector<4xf32>
    %broadcast_in_dim3A_187 = vector.shape_cast %reduce_sum3A_186 : vector<4xf32> to vector<1x4xf32>
    %add3A_188 = arith.addf %add3A_179, %broadcast_in_dim3A_187 : vector<1x4xf32>
    %slice3A_189 = vector.extract_strided_slice %convert_element_type3A_163 {offsets = [1024, 0], sizes = [512, 4], strides = [1, 1]} : vector<2048x4xf32> to vector<512x4xf32>
    %dot_general3A_190 = arith.constant dense<0.000000e+00> : vector<512x4xf32>
    %dot_general3A_191 = tpu.matmul %convert_element_type3A_168, %slice3A_189, %dot_general3A_190 {dimension_numbers = #tpu.dot_dimension_numbers<[1], [0], [0], [1], [0, 0, 1, 1], [], []>, transpose_lhs_hint = false} : vector<512x512xf32>, vector<512x4xf32>, vector<512x4xf32> -> vector<512x4xf32>
    %add3A_192 = vector.broadcast %add3A_188 : vector<1x4xf32> to vector<512x4xf32>
    %add3A_193 = arith.addf %dot_general3A_191, %add3A_192 : vector<512x4xf32>
    %reduce_sum3A_194 = arith.constant dense<0.000000e+00> : vector<4xf32>
    %reduce_sum3A_195 = vector.multi_reduction <add>, %slice3A_189, %reduce_sum3A_194 [0] : vector<512x4xf32> to vector<4xf32>
    %broadcast_in_dim3A_196 = vector.shape_cast %reduce_sum3A_195 : vector<4xf32> to vector<1x4xf32>
    %add3A_197 = arith.addf %add3A_188, %broadcast_in_dim3A_196 : vector<1x4xf32>
    %slice3A_198 = vector.extract_strided_slice %convert_element_type3A_163 {offsets = [1536, 0], sizes = [512, 4], strides = [1, 1]} : vector<2048x4xf32> to vector<512x4xf32>
    %dot_general3A_199 = arith.constant dense<0.000000e+00> : vector<512x4xf32>
    %dot_general3A_200 = tpu.matmul %convert_element_type3A_168, %slice3A_198, %dot_general3A_199 {dimension_numbers = #tpu.dot_dimension_numbers<[1], [0], [0], [1], [0, 0, 1, 1], [], []>, transpose_lhs_hint = false} : vector<512x512xf32>, vector<512x4xf32>, vector<512x4xf32> -> vector<512x4xf32>
    %add3A_201 = vector.broadcast %add3A_197 : vector<1x4xf32> to vector<512x4xf32>
    %add3A_202 = arith.addf %dot_general3A_200, %add3A_201 : vector<512x4xf32>
    %reduce_sum3A_203 = arith.constant dense<0.000000e+00> : vector<4xf32>
    %reduce_sum3A_204 = vector.multi_reduction <add>, %slice3A_198, %reduce_sum3A_203 [0] : vector<512x4xf32> to vector<4xf32>
    %broadcast_in_dim3A_205 = vector.shape_cast %reduce_sum3A_204 : vector<4xf32> to vector<1x4xf32>
    %add3A_206 = arith.addf %add3A_197, %broadcast_in_dim3A_205 : vector<1x4xf32>
    %concatenate3A_207 = tpu.concatenate %add3A_175, %add3A_184, %add3A_193, %add3A_202 in 0 : vector<512x4xf32>, vector<512x4xf32>, vector<512x4xf32>, vector<512x4xf32> -> vector<2048x4xf32>
    %iota3A_208 = tpu.iota {dimensions = array<i32: 1>} : vector<2048x4xi32>
    %convert_element_type3A_209 = arith.sitofp %iota3A_208 : vector<2048x4xi32> to vector<2048x4xf32>
    %mul3A_210 = arith.mulf %concatenate3A_207, %convert_element_type3A_163 : vector<2048x4xf32>
    %reduce_sum3A_211 = arith.constant dense<0.000000e+00> : vector<2048xf32>
    %reduce_sum3A_212 = vector.multi_reduction <add>, %mul3A_210, %reduce_sum3A_211 [1] : vector<2048x4xf32> to vector<2048xf32>
    %broadcast_in_dim3A_213 = vector.shape_cast %reduce_sum3A_212 : vector<2048xf32> to vector<2048x1xf32>
    %mul3A_214 = arith.mulf %convert_element_type3A_209, %convert_element_type3A_163 : vector<2048x4xf32>
    %reduce_sum3A_215 = arith.constant dense<0.000000e+00> : vector<2048xf32>
    %reduce_sum3A_216 = vector.multi_reduction <add>, %mul3A_214, %reduce_sum3A_215 [1] : vector<2048x4xf32> to vector<2048xf32>
    %broadcast_in_dim3A_217 = vector.shape_cast %reduce_sum3A_216 : vector<2048xf32> to vector<2048x1xf32>
    %mul3A_218 = arith.constant 2.048000e+03 : f32
    %mul3A_219 = vector.broadcast %mul3A_218 : f32 to vector<2048x1xf32>
    %mul3A_220 = arith.mulf %broadcast_in_dim3A_217, %mul3A_219 : vector<2048x1xf32>
    %add3A_221 = arith.addf %mul3A_220, %broadcast_in_dim3A_213 : vector<2048x1xf32>
    %convert_element_type3A_222 = arith.fptosi %add3A_221 : vector<2048x1xf32> to vector<2048x1xi32>
    %swap3A_223 = arith.constant 0 : index
    %swap3A_224 = arith.constant 0 : index
    %swap3A_225 = vector.load %arg16[%swap3A_223, %swap3A_224] : memref<2048x1xi32, #tpu.memory_space<vmem>>, vector<2048x1xi32>
    tpu.vector_store %arg16[%swap3A_223, %swap3A_224], %convert_element_type3A_222 {strides = array<i32>} : memref<2048x1xi32, #tpu.memory_space<vmem>>, vector<2048x1xi32>,
    %add3A_226 = arith.constant 1.270000e+02 : f32
    %add3A_227 = vector.broadcast %add3A_226 : f32 to vector<1x8xf32>
    %add3A_228 = arith.addf %add3A_131, %add3A_227 : vector<1x8xf32>
    %div3A_229 = arith.constant 1.280000e+02 : f32
    %div3A_230 = vector.broadcast %div3A_229 : f32 to vector<1x8xf32>
    %div3A_231 = arith.divf %add3A_228, %div3A_230 : vector<1x8xf32>
    %floor3A = math.floor %div3A_231 : vector<1x8xf32>
    %iota3A_232 = tpu.iota {dimensions = array<i32: 0>} : vector<8x8xi32>
    %iota3A_233 = tpu.iota {dimensions = array<i32: 1>} : vector<8x8xi32>
    %le3A = arith.cmpi sle, %iota3A_233, %iota3A_232 : vector<8x8xi32>
    %convert_element_type3A_234 = arith.extui %le3A : vector<8x8xi1> to vector<8x8xi32>
    %convert_element_type3A_235 = arith.sitofp %convert_element_type3A_234 : vector<8x8xi32> to vector<8x8xf32>
    %eq3A_236 = arith.cmpi eq, %iota3A_233, %iota3A_232 : vector<8x8xi32>
    %convert_element_type3A_237 = arith.extui %eq3A_236 : vector<8x8xi1> to vector<8x8xi32>
    %convert_element_type3A_238 = arith.sitofp %convert_element_type3A_237 : vector<8x8xi32> to vector<8x8xf32>
    %dot_general3A_239 = arith.constant dense<0.000000e+00> : vector<8x1xf32>
    %dot_general3A_240 = tpu.matmul %convert_element_type3A_238, %floor3A, %dot_general3A_239 {dimension_numbers = #tpu.dot_dimension_numbers<[1], [1], [0], [0], [0, 0, 1, 0], [], []>, transpose_lhs_hint = false} : vector<8x8xf32>, vector<1x8xf32>, vector<8x1xf32> -> vector<8x1xf32>
    %dot_general3A_241 = arith.constant dense<0.000000e+00> : vector<8x1xf32>
    %dot_general3A_242 = tpu.matmul %convert_element_type3A_235, %dot_general3A_240, %dot_general3A_241 {dimension_numbers = #tpu.dot_dimension_numbers<[1], [0], [0], [1], [0, 0, 1, 1], [], []>, transpose_lhs_hint = false} : vector<8x8xf32>, vector<8x1xf32>, vector<8x1xf32> -> vector<8x1xf32>
    %sub3A_243 = arith.subf %dot_general3A_242, %dot_general3A_240 : vector<8x1xf32>
    %reduce_sum3A_244 = arith.constant dense<0.000000e+00> : vector<1xf32>
    %reduce_sum3A_245 = vector.multi_reduction <add>, %dot_general3A_240, %reduce_sum3A_244 [0] : vector<8x1xf32> to vector<1xf32>
    %broadcast_in_dim3A_246 = vector.shape_cast %reduce_sum3A_245 : vector<1xf32> to vector<1x1xf32>
    %iota3A_247 = tpu.iota {dimensions = array<i32: 1>} : vector<1x264xi32>
    %convert_element_type3A_248 = arith.sitofp %iota3A_247 : vector<1x264xi32> to vector<1x264xf32>
    %sub3A_249 = arith.constant 1.000000e+00 : f32
    %sub3A_250 = vector.broadcast %sub3A_249 : f32 to vector<1x1xf32>
    %sub3A_251 = arith.subf %broadcast_in_dim3A_246, %sub3A_250 : vector<1x1xf32>
    %max3A = arith.constant 0.000000e+00 : f32
    %max3A_252 = vector.broadcast %max3A : f32 to vector<1x1xf32>
    %max3A_253 = arith.maximumf %sub3A_251, %max3A_252 : vector<1x1xf32>
    %min3A = vector.broadcast %max3A_253 : vector<1x1xf32> to vector<1x264xf32>
    %min3A_254 = arith.minimumf %convert_element_type3A_248, %min3A : vector<1x264xf32>
    %ge3A = vector.broadcast %min3A_254 : vector<1x264xf32> to vector<8x264xf32>
    %ge3A_255 = vector.broadcast %dot_general3A_242 : vector<8x1xf32> to vector<8x264xf32>
    %ge3A_256 = arith.cmpf oge, %ge3A, %ge3A_255 : vector<8x264xf32>
    %convert_element_type3A_257 = arith.extui %ge3A_256 : vector<8x264xi1> to vector<8x264xi32>
    %convert_element_type3A_258 = arith.sitofp %convert_element_type3A_257 : vector<8x264xi32> to vector<8x264xf32>
    %reduce_sum3A_259 = arith.constant dense<0.000000e+00> : vector<264xf32>
    %reduce_sum3A_260 = vector.multi_reduction <add>, %convert_element_type3A_258, %reduce_sum3A_259 [0] : vector<8x264xf32> to vector<264xf32>
    %broadcast_in_dim3A_261 = vector.shape_cast %reduce_sum3A_260 : vector<264xf32> to vector<1x264xf32>
    %iota3A_262 = tpu.iota {dimensions = array<i32: 0>} : vector<8x264xi32>
    %convert_element_type3A_263 = arith.sitofp %iota3A_262 : vector<8x264xi32> to vector<8x264xf32>
    %eq3A_264 = vector.broadcast %broadcast_in_dim3A_261 : vector<1x264xf32> to vector<8x264xf32>
    %eq3A_265 = arith.cmpf oeq, %convert_element_type3A_263, %eq3A_264 : vector<8x264xf32>
    %convert_element_type3A_266 = arith.extui %eq3A_265 : vector<8x264xi1> to vector<8x264xi32>
    %convert_element_type3A_267 = arith.sitofp %convert_element_type3A_266 : vector<8x264xi32> to vector<8x264xf32>
    %mul3A_268 = vector.broadcast %sub3A_243 : vector<8x1xf32> to vector<8x264xf32>
    %mul3A_269 = arith.mulf %mul3A_268, %convert_element_type3A_267 : vector<8x264xf32>
    %reduce_sum3A_270 = arith.constant dense<0.000000e+00> : vector<264xf32>
    %reduce_sum3A_271 = vector.multi_reduction <add>, %mul3A_269, %reduce_sum3A_270 [0] : vector<8x264xf32> to vector<264xf32>
    %broadcast_in_dim3A_272 = vector.shape_cast %reduce_sum3A_271 : vector<264xf32> to vector<1x264xf32>
    %sub3A_273 = arith.subf %min3A_254, %broadcast_in_dim3A_272 : vector<1x264xf32>
    %convert_element_type3A_274 = arith.fptosi %broadcast_in_dim3A_261 : vector<1x264xf32> to vector<1x264xi32>
    %swap3A_275 = arith.constant 0 : index
    %swap3A_276 = arith.constant 0 : index
    %swap3A_277 = vector.load %arg8[%swap3A_275, %swap3A_276] : memref<1x264xi32, #tpu.memory_space<vmem>>, vector<1x264xi32>
    tpu.vector_store %arg8[%swap3A_275, %swap3A_276], %convert_element_type3A_274 {strides = array<i32>} : memref<1x264xi32, #tpu.memory_space<vmem>>, vector<1x264xi32>,
    %mul3A_278 = arith.constant 1.600000e+01 : f32
    %mul3A_279 = vector.broadcast %mul3A_278 : f32 to vector<1x264xf32>
    %mul3A_280 = arith.mulf %broadcast_in_dim3A_261, %mul3A_279 : vector<1x264xf32>
    %add3A_281 = arith.addf %mul3A_280, %sub3A_273 : vector<1x264xf32>
    %convert_element_type3A_282 = arith.fptosi %add3A_281 : vector<1x264xf32> to vector<1x264xi32>
    %swap3A_283 = arith.constant 0 : index
    %swap3A_284 = arith.constant 0 : index
    %swap3A_285 = vector.load %arg9[%swap3A_283, %swap3A_284] : memref<1x264xi32, #tpu.memory_space<vmem>>, vector<1x264xi32>
    tpu.vector_store %arg9[%swap3A_283, %swap3A_284], %convert_element_type3A_282 {strides = array<i32>} : memref<1x264xi32, #tpu.memory_space<vmem>>, vector<1x264xi32>,
    %convert_element_type3A_286 = arith.fptosi %broadcast_in_dim3A_246 : vector<1x1xf32> to vector<1x1xi32>
    %swap3A_287 = arith.constant 0 : index
    %swap3A_288 = arith.constant 0 : index
    %swap3A_289 = vector.load %arg10[%swap3A_287, %swap3A_288] : memref<1x1xi32, #tpu.memory_space<vmem>>, vector<1x1xi32>
    tpu.vector_store %arg10[%swap3A_287, %swap3A_288], %convert_element_type3A_286 {strides = array<i32>} : memref<1x1xi32, #tpu.memory_space<vmem>>, vector<1x1xi32>,
    %add3A_290 = arith.constant 1.270000e+02 : f32
    %add3A_291 = vector.broadcast %add3A_290 : f32 to vector<1x4xf32>
    %add3A_292 = arith.addf %add3A_206, %add3A_291 : vector<1x4xf32>
    %div3A_293 = arith.constant 1.280000e+02 : f32
    %div3A_294 = vector.broadcast %div3A_293 : f32 to vector<1x4xf32>
    %div3A_295 = arith.divf %add3A_292, %div3A_294 : vector<1x4xf32>
    %floor3A_296 = math.floor %div3A_295 : vector<1x4xf32>
    %iota3A_297 = tpu.iota {dimensions = array<i32: 0>} : vector<4x4xi32>
    %iota3A_298 = tpu.iota {dimensions = array<i32: 1>} : vector<4x4xi32>
    %le3A_299 = arith.cmpi sle, %iota3A_298, %iota3A_297 : vector<4x4xi32>
    %convert_element_type3A_300 = arith.extui %le3A_299 : vector<4x4xi1> to vector<4x4xi32>
    %convert_element_type3A_301 = arith.sitofp %convert_element_type3A_300 : vector<4x4xi32> to vector<4x4xf32>
    %eq3A_302 = arith.cmpi eq, %iota3A_298, %iota3A_297 : vector<4x4xi32>
    %convert_element_type3A_303 = arith.extui %eq3A_302 : vector<4x4xi1> to vector<4x4xi32>
    %convert_element_type3A_304 = arith.sitofp %convert_element_type3A_303 : vector<4x4xi32> to vector<4x4xf32>
    %dot_general3A_305 = arith.constant dense<0.000000e+00> : vector<4x1xf32>
    %dot_general3A_306 = tpu.matmul %convert_element_type3A_304, %floor3A_296, %dot_general3A_305 {dimension_numbers = #tpu.dot_dimension_numbers<[1], [1], [0], [0], [0, 0, 1, 0], [], []>, transpose_lhs_hint = false} : vector<4x4xf32>, vector<1x4xf32>, vector<4x1xf32> -> vector<4x1xf32>
    %dot_general3A_307 = arith.constant dense<0.000000e+00> : vector<4x1xf32>
    %dot_general3A_308 = tpu.matmul %convert_element_type3A_301, %dot_general3A_306, %dot_general3A_307 {dimension_numbers = #tpu.dot_dimension_numbers<[1], [0], [0], [1], [0, 0, 1, 1], [], []>, transpose_lhs_hint = false} : vector<4x4xf32>, vector<4x1xf32>, vector<4x1xf32> -> vector<4x1xf32>
    %sub3A_309 = arith.subf %dot_general3A_308, %dot_general3A_306 : vector<4x1xf32>
    %reduce_sum3A_310 = arith.constant dense<0.000000e+00> : vector<1xf32>
    %reduce_sum3A_311 = vector.multi_reduction <add>, %dot_general3A_306, %reduce_sum3A_310 [0] : vector<4x1xf32> to vector<1xf32>
    %broadcast_in_dim3A_312 = vector.shape_cast %reduce_sum3A_311 : vector<1xf32> to vector<1x1xf32>
    %iota3A_313 = tpu.iota {dimensions = array<i32: 1>} : vector<1x20xi32>
    %convert_element_type3A_314 = arith.sitofp %iota3A_313 : vector<1x20xi32> to vector<1x20xf32>
    %sub3A_315 = arith.constant 1.000000e+00 : f32
    %sub3A_316 = vector.broadcast %sub3A_315 : f32 to vector<1x1xf32>
    %sub3A_317 = arith.subf %broadcast_in_dim3A_312, %sub3A_316 : vector<1x1xf32>
    %max3A_318 = arith.constant 0.000000e+00 : f32
    %max3A_319 = vector.broadcast %max3A_318 : f32 to vector<1x1xf32>
    %max3A_320 = arith.maximumf %sub3A_317, %max3A_319 : vector<1x1xf32>
    %min3A_321 = vector.broadcast %max3A_320 : vector<1x1xf32> to vector<1x20xf32>
    %min3A_322 = arith.minimumf %convert_element_type3A_314, %min3A_321 : vector<1x20xf32>
    %ge3A_323 = vector.broadcast %min3A_322 : vector<1x20xf32> to vector<4x20xf32>
    %ge3A_324 = vector.broadcast %dot_general3A_308 : vector<4x1xf32> to vector<4x20xf32>
    %ge3A_325 = arith.cmpf oge, %ge3A_323, %ge3A_324 : vector<4x20xf32>
    %convert_element_type3A_326 = arith.extui %ge3A_325 : vector<4x20xi1> to vector<4x20xi32>
    %convert_element_type3A_327 = arith.sitofp %convert_element_type3A_326 : vector<4x20xi32> to vector<4x20xf32>
    %reduce_sum3A_328 = arith.constant dense<0.000000e+00> : vector<20xf32>
    %reduce_sum3A_329 = vector.multi_reduction <add>, %convert_element_type3A_327, %reduce_sum3A_328 [0] : vector<4x20xf32> to vector<20xf32>
    %broadcast_in_dim3A_330 = vector.shape_cast %reduce_sum3A_329 : vector<20xf32> to vector<1x20xf32>
    %iota3A_331 = tpu.iota {dimensions = array<i32: 0>} : vector<4x20xi32>
    %convert_element_type3A_332 = arith.sitofp %iota3A_331 : vector<4x20xi32> to vector<4x20xf32>
    %eq3A_333 = vector.broadcast %broadcast_in_dim3A_330 : vector<1x20xf32> to vector<4x20xf32>
    %eq3A_334 = arith.cmpf oeq, %convert_element_type3A_332, %eq3A_333 : vector<4x20xf32>
    %convert_element_type3A_335 = arith.extui %eq3A_334 : vector<4x20xi1> to vector<4x20xi32>
    %convert_element_type3A_336 = arith.sitofp %convert_element_type3A_335 : vector<4x20xi32> to vector<4x20xf32>
    %mul3A_337 = vector.broadcast %sub3A_309 : vector<4x1xf32> to vector<4x20xf32>
    %mul3A_338 = arith.mulf %mul3A_337, %convert_element_type3A_336 : vector<4x20xf32>
    %reduce_sum3A_339 = arith.constant dense<0.000000e+00> : vector<20xf32>
    %reduce_sum3A_340 = vector.multi_reduction <add>, %mul3A_338, %reduce_sum3A_339 [0] : vector<4x20xf32> to vector<20xf32>
    %broadcast_in_dim3A_341 = vector.shape_cast %reduce_sum3A_340 : vector<20xf32> to vector<1x20xf32>
    %sub3A_342 = arith.subf %min3A_322, %broadcast_in_dim3A_341 : vector<1x20xf32>
    %convert_element_type3A_343 = arith.fptosi %broadcast_in_dim3A_330 : vector<1x20xf32> to vector<1x20xi32>
    %swap3A_344 = arith.constant 0 : index
    %swap3A_345 = arith.constant 0 : index
    %swap3A_346 = vector.load %arg11[%swap3A_344, %swap3A_345] : memref<1x20xi32, #tpu.memory_space<vmem>>, vector<1x20xi32>
    tpu.vector_store %arg11[%swap3A_344, %swap3A_345], %convert_element_type3A_343 {strides = array<i32>} : memref<1x20xi32, #tpu.memory_space<vmem>>, vector<1x20xi32>,
    %mul3A_347 = arith.constant 1.600000e+01 : f32
    %mul3A_348 = vector.broadcast %mul3A_347 : f32 to vector<1x20xf32>
    %mul3A_349 = arith.mulf %broadcast_in_dim3A_330, %mul3A_348 : vector<1x20xf32>
    %add3A_350 = arith.addf %mul3A_349, %sub3A_342 : vector<1x20xf32>
    %convert_element_type3A_351 = arith.fptosi %add3A_350 : vector<1x20xf32> to vector<1x20xi32>
    %swap3A_352 = arith.constant 0 : index
    %swap3A_353 = arith.constant 0 : index
    %swap3A_354 = vector.load %arg12[%swap3A_352, %swap3A_353] : memref<1x20xi32, #tpu.memory_space<vmem>>, vector<1x20xi32>
    tpu.vector_store %arg12[%swap3A_352, %swap3A_353], %convert_element_type3A_351 {strides = array<i32>} : memref<1x20xi32, #tpu.memory_space<vmem>>, vector<1x20xi32>,
    %convert_element_type3A_355 = arith.fptosi %broadcast_in_dim3A_312 : vector<1x1xf32> to vector<1x1xi32>
    %swap3A_356 = arith.constant 0 : index
    %swap3A_357 = arith.constant 0 : index
    %swap3A_358 = vector.load %arg13[%swap3A_356, %swap3A_357] : memref<1x1xi32, #tpu.memory_space<vmem>>, vector<1x1xi32>
    tpu.vector_store %arg13[%swap3A_356, %swap3A_357], %convert_element_type3A_355 {strides = array<i32>} : memref<1x1xi32, #tpu.memory_space<vmem>>, vector<1x1xi32>,
    return
  }
  func.func @transform_0(%arg0: i32) -> (i32, i32) {
    %c0_i32 = arith.constant 0 : i32
    %c0_i32_0 = arith.constant 0 : i32
    %c0_i32_1 = arith.constant 0 : i32
    return %c0_i32, %c0_i32_0 : i32, i32
  }
  func.func @transform_1(%arg0: i32) -> (i32, i32) {
    %c0_i32 = arith.constant 0 : i32
    %c0_i32_0 = arith.constant 0 : i32
    %c0_i32_1 = arith.constant 0 : i32
    return %c0_i32, %c0_i32_0 : i32, i32
  }
  func.func @transform_2(%arg0: i32) -> (i32, i32) {
    %c0_i32 = arith.constant 0 : i32
    %c0_i32_0 = arith.constant 0 : i32
    %c0_i32_1 = arith.constant 0 : i32
    return %c0_i32, %c0_i32_0 : i32, i32
  }
  func.func @transform_3(%arg0: i32) -> i32 {
    %c0_i32 = arith.constant 0 : i32
    %c0_i32_0 = arith.constant 0 : i32
    return %c0_i32 : i32
  }
  func.func @transform_4(%arg0: i32) -> (i32, i32) {
    %c0_i32 = arith.constant 0 : i32
    %c0_i32_0 = arith.constant 0 : i32
    %c0_i32_1 = arith.constant 0 : i32
    return %c0_i32, %c0_i32_0 : i32, i32
  }
  func.func @transform_5(%arg0: i32) -> (i32, i32) {
    %c0_i32 = arith.constant 0 : i32
    %c0_i32_0 = arith.constant 0 : i32
    %c0_i32_1 = arith.constant 0 : i32
    return %c0_i32, %c0_i32_0 : i32, i32
  }
  func.func @transform_6(%arg0: i32) -> (i32, i32) {
    %c0_i32 = arith.constant 0 : i32
    %c0_i32_0 = arith.constant 0 : i32
    %c0_i32_1 = arith.constant 0 : i32
    return %c0_i32, %c0_i32_0 : i32, i32
  }
  func.func @transform_7(%arg0: i32) -> (i32, i32) {
    %c0_i32 = arith.constant 0 : i32
    %c0_i32_0 = arith.constant 0 : i32
    %c0_i32_1 = arith.constant 0 : i32
    return %c0_i32, %c0_i32_0 : i32, i32
  }
  func.func @transform_8(%arg0: i32) -> (i32, i32) {
    %c0_i32 = arith.constant 0 : i32
    %c0_i32_0 = arith.constant 0 : i32
    %c0_i32_1 = arith.constant 0 : i32
    return %c0_i32, %c0_i32_0 : i32, i32
  }
  func.func @transform_9(%arg0: i32) -> (i32, i32) {
    %c0_i32 = arith.constant 0 : i32
    %c0_i32_0 = arith.constant 0 : i32
    %c0_i32_1 = arith.constant 0 : i32
    return %c0_i32, %c0_i32_0 : i32, i32
  }
  func.func @transform_10(%arg0: i32) -> (i32, i32) {
    %c0_i32 = arith.constant 0 : i32
    %c0_i32_0 = arith.constant 0 : i32
    %c0_i32_1 = arith.constant 0 : i32
    return %c0_i32, %c0_i32_0 : i32, i32
  }
  func.func @transform_11(%arg0: i32) -> (i32, i32) {
    %c0_i32 = arith.constant 0 : i32
    %c0_i32_0 = arith.constant 0 : i32
    %c0_i32_1 = arith.constant 0 : i32
    return %c0_i32, %c0_i32_0 : i32, i32
  }
  func.func @transform_12(%arg0: i32) -> (i32, i32) {
    %c0_i32 = arith.constant 0 : i32
    %c0_i32_0 = arith.constant 0 : i32
    %c0_i32_1 = arith.constant 0 : i32
    return %c0_i32, %c0_i32_0 : i32, i32
  }
  func.func @transform_13(%arg0: i32) -> (i32, i32) {
    %c0_i32 = arith.constant 0 : i32
    %c0_i32_0 = arith.constant 0 : i32
    %c0_i32_1 = arith.constant 0 : i32
    return %c0_i32, %c0_i32_0 : i32, i32
  }
  func.func @transform_14(%arg0: i32) -> (i32, i32) {
    %c0_i32 = arith.constant 0 : i32
    %c0_i32_0 = arith.constant 0 : i32
    %c0_i32_1 = arith.constant 0 : i32
    return %c0_i32, %c0_i32_0 : i32, i32
  }
  func.func @transform_15(%arg0: i32) -> (i32, i32) {
    %c0_i32 = arith.constant 0 : i32
    %c0_i32_0 = arith.constant 0 : i32
    %c0_i32_1 = arith.constant 0 : i32
    return %c0_i32, %c0_i32_0 : i32, i32
  }
}

module attributes {stable_mosaic.version = 14 : i64} {
  func.func @_grouped_ffn_kernel(%arg0: i32, %arg1: memref<264xi32, #tpu.memory_space<smem>>, %arg2: memref<264xi32, #tpu.memory_space<smem>>, %arg3: memref<1xi32, #tpu.memory_space<smem>>, %arg4: memref<128x768xf32, #tpu.memory_space<vmem>>, %arg5: memref<1x1536x768xf32, #tpu.memory_space<vmem>>, %arg6: memref<1x1x1536xf32, #tpu.memory_space<vmem>>, %arg7: memref<1x768x1536xf32, #tpu.memory_space<vmem>>, %arg8: memref<1x1x768xf32, #tpu.memory_space<vmem>>, %arg9: memref<1x128x128xf32, #tpu.memory_space<vmem>>, %arg10: memref<128x768xf32, #tpu.memory_space<vmem>>) attributes {dimension_semantics = [#tpu.dimension_semantics<arbitrary>], iteration_bounds = array<i64: 264>, scalar_prefetch = 3 : i64, scratch_operands = 0 : i64, tpu.core_type = #tpu.core_type<tc>, window_params = [{transform_indices = @transform_0, window_bounds = array<i64: 128, 768>}, {transform_indices = @transform_1, window_bounds = array<i64: 1, 1536, 768>}, {transform_indices = @transform_2, window_bounds = array<i64: 1, 1, 1536>}, {transform_indices = @transform_3, window_bounds = array<i64: 1, 768, 1536>}, {transform_indices = @transform_4, window_bounds = array<i64: 1, 1, 768>}, {transform_indices = @transform_5, window_bounds = array<i64: 1, 128, 128>}, {transform_indices = @transform_6, window_bounds = array<i64: 128, 768>}]} {
    %get3A = arith.constant 0 : index
    %get3A_0 = memref.load %arg3[%get3A] : memref<1xi32, #tpu.memory_space<smem>>
    %lt3A = arith.cmpi slt, %arg0, %get3A_0 : i32
    %convert_element_type3A = arith.extui %lt3A : i1 to i32
    %cond3A = arith.constant 0 : i32
    %cond3A_1 = arith.cmpi ne, %convert_element_type3A, %cond3A : i32
    scf.if %cond3A_1 {
      %get3A_2 = arith.constant 0 : index
      %get3A_3 = arith.constant 0 : index
      %get3A_4 = vector.load %arg4[%get3A_2, %get3A_3] : memref<128x768xf32, #tpu.memory_space<vmem>>, vector<128x768xf32>
      %get3A_5 = arith.constant 0 : index
      %get3A_6 = arith.constant 0 : index
      %get3A_7 = arith.constant 0 : index
      %get3A_8 = vector.load %arg5[%get3A_5, %get3A_6, %get3A_7] : memref<1x1536x768xf32, #tpu.memory_space<vmem>>, vector<1x1536x768xf32>
      %get3A_9 = vector.shape_cast %get3A_8 : vector<1x1536x768xf32> to vector<1536x768xf32>
      %dot_general3A = arith.constant dense<0.000000e+00> : vector<128x1536xf32>
      %dot_general3A_10 = tpu.matmul %get3A_4, %get3A_9, %dot_general3A {dimension_numbers = #tpu.dot_dimension_numbers<[1], [1], [0], [0], [0, 0, 1, 0], [], []>, transpose_lhs_hint = false} : vector<128x768xf32>, vector<1536x768xf32>, vector<128x1536xf32> -> vector<128x1536xf32>
      %get3A_11 = arith.constant 0 : index
      %get3A_12 = arith.constant 0 : index
      %get3A_13 = arith.constant 0 : index
      %get3A_14 = vector.load %arg6[%get3A_11, %get3A_12, %get3A_13] : memref<1x1x1536xf32, #tpu.memory_space<vmem>>, vector<1x1x1536xf32>
      %get3A_15 = vector.shape_cast %get3A_14 : vector<1x1x1536xf32> to vector<1x1536xf32>
      %add3A = vector.broadcast %get3A_15 : vector<1x1536xf32> to vector<128x1536xf32>
      %add3A_16 = arith.addf %dot_general3A_10, %add3A : vector<128x1536xf32>
      %mul3A = arith.constant 5.000000e-01 : f32
      %mul3A_17 = vector.broadcast %mul3A : f32 to vector<128x1536xf32>
      %mul3A_18 = arith.mulf %mul3A_17, %add3A_16 : vector<128x1536xf32>
      %mul3A_19 = arith.constant 0.707106769 : f32
      %mul3A_20 = vector.broadcast %mul3A_19 : f32 to vector<128x1536xf32>
      %mul3A_21 = arith.mulf %add3A_16, %mul3A_20 : vector<128x1536xf32>
      %erf3A = math.erf %mul3A_21 : vector<128x1536xf32>
      %add3A_22 = arith.constant 1.000000e+00 : f32
      %add3A_23 = vector.broadcast %add3A_22 : f32 to vector<128x1536xf32>
      %add3A_24 = arith.addf %add3A_23, %erf3A : vector<128x1536xf32>
      %mul3A_25 = arith.mulf %mul3A_18, %add3A_24 : vector<128x1536xf32>
      %get3A_26 = arith.constant 0 : index
      %get3A_27 = arith.constant 0 : index
      %get3A_28 = arith.constant 0 : index
      %get3A_29 = vector.load %arg7[%get3A_26, %get3A_27, %get3A_28] : memref<1x768x1536xf32, #tpu.memory_space<vmem>>, vector<1x768x1536xf32>
      %get3A_30 = vector.shape_cast %get3A_29 : vector<1x768x1536xf32> to vector<768x1536xf32>
      %dot_general3A_31 = arith.constant dense<0.000000e+00> : vector<128x768xf32>
      %dot_general3A_32 = tpu.matmul %mul3A_25, %get3A_30, %dot_general3A_31 {dimension_numbers = #tpu.dot_dimension_numbers<[1], [1], [0], [0], [0, 0, 1, 0], [], []>, transpose_lhs_hint = false} : vector<128x1536xf32>, vector<768x1536xf32>, vector<128x768xf32> -> vector<128x768xf32>
      %get3A_33 = arith.constant 0 : index
      %get3A_34 = arith.constant 0 : index
      %get3A_35 = arith.constant 0 : index
      %get3A_36 = vector.load %arg8[%get3A_33, %get3A_34, %get3A_35] : memref<1x1x768xf32, #tpu.memory_space<vmem>>, vector<1x1x768xf32>
      %get3A_37 = vector.shape_cast %get3A_36 : vector<1x1x768xf32> to vector<1x768xf32>
      %add3A_38 = vector.broadcast %get3A_37 : vector<1x768xf32> to vector<128x768xf32>
      %add3A_39 = arith.addf %dot_general3A_32, %add3A_38 : vector<128x768xf32>
      %get3A_40 = arith.constant 0 : index
      %get3A_41 = arith.constant 0 : index
      %get3A_42 = arith.constant 0 : index
      %get3A_43 = vector.load %arg9[%get3A_40, %get3A_41, %get3A_42] : memref<1x128x128xf32, #tpu.memory_space<vmem>>, vector<1x128x1xf32>
      %get3A_44 = vector.shape_cast %get3A_43 : vector<1x128x1xf32> to vector<128x1xf32>
      %mul3A_45 = vector.broadcast %get3A_44 : vector<128x1xf32> to vector<128x768xf32>
      %mul3A_46 = arith.mulf %add3A_39, %mul3A_45 : vector<128x768xf32>
      %swap3A = arith.constant 0 : index
      %swap3A_47 = arith.constant 0 : index
      %swap3A_48 = vector.load %arg10[%swap3A, %swap3A_47] : memref<128x768xf32, #tpu.memory_space<vmem>>, vector<128x768xf32>
      tpu.vector_store %arg10[%swap3A, %swap3A_47], %mul3A_46 {strides = array<i32>} : memref<128x768xf32, #tpu.memory_space<vmem>>, vector<128x768xf32>,
    } else {
    }
    return
  }
  func.func @transform_0(%arg0: i32, %arg1: memref<264xi32, #tpu.memory_space<smem>>, %arg2: memref<264xi32, #tpu.memory_space<smem>>, %arg3: memref<1xi32, #tpu.memory_space<smem>>) -> (i32, i32) {
    %get3A = arith.index_cast %arg0 : i32 to index
    %get3A_0 = memref.load %arg2[%get3A] : memref<264xi32, #tpu.memory_space<smem>>
    %c0_i32 = arith.constant 0 : i32
    %c0_i32_1 = arith.constant 0 : i32
    return %get3A_0, %c0_i32 : i32, i32
  }
  func.func @transform_1(%arg0: i32, %arg1: memref<264xi32, #tpu.memory_space<smem>>, %arg2: memref<264xi32, #tpu.memory_space<smem>>, %arg3: memref<1xi32, #tpu.memory_space<smem>>) -> (i32, i32, i32) {
    %get3A = arith.index_cast %arg0 : i32 to index
    %get3A_0 = memref.load %arg1[%get3A] : memref<264xi32, #tpu.memory_space<smem>>
    %c0_i32 = arith.constant 0 : i32
    %c0_i32_1 = arith.constant 0 : i32
    %c0_i32_2 = arith.constant 0 : i32
    return %get3A_0, %c0_i32, %c0_i32_1 : i32, i32, i32
  }
  func.func @transform_2(%arg0: i32, %arg1: memref<264xi32, #tpu.memory_space<smem>>, %arg2: memref<264xi32, #tpu.memory_space<smem>>, %arg3: memref<1xi32, #tpu.memory_space<smem>>) -> (i32, i32, i32) {
    %get3A = arith.index_cast %arg0 : i32 to index
    %get3A_0 = memref.load %arg1[%get3A] : memref<264xi32, #tpu.memory_space<smem>>
    %c0_i32 = arith.constant 0 : i32
    %c0_i32_1 = arith.constant 0 : i32
    %c0_i32_2 = arith.constant 0 : i32
    return %get3A_0, %c0_i32, %c0_i32_1 : i32, i32, i32
  }
  func.func @transform_3(%arg0: i32, %arg1: memref<264xi32, #tpu.memory_space<smem>>, %arg2: memref<264xi32, #tpu.memory_space<smem>>, %arg3: memref<1xi32, #tpu.memory_space<smem>>) -> (i32, i32, i32) {
    %get3A = arith.index_cast %arg0 : i32 to index
    %get3A_0 = memref.load %arg1[%get3A] : memref<264xi32, #tpu.memory_space<smem>>
    %c0_i32 = arith.constant 0 : i32
    %c0_i32_1 = arith.constant 0 : i32
    %c0_i32_2 = arith.constant 0 : i32
    return %get3A_0, %c0_i32, %c0_i32_1 : i32, i32, i32
  }
  func.func @transform_4(%arg0: i32, %arg1: memref<264xi32, #tpu.memory_space<smem>>, %arg2: memref<264xi32, #tpu.memory_space<smem>>, %arg3: memref<1xi32, #tpu.memory_space<smem>>) -> (i32, i32, i32) {
    %get3A = arith.index_cast %arg0 : i32 to index
    %get3A_0 = memref.load %arg1[%get3A] : memref<264xi32, #tpu.memory_space<smem>>
    %c0_i32 = arith.constant 0 : i32
    %c0_i32_1 = arith.constant 0 : i32
    %c0_i32_2 = arith.constant 0 : i32
    return %get3A_0, %c0_i32, %c0_i32_1 : i32, i32, i32
  }
  func.func @transform_5(%arg0: i32, %arg1: memref<264xi32, #tpu.memory_space<smem>>, %arg2: memref<264xi32, #tpu.memory_space<smem>>, %arg3: memref<1xi32, #tpu.memory_space<smem>>) -> (i32, i32, i32) {
    %get3A = arith.index_cast %arg0 : i32 to index
    %get3A_0 = memref.load %arg2[%get3A] : memref<264xi32, #tpu.memory_space<smem>>
    %c0_i32 = arith.constant 0 : i32
    %c0_i32_1 = arith.constant 0 : i32
    %c0_i32_2 = arith.constant 0 : i32
    return %get3A_0, %c0_i32, %c0_i32_1 : i32, i32, i32
  }
  func.func @transform_6(%arg0: i32, %arg1: memref<264xi32, #tpu.memory_space<smem>>, %arg2: memref<264xi32, #tpu.memory_space<smem>>, %arg3: memref<1xi32, #tpu.memory_space<smem>>) -> (i32, i32) {
    %get3A = arith.index_cast %arg0 : i32 to index
    %get3A_0 = memref.load %arg2[%get3A] : memref<264xi32, #tpu.memory_space<smem>>
    %c0_i32 = arith.constant 0 : i32
    %c0_i32_1 = arith.constant 0 : i32
    return %get3A_0, %c0_i32 : i32, i32
  }
}

module attributes {stable_mosaic.version = 14 : i64} {
  func.func @body(%arg0: i32, %arg1: memref<20xi32, #tpu.memory_space<smem>>, %arg2: memref<20xi32, #tpu.memory_space<smem>>, %arg3: memref<1xi32, #tpu.memory_space<smem>>, %arg4: memref<128x768xf32, #tpu.memory_space<vmem>>, %arg5: memref<1x1536x768xf32, #tpu.memory_space<vmem>>, %arg6: memref<1x1x1536xf32, #tpu.memory_space<vmem>>, %arg7: memref<1x768x1536xf32, #tpu.memory_space<vmem>>, %arg8: memref<1x1x768xf32, #tpu.memory_space<vmem>>, %arg9: memref<128x768xf32, #tpu.memory_space<vmem>>) attributes {dimension_semantics = [#tpu.dimension_semantics<arbitrary>], iteration_bounds = array<i64: 20>, scalar_prefetch = 3 : i64, scratch_operands = 0 : i64, tpu.core_type = #tpu.core_type<tc>, window_params = [{transform_indices = @transform_0, window_bounds = array<i64: 128, 768>}, {transform_indices = @transform_1, window_bounds = array<i64: 1, 1536, 768>}, {transform_indices = @transform_2, window_bounds = array<i64: 1, 1, 1536>}, {transform_indices = @transform_3, window_bounds = array<i64: 1, 768, 1536>}, {transform_indices = @transform_4, window_bounds = array<i64: 1, 1, 768>}, {transform_indices = @transform_5, window_bounds = array<i64: 128, 768>}]} {
    %get3A = arith.constant 0 : index
    %get3A_0 = memref.load %arg3[%get3A] : memref<1xi32, #tpu.memory_space<smem>>
    %lt3A = arith.cmpi slt, %arg0, %get3A_0 : i32
    %convert_element_type3A = arith.extui %lt3A : i1 to i32
    %cond3A = arith.constant 0 : i32
    %cond3A_1 = arith.cmpi ne, %convert_element_type3A, %cond3A : i32
    scf.if %cond3A_1 {
      %get3A_2 = arith.constant 0 : index
      %get3A_3 = arith.constant 0 : index
      %get3A_4 = vector.load %arg4[%get3A_2, %get3A_3] : memref<128x768xf32, #tpu.memory_space<vmem>>, vector<128x768xf32>
      %get3A_5 = arith.constant 0 : index
      %get3A_6 = arith.constant 0 : index
      %get3A_7 = arith.constant 0 : index
      %get3A_8 = vector.load %arg5[%get3A_5, %get3A_6, %get3A_7] : memref<1x1536x768xf32, #tpu.memory_space<vmem>>, vector<1x1536x768xf32>
      %get3A_9 = vector.shape_cast %get3A_8 : vector<1x1536x768xf32> to vector<1536x768xf32>
      %dot_general3A = arith.constant dense<0.000000e+00> : vector<128x1536xf32>
      %dot_general3A_10 = tpu.matmul %get3A_4, %get3A_9, %dot_general3A {dimension_numbers = #tpu.dot_dimension_numbers<[1], [1], [0], [0], [0, 0, 1, 0], [], []>, transpose_lhs_hint = false} : vector<128x768xf32>, vector<1536x768xf32>, vector<128x1536xf32> -> vector<128x1536xf32>
      %get3A_11 = arith.constant 0 : index
      %get3A_12 = arith.constant 0 : index
      %get3A_13 = arith.constant 0 : index
      %get3A_14 = vector.load %arg6[%get3A_11, %get3A_12, %get3A_13] : memref<1x1x1536xf32, #tpu.memory_space<vmem>>, vector<1x1x1536xf32>
      %get3A_15 = vector.shape_cast %get3A_14 : vector<1x1x1536xf32> to vector<1x1536xf32>
      %add3A = vector.broadcast %get3A_15 : vector<1x1536xf32> to vector<128x1536xf32>
      %add3A_16 = arith.addf %dot_general3A_10, %add3A : vector<128x1536xf32>
      %mul3A = arith.constant 5.000000e-01 : f32
      %mul3A_17 = vector.broadcast %mul3A : f32 to vector<128x1536xf32>
      %mul3A_18 = arith.mulf %mul3A_17, %add3A_16 : vector<128x1536xf32>
      %mul3A_19 = arith.constant 0.707106769 : f32
      %mul3A_20 = vector.broadcast %mul3A_19 : f32 to vector<128x1536xf32>
      %mul3A_21 = arith.mulf %add3A_16, %mul3A_20 : vector<128x1536xf32>
      %erf3A = math.erf %mul3A_21 : vector<128x1536xf32>
      %add3A_22 = arith.constant 1.000000e+00 : f32
      %add3A_23 = vector.broadcast %add3A_22 : f32 to vector<128x1536xf32>
      %add3A_24 = arith.addf %add3A_23, %erf3A : vector<128x1536xf32>
      %mul3A_25 = arith.mulf %mul3A_18, %add3A_24 : vector<128x1536xf32>
      %get3A_26 = arith.constant 0 : index
      %get3A_27 = arith.constant 0 : index
      %get3A_28 = arith.constant 0 : index
      %get3A_29 = vector.load %arg7[%get3A_26, %get3A_27, %get3A_28] : memref<1x768x1536xf32, #tpu.memory_space<vmem>>, vector<1x768x1536xf32>
      %get3A_30 = vector.shape_cast %get3A_29 : vector<1x768x1536xf32> to vector<768x1536xf32>
      %dot_general3A_31 = arith.constant dense<0.000000e+00> : vector<128x768xf32>
      %dot_general3A_32 = tpu.matmul %mul3A_25, %get3A_30, %dot_general3A_31 {dimension_numbers = #tpu.dot_dimension_numbers<[1], [1], [0], [0], [0, 0, 1, 0], [], []>, transpose_lhs_hint = false} : vector<128x1536xf32>, vector<768x1536xf32>, vector<128x768xf32> -> vector<128x768xf32>
      %get3A_33 = arith.constant 0 : index
      %get3A_34 = arith.constant 0 : index
      %get3A_35 = arith.constant 0 : index
      %get3A_36 = vector.load %arg8[%get3A_33, %get3A_34, %get3A_35] : memref<1x1x768xf32, #tpu.memory_space<vmem>>, vector<1x1x768xf32>
      %get3A_37 = vector.shape_cast %get3A_36 : vector<1x1x768xf32> to vector<1x768xf32>
      %add3A_38 = vector.broadcast %get3A_37 : vector<1x768xf32> to vector<128x768xf32>
      %add3A_39 = arith.addf %dot_general3A_32, %add3A_38 : vector<128x768xf32>
      %swap3A = arith.constant 0 : index
      %swap3A_40 = arith.constant 0 : index
      %swap3A_41 = vector.load %arg9[%swap3A, %swap3A_40] : memref<128x768xf32, #tpu.memory_space<vmem>>, vector<128x768xf32>
      tpu.vector_store %arg9[%swap3A, %swap3A_40], %add3A_39 {strides = array<i32>} : memref<128x768xf32, #tpu.memory_space<vmem>>, vector<128x768xf32>,
    } else {
    }
    return
  }
  func.func @transform_0(%arg0: i32, %arg1: memref<20xi32, #tpu.memory_space<smem>>, %arg2: memref<20xi32, #tpu.memory_space<smem>>, %arg3: memref<1xi32, #tpu.memory_space<smem>>) -> (i32, i32) {
    %get3A = arith.index_cast %arg0 : i32 to index
    %get3A_0 = memref.load %arg2[%get3A] : memref<20xi32, #tpu.memory_space<smem>>
    %c0_i32 = arith.constant 0 : i32
    %c0_i32_1 = arith.constant 0 : i32
    return %get3A_0, %c0_i32 : i32, i32
  }
  func.func @transform_1(%arg0: i32, %arg1: memref<20xi32, #tpu.memory_space<smem>>, %arg2: memref<20xi32, #tpu.memory_space<smem>>, %arg3: memref<1xi32, #tpu.memory_space<smem>>) -> (i32, i32, i32) {
    %get3A = arith.index_cast %arg0 : i32 to index
    %get3A_0 = memref.load %arg1[%get3A] : memref<20xi32, #tpu.memory_space<smem>>
    %c0_i32 = arith.constant 0 : i32
    %c0_i32_1 = arith.constant 0 : i32
    %c0_i32_2 = arith.constant 0 : i32
    return %get3A_0, %c0_i32, %c0_i32_1 : i32, i32, i32
  }
  func.func @transform_2(%arg0: i32, %arg1: memref<20xi32, #tpu.memory_space<smem>>, %arg2: memref<20xi32, #tpu.memory_space<smem>>, %arg3: memref<1xi32, #tpu.memory_space<smem>>) -> (i32, i32, i32) {
    %get3A = arith.index_cast %arg0 : i32 to index
    %get3A_0 = memref.load %arg1[%get3A] : memref<20xi32, #tpu.memory_space<smem>>
    %c0_i32 = arith.constant 0 : i32
    %c0_i32_1 = arith.constant 0 : i32
    %c0_i32_2 = arith.constant 0 : i32
    return %get3A_0, %c0_i32, %c0_i32_1 : i32, i32, i32
  }
  func.func @transform_3(%arg0: i32, %arg1: memref<20xi32, #tpu.memory_space<smem>>, %arg2: memref<20xi32, #tpu.memory_space<smem>>, %arg3: memref<1xi32, #tpu.memory_space<smem>>) -> (i32, i32, i32) {
    %get3A = arith.index_cast %arg0 : i32 to index
    %get3A_0 = memref.load %arg1[%get3A] : memref<20xi32, #tpu.memory_space<smem>>
    %c0_i32 = arith.constant 0 : i32
    %c0_i32_1 = arith.constant 0 : i32
    %c0_i32_2 = arith.constant 0 : i32
    return %get3A_0, %c0_i32, %c0_i32_1 : i32, i32, i32
  }
  func.func @transform_4(%arg0: i32, %arg1: memref<20xi32, #tpu.memory_space<smem>>, %arg2: memref<20xi32, #tpu.memory_space<smem>>, %arg3: memref<1xi32, #tpu.memory_space<smem>>) -> (i32, i32, i32) {
    %get3A = arith.index_cast %arg0 : i32 to index
    %get3A_0 = memref.load %arg1[%get3A] : memref<20xi32, #tpu.memory_space<smem>>
    %c0_i32 = arith.constant 0 : i32
    %c0_i32_1 = arith.constant 0 : i32
    %c0_i32_2 = arith.constant 0 : i32
    return %get3A_0, %c0_i32, %c0_i32_1 : i32, i32, i32
  }
  func.func @transform_5(%arg0: i32, %arg1: memref<20xi32, #tpu.memory_space<smem>>, %arg2: memref<20xi32, #tpu.memory_space<smem>>, %arg3: memref<1xi32, #tpu.memory_space<smem>>) -> (i32, i32) {
    %get3A = arith.index_cast %arg0 : i32 to index
    %get3A_0 = memref.load %arg2[%get3A] : memref<20xi32, #tpu.memory_space<smem>>
    %c0_i32 = arith.constant 0 : i32
    %c0_i32_1 = arith.constant 0 : i32
    return %get3A_0, %c0_i32 : i32, i32
  }
}

module attributes {stable_mosaic.version = 14 : i64} {
  func.func @_shared_ffn_kernel(%arg0: i32, %arg1: memref<1024x768xf32, #tpu.memory_space<vmem>>, %arg2: memref<1x1536x768xf32, #tpu.memory_space<vmem>>, %arg3: memref<1x1x1536xf32, #tpu.memory_space<vmem>>, %arg4: memref<1x768x1536xf32, #tpu.memory_space<vmem>>, %arg5: memref<1x1x768xf32, #tpu.memory_space<vmem>>, %arg6: memref<1024x768xf32, #tpu.memory_space<vmem>>) attributes {dimension_semantics = [#tpu.dimension_semantics<arbitrary>], iteration_bounds = array<i64: 2>, scalar_prefetch = 0 : i64, scratch_operands = 0 : i64, tpu.core_type = #tpu.core_type<tc>, window_params = [{transform_indices = @transform_0, window_bounds = array<i64: 1024, 768>}, {pipeline_mode = #tpu.pipeline_mode<synchronous>, transform_indices = @transform_1, window_bounds = array<i64: 1, 1536, 768>}, {pipeline_mode = #tpu.pipeline_mode<synchronous>, transform_indices = @transform_2, window_bounds = array<i64: 1, 1, 1536>}, {pipeline_mode = #tpu.pipeline_mode<synchronous>, transform_indices = @transform_3, window_bounds = array<i64: 1, 768, 1536>}, {pipeline_mode = #tpu.pipeline_mode<synchronous>, transform_indices = @transform_4, window_bounds = array<i64: 1, 1, 768>}, {transform_indices = @transform_5, window_bounds = array<i64: 1024, 768>}]} {
    %get3A = arith.constant 0 : index
    %get3A_0 = arith.constant 0 : index
    %get3A_1 = vector.load %arg1[%get3A, %get3A_0] : memref<1024x768xf32, #tpu.memory_space<vmem>>, vector<1024x768xf32>
    %get3A_2 = arith.constant 0 : index
    %get3A_3 = arith.constant 0 : index
    %get3A_4 = arith.constant 0 : index
    %get3A_5 = vector.load %arg2[%get3A_2, %get3A_3, %get3A_4] : memref<1x1536x768xf32, #tpu.memory_space<vmem>>, vector<1x1536x768xf32>
    %get3A_6 = vector.shape_cast %get3A_5 : vector<1x1536x768xf32> to vector<1536x768xf32>
    %dot_general3A = arith.constant dense<0.000000e+00> : vector<1024x1536xf32>
    %dot_general3A_7 = tpu.matmul %get3A_1, %get3A_6, %dot_general3A {dimension_numbers = #tpu.dot_dimension_numbers<[1], [1], [0], [0], [0, 0, 1, 0], [], []>, transpose_lhs_hint = false} : vector<1024x768xf32>, vector<1536x768xf32>, vector<1024x1536xf32> -> vector<1024x1536xf32>
    %get3A_8 = arith.constant 0 : index
    %get3A_9 = arith.constant 0 : index
    %get3A_10 = arith.constant 0 : index
    %get3A_11 = vector.load %arg3[%get3A_8, %get3A_9, %get3A_10] : memref<1x1x1536xf32, #tpu.memory_space<vmem>>, vector<1x1x1536xf32>
    %get3A_12 = vector.shape_cast %get3A_11 : vector<1x1x1536xf32> to vector<1x1536xf32>
    %add3A = vector.broadcast %get3A_12 : vector<1x1536xf32> to vector<1024x1536xf32>
    %add3A_13 = arith.addf %dot_general3A_7, %add3A : vector<1024x1536xf32>
    %mul3A = arith.constant 5.000000e-01 : f32
    %mul3A_14 = vector.broadcast %mul3A : f32 to vector<1024x1536xf32>
    %mul3A_15 = arith.mulf %mul3A_14, %add3A_13 : vector<1024x1536xf32>
    %mul3A_16 = arith.constant 0.707106769 : f32
    %mul3A_17 = vector.broadcast %mul3A_16 : f32 to vector<1024x1536xf32>
    %mul3A_18 = arith.mulf %add3A_13, %mul3A_17 : vector<1024x1536xf32>
    %erf3A = math.erf %mul3A_18 : vector<1024x1536xf32>
    %add3A_19 = arith.constant 1.000000e+00 : f32
    %add3A_20 = vector.broadcast %add3A_19 : f32 to vector<1024x1536xf32>
    %add3A_21 = arith.addf %add3A_20, %erf3A : vector<1024x1536xf32>
    %mul3A_22 = arith.mulf %mul3A_15, %add3A_21 : vector<1024x1536xf32>
    %get3A_23 = arith.constant 0 : index
    %get3A_24 = arith.constant 0 : index
    %get3A_25 = arith.constant 0 : index
    %get3A_26 = vector.load %arg4[%get3A_23, %get3A_24, %get3A_25] : memref<1x768x1536xf32, #tpu.memory_space<vmem>>, vector<1x768x1536xf32>
    %get3A_27 = vector.shape_cast %get3A_26 : vector<1x768x1536xf32> to vector<768x1536xf32>
    %dot_general3A_28 = arith.constant dense<0.000000e+00> : vector<1024x768xf32>
    %dot_general3A_29 = tpu.matmul %mul3A_22, %get3A_27, %dot_general3A_28 {dimension_numbers = #tpu.dot_dimension_numbers<[1], [1], [0], [0], [0, 0, 1, 0], [], []>, transpose_lhs_hint = false} : vector<1024x1536xf32>, vector<768x1536xf32>, vector<1024x768xf32> -> vector<1024x768xf32>
    %get3A_30 = arith.constant 0 : index
    %get3A_31 = arith.constant 0 : index
    %get3A_32 = arith.constant 0 : index
    %get3A_33 = vector.load %arg5[%get3A_30, %get3A_31, %get3A_32] : memref<1x1x768xf32, #tpu.memory_space<vmem>>, vector<1x1x768xf32>
    %get3A_34 = vector.shape_cast %get3A_33 : vector<1x1x768xf32> to vector<1x768xf32>
    %add3A_35 = vector.broadcast %get3A_34 : vector<1x768xf32> to vector<1024x768xf32>
    %add3A_36 = arith.addf %dot_general3A_29, %add3A_35 : vector<1024x768xf32>
    %swap3A = arith.constant 0 : index
    %swap3A_37 = arith.constant 0 : index
    %swap3A_38 = vector.load %arg6[%swap3A, %swap3A_37] : memref<1024x768xf32, #tpu.memory_space<vmem>>, vector<1024x768xf32>
    tpu.vector_store %arg6[%swap3A, %swap3A_37], %add3A_36 {strides = array<i32>} : memref<1024x768xf32, #tpu.memory_space<vmem>>, vector<1024x768xf32>,
    return
  }
  func.func @transform_0(%arg0: i32) -> (i32, i32) {
    %c0_i32 = arith.constant 0 : i32
    %c0_i32_0 = arith.constant 0 : i32
    return %arg0, %c0_i32 : i32, i32
  }
  func.func @transform_1(%arg0: i32) -> (i32, i32, i32) {
    %c0_i32 = arith.constant 0 : i32
    %c0_i32_0 = arith.constant 0 : i32
    %c0_i32_1 = arith.constant 0 : i32
    %c0_i32_2 = arith.constant 0 : i32
    return %c0_i32, %c0_i32_0, %c0_i32_1 : i32, i32, i32
  }
  func.func @transform_2(%arg0: i32) -> (i32, i32, i32) {
    %c0_i32 = arith.constant 0 : i32
    %c0_i32_0 = arith.constant 0 : i32
    %c0_i32_1 = arith.constant 0 : i32
    %c0_i32_2 = arith.constant 0 : i32
    return %c0_i32, %c0_i32_0, %c0_i32_1 : i32, i32, i32
  }
  func.func @transform_3(%arg0: i32) -> (i32, i32, i32) {
    %c0_i32 = arith.constant 0 : i32
    %c0_i32_0 = arith.constant 0 : i32
    %c0_i32_1 = arith.constant 0 : i32
    %c0_i32_2 = arith.constant 0 : i32
    return %c0_i32, %c0_i32_0, %c0_i32_1 : i32, i32, i32
  }
  func.func @transform_4(%arg0: i32) -> (i32, i32, i32) {
    %c0_i32 = arith.constant 0 : i32
    %c0_i32_0 = arith.constant 0 : i32
    %c0_i32_1 = arith.constant 0 : i32
    %c0_i32_2 = arith.constant 0 : i32
    return %c0_i32, %c0_i32_0, %c0_i32_1 : i32, i32, i32
  }
  func.func @transform_5(%arg0: i32) -> (i32, i32) {
    %c0_i32 = arith.constant 0 : i32
    %c0_i32_0 = arith.constant 0 : i32
    return %arg0, %c0_i32 : i32, i32
  }
}

module attributes {stable_mosaic.version = 14 : i64} {
  func.func @_combine_kernel(%arg0: i32, %arg1: memref<2048x768xf32, #tpu.memory_space<vmem>>, %arg2: memref<2048x768xf32, #tpu.memory_space<vmem>>, %arg3: memref<2048x768xf32, #tpu.memory_space<vmem>>, %arg4: memref<2048x768xf32, #tpu.memory_space<vmem>>, %arg5: memref<2048x768xf32, #tpu.memory_space<vmem>>) attributes {dimension_semantics = [#tpu.dimension_semantics<arbitrary>], iteration_bounds = array<i64: 1>, scalar_prefetch = 0 : i64, scratch_operands = 0 : i64, tpu.core_type = #tpu.core_type<tc>, window_params = [{pipeline_mode = #tpu.pipeline_mode<synchronous>, transform_indices = @transform_0, window_bounds = array<i64: 2048, 768>}, {pipeline_mode = #tpu.pipeline_mode<synchronous>, transform_indices = @transform_1, window_bounds = array<i64: 2048, 768>}, {pipeline_mode = #tpu.pipeline_mode<synchronous>, transform_indices = @transform_2, window_bounds = array<i64: 2048, 768>}, {pipeline_mode = #tpu.pipeline_mode<synchronous>, transform_indices = @transform_3, window_bounds = array<i64: 2048, 768>}, {pipeline_mode = #tpu.pipeline_mode<synchronous>, transform_indices = @transform_4, window_bounds = array<i64: 2048, 768>}]} {
    %get3A = arith.constant 0 : index
    %get3A_0 = arith.constant 0 : index
    %get3A_1 = vector.load %arg1[%get3A, %get3A_0] : memref<2048x768xf32, #tpu.memory_space<vmem>>, vector<2048x768xf32>
    %get3A_2 = arith.constant 0 : index
    %get3A_3 = arith.constant 0 : index
    %get3A_4 = vector.load %arg2[%get3A_2, %get3A_3] : memref<2048x768xf32, #tpu.memory_space<vmem>>, vector<2048x768xf32>
    %add3A = arith.addf %get3A_1, %get3A_4 : vector<2048x768xf32>
    %get3A_5 = arith.constant 0 : index
    %get3A_6 = arith.constant 0 : index
    %get3A_7 = vector.load %arg3[%get3A_5, %get3A_6] : memref<2048x768xf32, #tpu.memory_space<vmem>>, vector<2048x768xf32>
    %add3A_8 = arith.addf %add3A, %get3A_7 : vector<2048x768xf32>
    %get3A_9 = arith.constant 0 : index
    %get3A_10 = arith.constant 0 : index
    %get3A_11 = vector.load %arg4[%get3A_9, %get3A_10] : memref<2048x768xf32, #tpu.memory_space<vmem>>, vector<2048x768xf32>
    %add3A_12 = arith.addf %add3A_8, %get3A_11 : vector<2048x768xf32>
    %swap3A = arith.constant 0 : index
    %swap3A_13 = arith.constant 0 : index
    %swap3A_14 = vector.load %arg5[%swap3A, %swap3A_13] : memref<2048x768xf32, #tpu.memory_space<vmem>>, vector<2048x768xf32>
    tpu.vector_store %arg5[%swap3A, %swap3A_13], %add3A_12 {strides = array<i32>} : memref<2048x768xf32, #tpu.memory_space<vmem>>, vector<2048x768xf32>,
    return
  }
  func.func @transform_0(%arg0: i32) -> (i32, i32) {
    %c0_i32 = arith.constant 0 : i32
    %c0_i32_0 = arith.constant 0 : i32
    %c0_i32_1 = arith.constant 0 : i32
    return %c0_i32, %c0_i32_0 : i32, i32
  }
  func.func @transform_1(%arg0: i32) -> (i32, i32) {
    %c0_i32 = arith.constant 0 : i32
    %c0_i32_0 = arith.constant 0 : i32
    %c0_i32_1 = arith.constant 0 : i32
    return %c0_i32, %c0_i32_0 : i32, i32
  }
  func.func @transform_2(%arg0: i32) -> (i32, i32) {
    %c0_i32 = arith.constant 0 : i32
    %c0_i32_0 = arith.constant 0 : i32
    %c0_i32_1 = arith.constant 0 : i32
    return %c0_i32, %c0_i32_0 : i32, i32
  }
  func.func @transform_3(%arg0: i32) -> (i32, i32) {
    %c0_i32 = arith.constant 0 : i32
    %c0_i32_0 = arith.constant 0 : i32
    %c0_i32_1 = arith.constant 0 : i32
    return %c0_i32, %c0_i32_0 : i32, i32
  }
  func.func @transform_4(%arg0: i32) -> (i32, i32) {
    %c0_i32 = arith.constant 0 : i32
    %c0_i32_0 = arith.constant 0 : i32
    %c0_i32_1 = arith.constant 0 : i32
    return %c0_i32, %c0_i32_0 : i32, i32
  }
}

</mosaic_0001>

<sc_bundles>
// kernel: kernel.12.cloned.1.call-start
scs
__scs_entry_jumppad:
0x0: {  	(pc) =	sbr.rel $0x88, $3  }
0x1: {  	(tag) =	ssettag $0x0;
	lr =	simm.s32 $0x1  }
0x2: {  	[smem:$0x3F91] =	sst lr;
	_ =	strace $0xD0000000  }
0x3: {  	_ = 	snop  }
0x4: {  	_ = 	snop  }
0x5: {  	_ = 	snop  }
0x6: {  	_ = 	snop  }
0x7: {  	_ = 	snop  }
__scs_overlays_trampoline_lowered:
0x8: {  	[smem:$0x3FA0] =	sst s0  }
0x9: {  	[smem:$0x3FA1] =	sst s1  }
0xa: {  	[smem:$0x3FA2] =	sst s2  }
0xb: {  	[smem:$0x3FA3] =	sst s3  }
0xc: {  	[smem:$0x3FA4] =	sst s4  }
0xd: {  	[smem:$0x3FA5] =	sst s5  }
0xe: {  	[smem:$0x3FA6] =	sst s6  }
0xf: {  	[smem:$0x3FA7] =	sst s7  }
0x10: {  	[smem:$0x3FA8] =	sst s8  }
0x11: {  	[smem:$0x3FA9] =	sst s9;
	s0 =	simm.s32 @!p0 $0x0  }
0x12: {  	s1 =	sld [smem:$0x3F8F];
	s0 =	simm.s32 @p0 $0x1  }
0x13: {  	[smem:$0x3FAA] =	sst s0;
	s0 =	simm.s32 @!p1 $0x0  }
0x14: {  	s2 =	sld [smem:$0x3F8E];
	s0 =	simm.s32 @p1 $0x1  }
0x15: {  	[smem:$0x3FAB] =	sst s0;
	s0 =	simm.s32 @!p2 $0x0  }
0x16: {  	s3 =	sld [smem:$0x3FDB];
	s0 =	simm.s32 @p2 $0x1  }
0x17: {  	s4 =	simm.s32 $0x1BF5;
	[smem:$0x3FAD] =	sst s0  }
0x18: {  	s0 =	sld [smem:$0x3F90];
	_ =	swait.ge [sflag:s4], $0x0  }
0x19: {  	s7 =	sld [smem:$0x3F91]  }
0x1a: {  	s8 =	sadd.s32 $0xFFFFE003, lr  }
0x1b: {  	s9 =	sadd.s32 $0xFFFFFEF7, lr;
	s5 =	simm.s32 $0xFFFFFFFF;
	p2 =	slt.u32 s8, $0xFFFFF086  }
0x1c: {  	p1 =	slt.u32 s9, $0xF7A;
	s5 =	simm.s32 @!p2 $0x0  }
0x1d: {  	s5 =	simm.s32 @p1 $0x1;
	p0 =	seq.s32 s7, s2  }
0x1e: {  	s7 =	smul.u32 @!p0 $0xF7A, s2;
	p2 =	seq.s32 @!p0 s5, $0x0  }
0x1f: {  	s9 =	smul.u32 $0xF7A, s1;
	s8 =	simm.s32 @!p0 $0x1BF5;
	p2 =	por !p2, p0  }
0x20: {  	[sflag:s8] =	ssyncset.s32 @!p0 $0xFFFFF086;
	s6 =	sadd.s32 @!p0 s3, s7;
	s7 =	simm.s32 @!p0 $0x108  }
0x21: {  	s3 =	sadd.s32 s3, s9;
	s6 =	sadd.s32 @!p0 $0x88, s6;
	s7 =	simm.s32 @p2 $0x1082  }
0x22: {  	[simem:s7], [sflag:s8] =	dma.local @!p0 [hbm:s6], $0xF7A  }
0x23: {  	s9 =	sor.u32 $0xD0000000, s2;
	s6 =	simm.s32 $0x108;
	_ =	swait.ge @!p0 [sflag:s8], $0x0  }
0x24: {  	s3 =	sadd.s32 $0x88, s3;
	s6 =	simm.s32 @!p1 $0x1082;
	[sflag:s4] =	ssyncset.s32 $0xFFFFF086  }
0x25: {  	[simem:s6], [sflag:s4] =	dma.local [hbm:s3], $0xF7A  }
0x26: {  	[smem:$0x3F91] =	sst s1;
	(tag) =	ssettag s2;
	_ =	strace s9  }
0x27: {  	s1 =	sld [smem:$0x3FA1]  }
0x28: {  	s2 =	sld [smem:$0x3FA2]  }
0x29: {  	s4 =	sld [smem:$0x3FA4]  }
0x2a: {  	p0 =	seq.s32 s5, $0x0;
	s5 =	sld [smem:$0x3FA5]  }
0x2b: {  	s6 =	sld [smem:$0x3FA6]  }
0x2c: {  	s7 =	sld [smem:$0x3FA7]  }
0x2d: {  	s3 =	simm.s32 $0x108;
	s8 =	sld [smem:$0x3FA8]  }
0x2e: {  	s3 =	simm.s32 @!p0 $0x1082;
	s9 =	sld [smem:$0x3FA9]  }
0x2f: {  	lr =	sadd.s32 s0, s3;
	s0 =	sld [smem:$0x3FA0]  }
0x30: {  	s3 =	sld [smem:$0x3FA3]  }
0x31: {  	[smem:$0x3FAC] =	sst s10  }
0x32: {  	s10 =	sld [smem:$0x3FAA];
	_ =	sdelay $0x3  }
0x33: {  	p0 =	seq.s32 s10, $0x1;
	s10 =	sld [smem:$0x3FAC];
	_ =	sdelay $0x3  }
0x34: {  	[smem:$0x3FAC] =	sst s10  }
0x35: {  	s10 =	sld [smem:$0x3FAB];
	_ =	sdelay $0x3  }
0x36: {  	p1 =	seq.s32 s10, $0x1;
	s10 =	sld [smem:$0x3FAC];
	_ =	sdelay $0x3  }
0x37: {  	[smem:$0x3FAC] =	sst s10  }
0x38: {  	s10 =	sld [smem:$0x3FAD]  }
0x39: {  	_ = 	snop;
	(pc) =	sbr.ind lr, $3  }
0x3a: {  	_ = 	snop  }
0x3b: {  	_ = 	snop  }
0x3c: {  	p2 =	seq.s32 s10, $0x1;
	s10 =	sld [smem:$0x3FAC]  }
0x3d: {  	_ =	shalt  }
0x3e: {  	_ =	shalt  }
0x3f: {  	_ =	shalt  }
0x40: {  	_ =	shalt  }
0x41: {  	_ =	shalt  }
0x42: {  	_ =	shalt  }
0x43: {  	_ =	shalt  }
0x44: {  	_ =	shalt  }
0x45: {  	_ =	shalt  }
0x46: {  	_ =	shalt  }
0x47: {  	_ =	shalt  }
0x48: {  	_ =	shalt  }
0x49: {  	_ =	shalt  }
0x4a: {  	_ =	shalt  }
0x4b: {  	_ =	shalt  }
0x4c: {  	_ =	shalt  }
0x4d: {  	_ =	shalt  }
0x4e: {  	_ =	shalt  }
0x4f: {  	_ =	shalt  }
0x50: {  	_ =	shalt  }
0x51: {  	_ =	shalt  }
0x52: {  	_ =	shalt  }
0x53: {  	_ =	shalt  }
0x54: {  	_ =	shalt  }
0x55: {  	_ =	shalt  }
0x56: {  	_ =	shalt  }
0x57: {  	_ =	shalt  }
0x58: {  	_ =	shalt  }
0x59: {  	_ =	shalt  }
0x5a: {  	_ =	shalt  }
0x5b: {  	_ =	shalt  }
0x5c: {  	_ =	shalt  }
0x5d: {  	_ =	shalt  }
0x5e: {  	_ =	shalt  }
0x5f: {  	_ =	shalt  }
0x60: {  	_ =	shalt  }
0x61: {  	_ =	shalt  }
0x62: {  	_ =	shalt  }
0x63: {  	_ =	shalt  }
0x64: {  	_ =	shalt  }
0x65: {  	_ =	shalt  }
0x66: {  	_ =	shalt  }
0x67: {  	_ =	shalt  }
0x68: {  	_ =	shalt  }
0x69: {  	_ =	shalt  }
0x6a: {  	_ =	shalt  }
0x6b: {  	_ =	shalt  }
0x6c: {  	_ =	shalt  }
0x6d: {  	_ =	shalt  }
0x6e: {  	_ =	shalt  }
0x6f: {  	_ =	shalt  }
0x70: {  	_ =	shalt  }
0x71: {  	_ =	shalt  }
0x72: {  	_ =	shalt  }
0x73: {  	_ =	shalt  }
0x74: {  	_ =	shalt  }
0x75: {  	_ =	shalt  }
0x76: {  	_ =	shalt  }
0x77: {  	_ =	shalt  }
0x78: {  	_ =	shalt  }
0x79: {  	_ =	shalt  }
0x7a: {  	_ =	shalt  }
0x7b: {  	_ =	shalt  }
0x7c: {  	_ =	shalt  }
0x7d: {  	_ =	shalt  }
0x7e: {  	_ =	shalt  }
0x7f: {  	_ =	shalt  }
0x80: {  	_ =	shalt  }
0x81: {  	_ =	shalt  }
0x82: {  	_ =	shalt  }
0x83: {  	_ =	shalt  }
0x84: {  	_ =	shalt  }
0x85: {  	_ =	shalt  }
0x86: {  	_ =	shalt  }
0x87: {  	_ =	shalt  }
.Lfunc_end0:
.L_simem_size_0:
called_computation.1_lowered:
.L_overlay_start_0:
0x88: {  	s2 =	sld [smem:$0x3FD9]  }
0x89: {  	s3 =	sld [smem:$0x3FFE];
	_ =	sdelay $0x1  }
0x8a: {  	s1 =	srdreg.scid  }
0x8b: {  	s0 =	sand.u32 $0x1, s1  }
0x8c: {  	s14 =	sshll.u32 s0, $0xA;
	s2 =	sadd.s32 s3, s2  }
0x8d: {  	s2 =	sadd.s32 s2, s14  }
0x8e: {  	[smem:$0x3FB8] =	sst s2  }
0x8f: {  	_ = 	snop  }
0x90: {  	s2 =	sld [smem:$0x3FD0];
	_ =	sdelay $0x2  }
0x91: {  	s15 =	simm.s32 $0xA;
	s4 =	simm.s32 $0x10  }
0x92: {  	[smem:s4], [sflag:s15] =	dma.local [hbm:s2], $0x1  }
0x93: {  	_ =	swait.eq [sflag:s15], $0x1  }
0x94: {  	[sflag:s15] =	ssyncset.done $0x0  }
0x95: {  	[sflag:s15] =	ssyncadd.s32 $0xFFFFFFFF  }
0x96: {  	s16 =	sld [smem:$0x10];
	(tm) =	ssettm $0x1  }
0x97: {  	s17 =	sld [smem:$0x3FFB];
	_ =	sdelay $0x3  }
0x98: {  	_ =	strace s17  }
0x99: {  	s3 =	sld [smem:$0x3FFC];
	_ =	sdelay $0x3  }
0x9a: {  	_ =	strace s3  }
0x9b: {  	s3 =	sld [smem:$0x3FFD];
	_ =	sdelay $0x3  }
0x9c: {  	_ =	strace s3  }
0x9d: {  	_ =	strace $0x8FFFFFFF  }
0x9e: {  	s18 =	sld [smem:$0x3FDB];
	_ =	sdelay $0x1  }
0x9f: {  	s19 =	simm.s32 $_scs_section_size  }
0xa0: {  	s5 =	simm.s32 $_size__tile_overlayer_lowered;
	s6 =	simm.s32 $_tile_overlayer_lowered  }
0xa1: {  	s22 =	simm.s32 $0x1BFF;
	s21 =	sshll.u32 s6, $0x1;
	s3 =	sadd.s32 s19, s18  }
0xa2: {  	s7 =	simm.s32 $0x0;
	s20 =	sshll.u32 s5, $0x1;
	s5 =	sadd.s32 s21, s3  }
0xa3: {  	[timem:s7], [sflag:s22] =	dma.local [hbm:s5], s20  }
0xa4: {  	_ =	swait.ge [sflag:s22], s20  }
0xa5: {  	s4 =	ssub.s32 $0x0, s20;
	[sflag:s22] =	ssyncset.done $0x0  }
0xa6: {  	[sflag:s22] =	ssyncadd.s32 s4;
	_ =	sdelay $0x1  }
0xa7: {  	s23 =	simm.s32 $0x1B8B  }
0xa8: {  	_ =	swait.ge [sflag:s23], $0x1  }
0xa9: {  	[sflag:s23] =	ssyncset.done $0x0  }
0xaa: {  	s25 =	simm.s32 $0x1B8E;
	s24 =	sld [smem:$0x3FFE];
	[sflag:s23] =	ssyncadd.s32 $0xFFFFFFFF  }
0xab: {  	s26 =	simm.s32 $execute0_lowered;
	[smem:$0x3FD2] =	sst s25  }
0xac: {  	s5 =	sshll.u32 s26, $0x1;
	_ =	strace $0x80000049;
	[dreg:$0x1] =	wrdreg $0xFFFFFFFF  }
0xad: {  	s28 =	simm.s32 $_size_execute0_lowered;
	s3 =	sadd.s32 s3, s5;
	[dreg:$0x0] =	wrdreg $0x0  }
0xae: {  	s5 =	sshll.u32 s28, $0x1;
	[dreg:$0x2] =	wrdreg s3  }
0xaf: {  	[dreg:$0x3] =	wrdreg s5  }
0xb0: {  	[dreg:$0x4] =	wrdreg $0xC0  }
0xb1: {  	_ =	task [dreg:s7], $0x5FFFF  }
0xb2: {  	[dreg:$0x1] =	wrdreg $0xFFFFFFFF  }
0xb3: {  	[dreg:$0x0] =	wrdreg $0x60  }
0xb4: {  	[dreg:$0x2] =	wrdreg s24  }
0xb5: {  	[dreg:$0x3] =	wrdreg s16  }
0xb6: {  	[dreg:$0x4] =	wrdreg $0x9  }
0xb7: {  	_ =	task.clear_ibuf [dreg:s7], $0x5FFFF;
	_ =	strace $0x90000049  }
0xb8: {  	s29 =	simm.s32 $0x9;
	_ =	strace $0x8000004B  }
0xb9: {  	_ =	swait.ge [sflag:s29], $0x1  }
0xba: {  	[sflag:s29] =	ssyncadd.s32 $0xFFFFFFFF  }
0xbb: {  	_ =	strace $0x9000004B  }
0xbc: {  	_ =	sfence  }
0xbd: {  	s30 =	sld [smem:$0x0];
	_ =	sdelay $0x2  }
0xbe: {  	s31 =	sshll.u32 s1, $0xD;
	s1 =	sshrl.u32 s1, $0x2  }
0xbf: {  	s3 =	sand.u32 $0x4000, s31;
	s1 =	sadd.s32 s1, s30  }
0xc0: {  	s0 =	sor.u32 s3, s0;
	s1 =	sshll.u32 s1, $0x11  }
0xc1: {  	s0 =	sor.u32 s1, s0  }
0xc2: {  	s0 =	sadd.s32 $0x8F2B, s0  }
0xc3: {  	[sflag:s0] =	ssyncadd.remote.s32 $0x1  }
0xc4: {  	_ =	sfence.sel $0xFFFF  }
0xc5: {  	[dreg:$0x0] =	wrdreg $0xFFFFFFFF;
	(pc) =	sbr.abs _section_cstart, $3  }
0xc6: {  	[dreg:$0x1] =	wrdreg $0xFFFFFFFF  }
0xc7: {  	_ =	task.clear_ibuf [dreg:s7], $0x2FFFF;
	_ =	strace $0x9FFFFFFF  }
0xc8: {  	(tm) =	ssettm $0x7FFFFFFF  }
0xc9: {  	_ =	shalt  }
tec
execute0_lowered:
.L_overlay_start_1:
0x0: {  	(tag) =	ssettag $0x1  }
0x1: {  	s0 =	srdreg.scid;
	s1 =	rddreg [dreg:$0x0]  }
0x2: {  	s2 =	stileid.u32;
	s5 =	rddreg [dreg:$0x1];
	s10 =	simm.s32 $0x2  }
0x3: {  	s14 =	simm.s32 $0x1;
	s16 =	simm.s32 $0x880;
	s17 =	simm.s32 $0x1080  }
0x4: {  	s18 =	simm.s32 $0x1880;
	s19 =	simm.s32 $0x2080;
	s20 =	simm.s32 $0x2880  }
0x5: {  	s21 =	simm.s32 $0x3080;
	s22 =	simm.s32 $0x3880;
	s28 =	simm.s32 $0x6080  }
0x6: {  	s29 =	simm.s32 $0x6880;
	s30 =	simm.s32 $0x7080;
	s31 =	simm.s32 $0x7880  }
0x7: {  	s12 =	simm.s32 $0x9080;
	s13 =	simm.s32 $0x9880;
	s0 =	sand.u32 $0x1, s0  }
0x8: {  	s3 =	sshll.u32 s2, $0x4;
	s2 =	simm.s32 $0x0;
	s4 =	sshll.u32 s0, $0x3  }
0x9: {  	[smem:$0x7FF] =	sst s2;
	s0 =	ssub.s32 $0x2, s0;
	s3 =	sor.u32 s4, s3  }
0xa: {  	_ =	strace $0x8000004A;
	s4 =	sadd.s32 $0x283800, s1;
	s23 =	sshrl.u32 s0, $0x1  }
0xb: {  	s6 =	smul.u32 $0x300, s3;
	s7 =	sadd.s32 s3, s1;
	s3 =	sadd.s32 $0x343800, s1  }
0xc: {  	s0 =	ssub.s32 s0, s23;
	s23 =	simm.s32 $0x4080;
	s9 =	sadd.s32 $0x3400, s7  }
0xd: {  	s24 =	sadd.s32 $0x3500, s7;
	s7 =	sadd.s32 $0x3600, s7;
	[dreg:$0x3] =	wrdreg s9  }
0xe: {  	s8 =	sadd.s32 s6, s1;
	s5 =	sadd.s32 s5, s6;
	[dreg:$0x5] =	wrdreg s24  }
0xf: {  	s6 =	sadd.s32 $0x343A00, s1;
	[dreg:$0x7] =	wrdreg s7;
	s7 =	sadd.s32 $0x283900, s1  }
0x10: {  	s9 =	smax.u32 s0, $0x1;
	s0 =	simm.s32 $0x80;
	s24 =	simm.s32 $0x4880  }
0x11: {  	v2 =	vlaneseq.u32;
	[dreg:$0x4] =	wrdreg s5;
	s25 =	sadd.s32 $0x3800, s8;
	s5 =	sadd.s32 $0x343900, s1  }
0x12: {  	vm0 =	vmmov $0xffff;
	v1 =	vshrl.u32 v2, $0x3;
	s26 =	sadd.s32 $0x33800, s8;
	s8 =	sadd.s32 $0x283A00, s1;
	[dreg:$0x6] =	wrdreg s25  }
0x13: {  	v0 =	vand.u32 $0x7, v2;
	v2 =	vor.u32 $0x8, v2;
	v1 =	vmul.u32 $0x8, v1;
	[dreg:$0x8] =	wrdreg s26;
	s25 =	simm.s32 $0x5080;
	s26 =	simm.s32 $0x5880  }
.LBB2_1:
0x14: {  	s15 =	rddreg [dreg:$0x3]  }
0x15: {  	[tilespmem:s2], [sflag:$0x2] =	stream.linear.gather [hbm4b:s15+s2], $0x40, $0x38;
	[tilespmem:$0xC080] =	vst v63  }
0x16: {  	_ =	swait.ge [sflag:s10], $0x40  }
0x17: {  	[sflag:s10] =	ssyncset.done $0x0  }
0x18: {  	[sflag:s10] =	ssyncadd.s32 $0xFFFFFFC0  }
0x19: {  	v3 =	vld [tilespmem:$0x0];
	_ =	sdelay $0x4  }
0x1a: {  	v4 =	vshrl.u32 v3, $0x3  }
0x1b: {  	v4 =	vmul.u32 $0x30, v4  }
0x1c: {  	v3 =	vand.u32 $0x7, v3  }
0x1d: {  	v3 =	vor.u32 v3, v4  }
0x1e: {  	v4 =	vperm.xlane v3, v0;
	_ =	sdelay $0x1  }
0x1f: {  	v4 =	vadd.s32 v1, v4;
	_ =	sdelay $0x3  }
0x20: {  	v3 =	vperm.xlane v3, v2  }
0x21: {  	[tilespmem:s0], [sflag:$0x1] =	stream.indirect_vreg.gather [hbm4b:s3+s2], $0x80, v4, vm0, $0xb8;
	[tilespmem:$0xC080] =	vst v63  }
0x22: {  	v3 =	vadd.s32 v1, v3  }
0x23: {  	[tilespmem:s16], [sflag:$0x1] =	stream.indirect_vreg.gather [hbm4b:s5+s2], $0x80, v4, vm0, $0xb8;
	[tilespmem:$0xC080] =	vst v63  }
0x24: {  	_ = 	snop  }
0x25: {  	[tilespmem:s17], [sflag:$0x1] =	stream.indirect_vreg.gather [hbm4b:s6+s2], $0x80, v4, vm0, $0xb8;
	[tilespmem:$0xC080] =	vst v63  }
0x26: {  	_ = 	snop  }
0x27: {  	[tilespmem:s18], [sflag:$0x1] =	stream.indirect_vreg.gather [hbm4b:s3+s2], $0x80, v3, vm0, $0xb8;
	[tilespmem:$0xC080] =	vst v63  }
0x28: {  	_ = 	snop  }
0x29: {  	[tilespmem:s19], [sflag:$0x1] =	stream.indirect_vreg.gather [hbm4b:s5+s2], $0x80, v3, vm0, $0xb8;
	[tilespmem:$0xC080] =	vst v63  }
0x2a: {  	_ = 	snop  }
0x2b: {  	[tilespmem:s20], [sflag:$0x1] =	stream.indirect_vreg.gather [hbm4b:s6+s2], $0x80, v3, vm0, $0xb8;
	[tilespmem:$0xC080] =	vst v63  }
0x2c: {  	v3 =	vld [tilespmem:$0x10];
	_ =	sdelay $0x4  }
0x2d: {  	v53 =	vshrl.u32 v3, $0x3  }
0x2e: {  	v4 =	vmul.u32 $0x30, v53  }
0x2f: {  	v3 =	vand.u32 $0x7, v3  }
0x30: {  	v3 =	vor.u32 v3, v4  }
0x31: {  	v4 =	vperm.xlane v3, v0;
	_ =	sdelay $0x1  }
0x32: {  	v4 =	vadd.s32 v1, v4;
	_ =	sdelay $0x3  }
0x33: {  	v3 =	vperm.xlane v3, v2  }
0x34: {  	[tilespmem:s21], [sflag:$0x1] =	stream.indirect_vreg.gather [hbm4b:s3+s2], $0x80, v4, vm0, $0xb8;
	[tilespmem:$0xC080] =	vst v63  }
0x35: {  	v3 =	vadd.s32 v1, v3  }
0x36: {  	[tilespmem:s22], [sflag:$0x1] =	stream.indirect_vreg.gather [hbm4b:s5+s2], $0x80, v4, vm0, $0xb8;
	[tilespmem:$0xC080] =	vst v63  }
0x37: {  	_ = 	snop  }
0x38: {  	[tilespmem:s23], [sflag:$0x1] =	stream.indirect_vreg.gather [hbm4b:s6+s2], $0x80, v4, vm0, $0xb8;
	[tilespmem:$0xC080] =	vst v63  }
0x39: {  	_ = 	snop  }
0x3a: {  	[tilespmem:s24], [sflag:$0x1] =	stream.indirect_vreg.gather [hbm4b:s3+s2], $0x80, v3, vm0, $0xb8;
	[tilespmem:$0xC080] =	vst v63  }
0x3b: {  	_ = 	snop  }
0x3c: {  	[tilespmem:s25], [sflag:$0x1] =	stream.indirect_vreg.gather [hbm4b:s5+s2], $0x80, v3, vm0, $0xb8;
	[tilespmem:$0xC080] =	vst v63  }
0x3d: {  	_ = 	snop  }
0x3e: {  	[tilespmem:s26], [sflag:$0x1] =	stream.indirect_vreg.gather [hbm4b:s6+s2], $0x80, v3, vm0, $0xb8;
	[tilespmem:$0xC080] =	vst v63  }
0x3f: {  	v3 =	vld [tilespmem:$0x20];
	_ =	sdelay $0x4  }
0x40: {  	v54 =	vshrl.u32 v3, $0x3  }
0x41: {  	v4 =	vmul.u32 $0x30, v54  }
0x42: {  	v3 =	vand.u32 $0x7, v3  }
0x43: {  	v3 =	vor.u32 v3, v4  }
0x44: {  	v4 =	vperm.xlane v3, v0;
	_ =	sdelay $0x1  }
0x45: {  	v4 =	vadd.s32 v1, v4;
	_ =	sdelay $0x3  }
0x46: {  	v3 =	vperm.xlane v3, v2  }
0x47: {  	[tilespmem:s28], [sflag:$0x1] =	stream.indirect_vreg.gather [hbm4b:s3+s2], $0x80, v4, vm0, $0xb8;
	[tilespmem:$0xC080] =	vst v63  }
0x48: {  	v3 =	vadd.s32 v1, v3  }
0x49: {  	[tilespmem:s29], [sflag:$0x1] =	stream.indirect_vreg.gather [hbm4b:s5+s2], $0x80, v4, vm0, $0xb8;
	[tilespmem:$0xC080] =	vst v63  }
0x4a: {  	_ = 	snop  }
0x4b: {  	[tilespmem:s30], [sflag:$0x1] =	stream.indirect_vreg.gather [hbm4b:s6+s2], $0x80, v4, vm0, $0xb8;
	[tilespmem:$0xC080] =	vst v63  }
0x4c: {  	_ = 	snop  }
0x4d: {  	[tilespmem:s31], [sflag:$0x1] =	stream.indirect_vreg.gather [hbm4b:s3+s2], $0x80, v3, vm0, $0xb8;
	[tilespmem:$0xC080] =	vst v63  }
0x4e: {  	s1 =	simm.s32 $0x8080  }
0x4f: {  	[tilespmem:s1], [sflag:$0x1] =	stream.indirect_vreg.gather [hbm4b:s5+s2], $0x80, v3, vm0, $0xb8;
	[tilespmem:$0xC080] =	vst v63  }
0x50: {  	s11 =	simm.s32 $0x8880  }
0x51: {  	[tilespmem:s11], [sflag:$0x1] =	stream.indirect_vreg.gather [hbm4b:s6+s2], $0x80, v3, vm0, $0xb8;
	[tilespmem:$0xC080] =	vst v63  }
0x52: {  	v3 =	vld [tilespmem:$0x30];
	_ =	sdelay $0x4  }
0x53: {  	v55 =	vshrl.u32 v3, $0x3  }
0x54: {  	v4 =	vmul.u32 $0x30, v55  }
0x55: {  	v3 =	vand.u32 $0x7, v3  }
0x56: {  	v3 =	vor.u32 v3, v4  }
0x57: {  	v4 =	vperm.xlane v3, v0;
	_ =	sdelay $0x1  }
0x58: {  	v4 =	vadd.s32 v1, v4;
	_ =	sdelay $0x3  }
0x59: {  	v3 =	vperm.xlane v3, v2  }
0x5a: {  	[tilespmem:s12], [sflag:$0x1] =	stream.indirect_vreg.gather [hbm4b:s3+s2], $0x80, v4, vm0, $0xb8;
	[tilespmem:$0xC080] =	vst v63  }
0x5b: {  	v3 =	vadd.s32 v1, v3  }
0x5c: {  	[tilespmem:s13], [sflag:$0x1] =	stream.indirect_vreg.gather [hbm4b:s5+s2], $0x80, v4, vm0, $0xb8;
	[tilespmem:$0xC080] =	vst v63  }
0x5d: {  	s11 =	simm.s32 $0xA080  }
0x5e: {  	[tilespmem:s11], [sflag:$0x1] =	stream.indirect_vreg.gather [hbm4b:s6+s2], $0x80, v4, vm0, $0xb8;
	[tilespmem:$0xC080] =	vst v63  }
0x5f: {  	s15 =	simm.s32 $0xA880  }
0x60: {  	[tilespmem:s15], [sflag:$0x1] =	stream.indirect_vreg.gather [hbm4b:s3+s2], $0x80, v3, vm0, $0xb8;
	[tilespmem:$0xC080] =	vst v63  }
0x61: {  	s15 =	simm.s32 $0xB080  }
0x62: {  	[tilespmem:s15], [sflag:$0x1] =	stream.indirect_vreg.gather [hbm4b:s5+s2], $0x80, v3, vm0, $0xb8;
	[tilespmem:$0xC080] =	vst v63  }
0x63: {  	s15 =	simm.s32 $0xB880  }
0x64: {  	[tilespmem:s15], [sflag:$0x1] =	stream.indirect_vreg.gather [hbm4b:s6+s2], $0x80, v3, vm0, $0xb8;
	[tilespmem:$0xC080] =	vst v63  }
0x65: {  	_ =	swait.ge [sflag:s14], $0xC000  }
0x66: {  	[sflag:s14] =	ssyncset.done $0x0  }
0x67: {  	s15 =	rddreg [dreg:$0x4];
	[sflag:s14] =	ssyncadd.s32 $0xFFFF4000  }
0x68: {  	[hbm4b:s15+s2] =	stream.linear.scatter [tilespmem:s0], [sflag:$0x2], $0xC000, $0x38;
	[tilespmem:$0xC080] =	vst v63  }
0x69: {  	_ =	swait.ge [sflag:s10], $0xC000  }
0x6a: {  	[sflag:s10] =	ssyncset.done $0x0  }
0x6b: {  	s15 =	rddreg [dreg:$0x5];
	[sflag:s10] =	ssyncadd.s32 $0xFFFF4000  }
0x6c: {  	[tilespmem:s2], [sflag:$0x2] =	stream.linear.gather [hbm4b:s15+s2], $0x40, $0x38;
	[tilespmem:$0xC080] =	vst v63  }
0x6d: {  	_ =	swait.ge [sflag:s10], $0x40  }
0x6e: {  	[sflag:s10] =	ssyncset.done $0x0  }
0x6f: {  	[sflag:s10] =	ssyncadd.s32 $0xFFFFFFC0  }
0x70: {  	v3 =	vld [tilespmem:$0x0];
	_ =	sdelay $0x4  }
0x71: {  	v56 =	vshrl.u32 v3, $0x3  }
0x72: {  	v4 =	vmul.u32 $0x30, v56  }
0x73: {  	v3 =	vand.u32 $0x7, v3  }
0x74: {  	v3 =	vor.u32 v3, v4  }
0x75: {  	v4 =	vperm.xlane v3, v0;
	_ =	sdelay $0x1  }
0x76: {  	v4 =	vadd.s32 v1, v4;
	_ =	sdelay $0x3  }
0x77: {  	v3 =	vperm.xlane v3, v2  }
0x78: {  	[tilespmem:s0], [sflag:$0x1] =	stream.indirect_vreg.gather [hbm4b:s3+s2], $0x80, v4, vm0, $0xb8;
	[tilespmem:$0xC080] =	vst v63  }
0x79: {  	v3 =	vadd.s32 v1, v3  }
0x7a: {  	[tilespmem:s16], [sflag:$0x1] =	stream.indirect_vreg.gather [hbm4b:s5+s2], $0x80, v4, vm0, $0xb8;
	[tilespmem:$0xC080] =	vst v63  }
0x7b: {  	_ = 	snop  }
0x7c: {  	[tilespmem:s17], [sflag:$0x1] =	stream.indirect_vreg.gather [hbm4b:s6+s2], $0x80, v4, vm0, $0xb8;
	[tilespmem:$0xC080] =	vst v63  }
0x7d: {  	_ = 	snop  }
0x7e: {  	[tilespmem:s18], [sflag:$0x1] =	stream.indirect_vreg.gather [hbm4b:s3+s2], $0x80, v3, vm0, $0xb8;
	[tilespmem:$0xC080] =	vst v63  }
0x7f: {  	_ = 	snop  }
0x80: {  	[tilespmem:s19], [sflag:$0x1] =	stream.indirect_vreg.gather [hbm4b:s5+s2], $0x80, v3, vm0, $0xb8;
	[tilespmem:$0xC080] =	vst v63  }
0x81: {  	_ = 	snop  }
0x82: {  	[tilespmem:s20], [sflag:$0x1] =	stream.indirect_vreg.gather [hbm4b:s6+s2], $0x80, v3, vm0, $0xb8;
	[tilespmem:$0xC080] =	vst v63  }
0x83: {  	v3 =	vld [tilespmem:$0x10];
	_ =	sdelay $0x4  }
0x84: {  	v57 =	vshrl.u32 v3, $0x3  }
0x85: {  	v4 =	vmul.u32 $0x30, v57  }
0x86: {  	v3 =	vand.u32 $0x7, v3  }
0x87: {  	v3 =	vor.u32 v3, v4  }
0x88: {  	v4 =	vperm.xlane v3, v0;
	_ =	sdelay $0x1  }
0x89: {  	v4 =	vadd.s32 v1, v4;
	_ =	sdelay $0x3  }
0x8a: {  	v3 =	vperm.xlane v3, v2  }
0x8b: {  	[tilespmem:s21], [sflag:$0x1] =	stream.indirect_vreg.gather [hbm4b:s3+s2], $0x80, v4, vm0, $0xb8;
	[tilespmem:$0xC080] =	vst v63  }
0x8c: {  	v3 =	vadd.s32 v1, v3  }
0x8d: {  	[tilespmem:s22], [sflag:$0x1] =	stream.indirect_vreg.gather [hbm4b:s5+s2], $0x80, v4, vm0, $0xb8;
	[tilespmem:$0xC080] =	vst v63  }
0x8e: {  	_ = 	snop  }
0x8f: {  	[tilespmem:s23], [sflag:$0x1] =	stream.indirect_vreg.gather [hbm4b:s6+s2], $0x80, v4, vm0, $0xb8;
	[tilespmem:$0xC080] =	vst v63  }
0x90: {  	_ = 	snop  }
0x91: {  	[tilespmem:s24], [sflag:$0x1] =	stream.indirect_vreg.gather [hbm4b:s3+s2], $0x80, v3, vm0, $0xb8;
	[tilespmem:$0xC080] =	vst v63  }
0x92: {  	_ = 	snop  }
0x93: {  	[tilespmem:s25], [sflag:$0x1] =	stream.indirect_vreg.gather [hbm4b:s5+s2], $0x80, v3, vm0, $0xb8;
	[tilespmem:$0xC080] =	vst v63  }
0x94: {  	_ = 	snop  }
0x95: {  	[tilespmem:s26], [sflag:$0x1] =	stream.indirect_vreg.gather [hbm4b:s6+s2], $0x80, v3, vm0, $0xb8;
	[tilespmem:$0xC080] =	vst v63  }
0x96: {  	v3 =	vld [tilespmem:$0x20];
	_ =	sdelay $0x4  }
0x97: {  	v58 =	vshrl.u32 v3, $0x3  }
0x98: {  	v4 =	vmul.u32 $0x30, v58  }
0x99: {  	v3 =	vand.u32 $0x7, v3  }
0x9a: {  	v3 =	vor.u32 v3, v4  }
0x9b: {  	v4 =	vperm.xlane v3, v0;
	_ =	sdelay $0x1  }
0x9c: {  	v4 =	vadd.s32 v1, v4;
	_ =	sdelay $0x3  }
0x9d: {  	v3 =	vperm.xlane v3, v2  }
0x9e: {  	[tilespmem:s28], [sflag:$0x1] =	stream.indirect_vreg.gather [hbm4b:s3+s2], $0x80, v4, vm0, $0xb8;
	[tilespmem:$0xC080] =	vst v63  }
0x9f: {  	v3 =	vadd.s32 v1, v3  }
0xa0: {  	[tilespmem:s29], [sflag:$0x1] =	stream.indirect_vreg.gather [hbm4b:s5+s2], $0x80, v4, vm0, $0xb8;
	[tilespmem:$0xC080] =	vst v63  }
0xa1: {  	_ = 	snop  }
0xa2: {  	[tilespmem:s30], [sflag:$0x1] =	stream.indirect_vreg.gather [hbm4b:s6+s2], $0x80, v4, vm0, $0xb8;
	[tilespmem:$0xC080] =	vst v63  }
0xa3: {  	_ = 	snop  }
0xa4: {  	[tilespmem:s31], [sflag:$0x1] =	stream.indirect_vreg.gather [hbm4b:s3+s2], $0x80, v3, vm0, $0xb8;
	[tilespmem:$0xC080] =	vst v63  }
0xa5: {  	_ = 	snop  }
0xa6: {  	[tilespmem:s1], [sflag:$0x1] =	stream.indirect_vreg.gather [hbm4b:s5+s2], $0x80, v3, vm0, $0xb8;
	[tilespmem:$0xC080] =	vst v63  }
0xa7: {  	s15 =	simm.s32 $0x8880  }
0xa8: {  	[tilespmem:s15], [sflag:$0x1] =	stream.indirect_vreg.gather [hbm4b:s6+s2], $0x80, v3, vm0, $0xb8;
	[tilespmem:$0xC080] =	vst v63  }
0xa9: {  	v3 =	vld [tilespmem:$0x30];
	_ =	sdelay $0x4  }
0xaa: {  	v59 =	vshrl.u32 v3, $0x3  }
0xab: {  	v4 =	vmul.u32 $0x30, v59  }
0xac: {  	v3 =	vand.u32 $0x7, v3  }
0xad: {  	v3 =	vor.u32 v3, v4  }
0xae: {  	v4 =	vperm.xlane v3, v0;
	_ =	sdelay $0x1  }
0xaf: {  	v4 =	vadd.s32 v1, v4;
	_ =	sdelay $0x3  }
0xb0: {  	v3 =	vperm.xlane v3, v2  }
0xb1: {  	[tilespmem:s12], [sflag:$0x1] =	stream.indirect_vreg.gather [hbm4b:s3+s2], $0x80, v4, vm0, $0xb8;
	[tilespmem:$0xC080] =	vst v63  }
0xb2: {  	v3 =	vadd.s32 v1, v3  }
0xb3: {  	[tilespmem:s13], [sflag:$0x1] =	stream.indirect_vreg.gather [hbm4b:s5+s2], $0x80, v4, vm0, $0xb8;
	[tilespmem:$0xC080] =	vst v63  }
0xb4: {  	_ = 	snop  }
0xb5: {  	[tilespmem:s11], [sflag:$0x1] =	stream.indirect_vreg.gather [hbm4b:s6+s2], $0x80, v4, vm0, $0xb8;
	[tilespmem:$0xC080] =	vst v63  }
0xb6: {  	s15 =	simm.s32 $0xA880  }
0xb7: {  	[tilespmem:s15], [sflag:$0x1] =	stream.indirect_vreg.gather [hbm4b:s3+s2], $0x80, v3, vm0, $0xb8;
	[tilespmem:$0xC080] =	vst v63  }
0xb8: {  	s15 =	simm.s32 $0xB080  }
0xb9: {  	[tilespmem:s15], [sflag:$0x1] =	stream.indirect_vreg.gather [hbm4b:s5+s2], $0x80, v3, vm0, $0xb8;
	[tilespmem:$0xC080] =	vst v63  }
0xba: {  	s15 =	simm.s32 $0xB880  }
0xbb: {  	[tilespmem:s15], [sflag:$0x1] =	stream.indirect_vreg.gather [hbm4b:s6+s2], $0x80, v3, vm0, $0xb8;
	[tilespmem:$0xC080] =	vst v63  }
0xbc: {  	_ =	swait.ge [sflag:s14], $0xC000  }
0xbd: {  	[sflag:s14] =	ssyncset.done $0x0  }
0xbe: {  	s15 =	rddreg [dreg:$0x6];
	[sflag:s14] =	ssyncadd.s32 $0xFFFF4000  }
0xbf: {  	[hbm4b:s15+s2] =	stream.linear.scatter [tilespmem:s0], [sflag:$0x2], $0xC000, $0x38;
	[tilespmem:$0xC080] =	vst v63  }
0xc0: {  	_ =	swait.ge [sflag:s10], $0xC000  }
0xc1: {  	[sflag:s10] =	ssyncset.done $0x0  }
0xc2: {  	s15 =	rddreg [dreg:$0x7];
	[sflag:s10] =	ssyncadd.s32 $0xFFFF4000  }
0xc3: {  	[tilespmem:s2], [sflag:$0x2] =	stream.linear.gather [hbm4b:s15+s2], $0x40, $0x38;
	[tilespmem:$0xC080] =	vst v63  }
0xc4: {  	_ =	swait.ge [sflag:s10], $0x40  }
0xc5: {  	[sflag:s10] =	ssyncset.done $0x0  }
0xc6: {  	[sflag:s10] =	ssyncadd.s32 $0xFFFFFFC0  }
0xc7: {  	v3 =	vld [tilespmem:$0x0];
	_ =	sdelay $0x4  }
0xc8: {  	v60 =	vshrl.u32 v3, $0x3  }
0xc9: {  	v4 =	vmul.u32 $0x30, v60  }
0xca: {  	v3 =	vand.u32 $0x7, v3  }
0xcb: {  	v3 =	vor.u32 v3, v4  }
0xcc: {  	v4 =	vperm.xlane v3, v0;
	_ =	sdelay $0x1  }
0xcd: {  	v4 =	vadd.s32 v1, v4;
	_ =	sdelay $0x3  }
0xce: {  	v3 =	vperm.xlane v3, v2  }
0xcf: {  	[tilespmem:s0], [sflag:$0x1] =	stream.indirect_vreg.gather [hbm4b:s4+s2], $0x80, v4, vm0, $0xb8;
	[tilespmem:$0xC080] =	vst v63  }
0xd0: {  	v3 =	vadd.s32 v1, v3  }
0xd1: {  	[tilespmem:s16], [sflag:$0x1] =	stream.indirect_vreg.gather [hbm4b:s7+s2], $0x80, v4, vm0, $0xb8;
	[tilespmem:$0xC080] =	vst v63  }
0xd2: {  	_ = 	snop  }
0xd3: {  	[tilespmem:s17], [sflag:$0x1] =	stream.indirect_vreg.gather [hbm4b:s8+s2], $0x80, v4, vm0, $0xb8;
	[tilespmem:$0xC080] =	vst v63  }
0xd4: {  	_ = 	snop  }
0xd5: {  	[tilespmem:s18], [sflag:$0x1] =	stream.indirect_vreg.gather [hbm4b:s4+s2], $0x80, v3, vm0, $0xb8;
	[tilespmem:$0xC080] =	vst v63  }
0xd6: {  	_ = 	snop  }
0xd7: {  	[tilespmem:s19], [sflag:$0x1] =	stream.indirect_vreg.gather [hbm4b:s7+s2], $0x80, v3, vm0, $0xb8;
	[tilespmem:$0xC080] =	vst v63  }
0xd8: {  	_ = 	snop  }
0xd9: {  	[tilespmem:s20], [sflag:$0x1] =	stream.indirect_vreg.gather [hbm4b:s8+s2], $0x80, v3, vm0, $0xb8;
	[tilespmem:$0xC080] =	vst v63  }
0xda: {  	v3 =	vld [tilespmem:$0x10];
	_ =	sdelay $0x4  }
0xdb: {  	v61 =	vshrl.u32 v3, $0x3  }
0xdc: {  	v4 =	vmul.u32 $0x30, v61  }
0xdd: {  	v3 =	vand.u32 $0x7, v3  }
0xde: {  	v3 =	vor.u32 v3, v4  }
0xdf: {  	v4 =	vperm.xlane v3, v0;
	_ =	sdelay $0x1  }
0xe0: {  	v4 =	vadd.s32 v1, v4;
	_ =	sdelay $0x3  }
0xe1: {  	v3 =	vperm.xlane v3, v2  }
0xe2: {  	[tilespmem:s21], [sflag:$0x1] =	stream.indirect_vreg.gather [hbm4b:s4+s2], $0x80, v4, vm0, $0xb8;
	[tilespmem:$0xC080] =	vst v63  }
0xe3: {  	v3 =	vadd.s32 v1, v3  }
0xe4: {  	[tilespmem:s22], [sflag:$0x1] =	stream.indirect_vreg.gather [hbm4b:s7+s2], $0x80, v4, vm0, $0xb8;
	[tilespmem:$0xC080] =	vst v63  }
0xe5: {  	_ = 	snop  }
0xe6: {  	[tilespmem:s23], [sflag:$0x1] =	stream.indirect_vreg.gather [hbm4b:s8+s2], $0x80, v4, vm0, $0xb8;
	[tilespmem:$0xC080] =	vst v63  }
0xe7: {  	_ = 	snop  }
0xe8: {  	[tilespmem:s24], [sflag:$0x1] =	stream.indirect_vreg.gather [hbm4b:s4+s2], $0x80, v3, vm0, $0xb8;
	[tilespmem:$0xC080] =	vst v63  }
0xe9: {  	_ = 	snop  }
0xea: {  	[tilespmem:s25], [sflag:$0x1] =	stream.indirect_vreg.gather [hbm4b:s7+s2], $0x80, v3, vm0, $0xb8;
	[tilespmem:$0xC080] =	vst v63  }
0xeb: {  	_ = 	snop  }
0xec: {  	[tilespmem:s26], [sflag:$0x1] =	stream.indirect_vreg.gather [hbm4b:s8+s2], $0x80, v3, vm0, $0xb8;
	[tilespmem:$0xC080] =	vst v63  }
0xed: {  	v3 =	vld [tilespmem:$0x20];
	_ =	sdelay $0x4  }
0xee: {  	v62 =	vshrl.u32 v3, $0x3  }
0xef: {  	v4 =	vmul.u32 $0x30, v62  }
0xf0: {  	v3 =	vand.u32 $0x7, v3  }
0xf1: {  	v3 =	vor.u32 v3, v4  }
0xf2: {  	v4 =	vperm.xlane v3, v0;
	_ =	sdelay $0x1  }
0xf3: {  	v4 =	vadd.s32 v1, v4;
	_ =	sdelay $0x3  }
0xf4: {  	v3 =	vperm.xlane v3, v2  }
0xf5: {  	[tilespmem:s28], [sflag:$0x1] =	stream.indirect_vreg.gather [hbm4b:s4+s2], $0x80, v4, vm0, $0xb8;
	[tilespmem:$0xC080] =	vst v63  }
0xf6: {  	v3 =	vadd.s32 v1, v3  }
0xf7: {  	[tilespmem:s29], [sflag:$0x1] =	stream.indirect_vreg.gather [hbm4b:s7+s2], $0x80, v4, vm0, $0xb8;
	[tilespmem:$0xC080] =	vst v63  }
0xf8: {  	_ = 	snop  }
0xf9: {  	[tilespmem:s30], [sflag:$0x1] =	stream.indirect_vreg.gather [hbm4b:s8+s2], $0x80, v4, vm0, $0xb8;
	[tilespmem:$0xC080] =	vst v63  }
0xfa: {  	_ = 	snop  }
0xfb: {  	[tilespmem:s31], [sflag:$0x1] =	stream.indirect_vreg.gather [hbm4b:s4+s2], $0x80, v3, vm0, $0xb8;
	[tilespmem:$0xC080] =	vst v63  }
0xfc: {  	_ = 	snop  }
0xfd: {  	[tilespmem:s1], [sflag:$0x1] =	stream.indirect_vreg.gather [hbm4b:s7+s2], $0x80, v3, vm0, $0xb8;
	[tilespmem:$0xC080] =	vst v63  }
0xfe: {  	s15 =	simm.s32 $0x8880  }
0xff: {  	[tilespmem:s15], [sflag:$0x1] =	stream.indirect_vreg.gather [hbm4b:s8+s2], $0x80, v3, vm0, $0xb8;
	[tilespmem:$0xC080] =	vst v63  }
0x100: {  	v3 =	vld [tilespmem:$0x30];
	_ =	sdelay $0x4  }
0x101: {  	v63 =	vshrl.u32 v3, $0x3  }
0x102: {  	v4 =	vmul.u32 $0x30, v63  }
0x103: {  	v3 =	vand.u32 $0x7, v3  }
0x104: {  	v3 =	vor.u32 v3, v4  }
0x105: {  	v4 =	vperm.xlane v3, v0;
	_ =	sdelay $0x1  }
0x106: {  	v4 =	vadd.s32 v1, v4;
	_ =	sdelay $0x3  }
0x107: {  	v3 =	vperm.xlane v3, v2  }
0x108: {  	[tilespmem:s12], [sflag:$0x1] =	stream.indirect_vreg.gather [hbm4b:s4+s2], $0x80, v4, vm0, $0xb8;
	[tilespmem:$0xC080] =	vst v63  }
0x109: {  	v3 =	vadd.s32 v1, v3  }
0x10a: {  	[tilespmem:s13], [sflag:$0x1] =	stream.indirect_vreg.gather [hbm4b:s7+s2], $0x80, v4, vm0, $0xb8;
	[tilespmem:$0xC080] =	vst v63  }
0x10b: {  	_ = 	snop  }
0x10c: {  	[tilespmem:s11], [sflag:$0x1] =	stream.indirect_vreg.gather [hbm4b:s8+s2], $0x80, v4, vm0, $0xb8;
	[tilespmem:$0xC080] =	vst v63  }
0x10d: {  	s15 =	simm.s32 $0xA880  }
0x10e: {  	[tilespmem:s15], [sflag:$0x1] =	stream.indirect_vreg.gather [hbm4b:s4+s2], $0x80, v3, vm0, $0xb8;
	[tilespmem:$0xC080] =	vst v63  }
0x10f: {  	s11 =	simm.s32 $0xB080  }
0x110: {  	[tilespmem:s11], [sflag:$0x1] =	stream.indirect_vreg.gather [hbm4b:s7+s2], $0x80, v3, vm0, $0xb8;
	[tilespmem:$0xC080] =	vst v63  }
0x111: {  	s15 =	simm.s32 $0xB880  }
0x112: {  	[tilespmem:s15], [sflag:$0x1] =	stream.indirect_vreg.gather [hbm4b:s8+s2], $0x80, v3, vm0, $0xb8;
	[tilespmem:$0xC080] =	vst v63  }
0x113: {  	_ =	swait.ge [sflag:s14], $0xC000  }
0x114: {  	p0 =	sne.s32 s9, $0x1;
	[sflag:s14] =	ssyncset.done $0x0  }
.Ltmp0:
0x115: {  	s11 =	rddreg [dreg:$0x8];
	[sflag:s14] =	ssyncadd.s32 $0xFFFF4000;
	(pc) =	sbr.rel @p0 .LBB2_1-.Ltmp0, $4  }
0x116: {  	[hbm4b:s11+s2] =	stream.linear.scatter [tilespmem:s0], [sflag:$0x2], $0xC000, $0x38;
	[tilespmem:$0xC080] =	vst v63  }
0x117: {  	_ =	swait.ge [sflag:s10], $0xC000  }
0x118: {  	[sflag:s10] =	ssyncset.done $0x0  }
0x119: {  	s9 =	sadd.s32 $0xFFFFFFFF, s9;
	[sflag:s10] =	ssyncadd.s32 $0xFFFF4000  }
0x11a: {  	_ =	sfence.sel $0x180000  }
0x11b: {  	[bflag:$0x0] =	sbarrier.arrive $0xFFFF  }
0x11c: {  	_ =	strace $0x9000004A  }
0x11d: {  	s0 =	stileid.u32;
	[bflag:$0x2] =	sbarrier.arrive $0xFFFF  }
0x11e: {  	p0 =	sne.s32 s0, $0x0;
	s0 =	rddreg [dreg:$0x2]  }
0x11f: {  	s0 =	sadd.s32 @!p0 $0x100000, s0  }
0x120: {  	[sflag:s0] =	ssyncadd.tile.s32 @!p0 $0x1;
	_ =	shalt  }
.Lfunc_end2:
_tile_overlayer_lowered:
.L_overlay_start_2:
0x121: {  	(tag) =	ssettag $0x2  }
0x122: {  	s0 =	rddreg [dreg:$0x0];
	s2 =	stileid.u32  }
0x123: {  	s1 =	rddreg [dreg:$0x1];
	p0 =	sne.s32 s2, $0x0  }
0x124: {  	s3 =	rddreg [dreg:$0x2];
	[bflag:$0x3] =	sbarrier.arrive $0xFFFF;
	s2 =	simm.s32 @!p0 $0x1C02  }
0x125: {  	[timem:s3], [sflag:s2] =	dma.local @!p0 [hbm:s0], s1  }
0x126: {  	s0 =	simm.s32 @!p0 $0x2  }
0x127: {  	_ =	swait.ge @!p0 [sflag:s0], s1  }
0x128: {  	s1 =	ssub.s32 @!p0 $0x0, s1;
	[sflag:s0] =	ssyncset.done @!p0 $0x0  }
0x129: {  	[sflag:s0] =	ssyncadd.s32 @!p0 s1  }
0x12a: {  	[bflag:$0x3] =	sbarrier.arrive $0xFFFF  }
0x12b: {  	_ =	shalt  }

// kernel: kernel.9.cloned.1.call-start
scs
__scs_entry_jumppad:
0x0: {  	(pc) =	sbr.rel $0x88, $3  }
0x1: {  	(tag) =	ssettag $0x0;
	lr =	simm.s32 $0x1  }
0x2: {  	[smem:$0x3F91] =	sst lr;
	_ =	strace $0xD0000000  }
0x3: {  	_ = 	snop  }
0x4: {  	_ = 	snop  }
0x5: {  	_ = 	snop  }
0x6: {  	_ = 	snop  }
0x7: {  	_ = 	snop  }
__scs_overlays_trampoline_lowered:
0x8: {  	[smem:$0x3FA0] =	sst s0  }
0x9: {  	[smem:$0x3FA1] =	sst s1  }
0xa: {  	[smem:$0x3FA2] =	sst s2  }
0xb: {  	[smem:$0x3FA3] =	sst s3  }
0xc: {  	[smem:$0x3FA4] =	sst s4  }
0xd: {  	[smem:$0x3FA5] =	sst s5  }
0xe: {  	[smem:$0x3FA6] =	sst s6  }
0xf: {  	[smem:$0x3FA7] =	sst s7  }
0x10: {  	[smem:$0x3FA8] =	sst s8  }
0x11: {  	[smem:$0x3FA9] =	sst s9;
	s0 =	simm.s32 @!p0 $0x0  }
0x12: {  	s1 =	sld [smem:$0x3F8F];
	s0 =	simm.s32 @p0 $0x1  }
0x13: {  	[smem:$0x3FAA] =	sst s0;
	s0 =	simm.s32 @!p1 $0x0  }
0x14: {  	s2 =	sld [smem:$0x3F8E];
	s0 =	simm.s32 @p1 $0x1  }
0x15: {  	[smem:$0x3FAB] =	sst s0;
	s0 =	simm.s32 @!p2 $0x0  }
0x16: {  	s3 =	sld [smem:$0x3FDB];
	s0 =	simm.s32 @p2 $0x1  }
0x17: {  	s4 =	simm.s32 $0x1BF5;
	[smem:$0x3FAD] =	sst s0  }
0x18: {  	s0 =	sld [smem:$0x3F90];
	_ =	swait.ge [sflag:s4], $0x0  }
0x19: {  	s7 =	sld [smem:$0x3F91]  }
0x1a: {  	s8 =	sadd.s32 $0xFFFFE003, lr  }
0x1b: {  	s9 =	sadd.s32 $0xFFFFFEF7, lr;
	s5 =	simm.s32 $0xFFFFFFFF;
	p2 =	slt.u32 s8, $0xFFFFF086  }
0x1c: {  	p1 =	slt.u32 s9, $0xF7A;
	s5 =	simm.s32 @!p2 $0x0  }
0x1d: {  	s5 =	simm.s32 @p1 $0x1;
	p0 =	seq.s32 s7, s2  }
0x1e: {  	s7 =	smul.u32 @!p0 $0xF7A, s2;
	p2 =	seq.s32 @!p0 s5, $0x0  }
0x1f: {  	s9 =	smul.u32 $0xF7A, s1;
	s8 =	simm.s32 @!p0 $0x1BF5;
	p2 =	por !p2, p0  }
0x20: {  	[sflag:s8] =	ssyncset.s32 @!p0 $0xFFFFF086;
	s6 =	sadd.s32 @!p0 s3, s7;
	s7 =	simm.s32 @!p0 $0x108  }
0x21: {  	s3 =	sadd.s32 s3, s9;
	s6 =	sadd.s32 @!p0 $0x88, s6;
	s7 =	simm.s32 @p2 $0x1082  }
0x22: {  	[simem:s7], [sflag:s8] =	dma.local @!p0 [hbm:s6], $0xF7A  }
0x23: {  	s9 =	sor.u32 $0xD0000000, s2;
	s6 =	simm.s32 $0x108;
	_ =	swait.ge @!p0 [sflag:s8], $0x0  }
0x24: {  	s3 =	sadd.s32 $0x88, s3;
	s6 =	simm.s32 @!p1 $0x1082;
	[sflag:s4] =	ssyncset.s32 $0xFFFFF086  }
0x25: {  	[simem:s6], [sflag:s4] =	dma.local [hbm:s3], $0xF7A  }
0x26: {  	[smem:$0x3F91] =	sst s1;
	(tag) =	ssettag s2;
	_ =	strace s9  }
0x27: {  	s1 =	sld [smem:$0x3FA1]  }
0x28: {  	s2 =	sld [smem:$0x3FA2]  }
0x29: {  	s4 =	sld [smem:$0x3FA4]  }
0x2a: {  	p0 =	seq.s32 s5, $0x0;
	s5 =	sld [smem:$0x3FA5]  }
0x2b: {  	s6 =	sld [smem:$0x3FA6]  }
0x2c: {  	s7 =	sld [smem:$0x3FA7]  }
0x2d: {  	s3 =	simm.s32 $0x108;
	s8 =	sld [smem:$0x3FA8]  }
0x2e: {  	s3 =	simm.s32 @!p0 $0x1082;
	s9 =	sld [smem:$0x3FA9]  }
0x2f: {  	lr =	sadd.s32 s0, s3;
	s0 =	sld [smem:$0x3FA0]  }
0x30: {  	s3 =	sld [smem:$0x3FA3]  }
0x31: {  	[smem:$0x3FAC] =	sst s10  }
0x32: {  	s10 =	sld [smem:$0x3FAA];
	_ =	sdelay $0x3  }
0x33: {  	p0 =	seq.s32 s10, $0x1;
	s10 =	sld [smem:$0x3FAC];
	_ =	sdelay $0x3  }
0x34: {  	[smem:$0x3FAC] =	sst s10  }
0x35: {  	s10 =	sld [smem:$0x3FAB];
	_ =	sdelay $0x3  }
0x36: {  	p1 =	seq.s32 s10, $0x1;
	s10 =	sld [smem:$0x3FAC];
	_ =	sdelay $0x3  }
0x37: {  	[smem:$0x3FAC] =	sst s10  }
0x38: {  	s10 =	sld [smem:$0x3FAD]  }
0x39: {  	_ = 	snop;
	(pc) =	sbr.ind lr, $3  }
0x3a: {  	_ = 	snop  }
0x3b: {  	_ = 	snop  }
0x3c: {  	p2 =	seq.s32 s10, $0x1;
	s10 =	sld [smem:$0x3FAC]  }
0x3d: {  	_ =	shalt  }
0x3e: {  	_ =	shalt  }
0x3f: {  	_ =	shalt  }
0x40: {  	_ =	shalt  }
0x41: {  	_ =	shalt  }
0x42: {  	_ =	shalt  }
0x43: {  	_ =	shalt  }
0x44: {  	_ =	shalt  }
0x45: {  	_ =	shalt  }
0x46: {  	_ =	shalt  }
0x47: {  	_ =	shalt  }
0x48: {  	_ =	shalt  }
0x49: {  	_ =	shalt  }
0x4a: {  	_ =	shalt  }
0x4b: {  	_ =	shalt  }
0x4c: {  	_ =	shalt  }
0x4d: {  	_ =	shalt  }
0x4e: {  	_ =	shalt  }
0x4f: {  	_ =	shalt  }
0x50: {  	_ =	shalt  }
0x51: {  	_ =	shalt  }
0x52: {  	_ =	shalt  }
0x53: {  	_ =	shalt  }
0x54: {  	_ =	shalt  }
0x55: {  	_ =	shalt  }
0x56: {  	_ =	shalt  }
0x57: {  	_ =	shalt  }
0x58: {  	_ =	shalt  }
0x59: {  	_ =	shalt  }
0x5a: {  	_ =	shalt  }
0x5b: {  	_ =	shalt  }
0x5c: {  	_ =	shalt  }
0x5d: {  	_ =	shalt  }
0x5e: {  	_ =	shalt  }
0x5f: {  	_ =	shalt  }
0x60: {  	_ =	shalt  }
0x61: {  	_ =	shalt  }
0x62: {  	_ =	shalt  }
0x63: {  	_ =	shalt  }
0x64: {  	_ =	shalt  }
0x65: {  	_ =	shalt  }
0x66: {  	_ =	shalt  }
0x67: {  	_ =	shalt  }
0x68: {  	_ =	shalt  }
0x69: {  	_ =	shalt  }
0x6a: {  	_ =	shalt  }
0x6b: {  	_ =	shalt  }
0x6c: {  	_ =	shalt  }
0x6d: {  	_ =	shalt  }
0x6e: {  	_ =	shalt  }
0x6f: {  	_ =	shalt  }
0x70: {  	_ =	shalt  }
0x71: {  	_ =	shalt  }
0x72: {  	_ =	shalt  }
0x73: {  	_ =	shalt  }
0x74: {  	_ =	shalt  }
0x75: {  	_ =	shalt  }
0x76: {  	_ =	shalt  }
0x77: {  	_ =	shalt  }
0x78: {  	_ =	shalt  }
0x79: {  	_ =	shalt  }
0x7a: {  	_ =	shalt  }
0x7b: {  	_ =	shalt  }
0x7c: {  	_ =	shalt  }
0x7d: {  	_ =	shalt  }
0x7e: {  	_ =	shalt  }
0x7f: {  	_ =	shalt  }
0x80: {  	_ =	shalt  }
0x81: {  	_ =	shalt  }
0x82: {  	_ =	shalt  }
0x83: {  	_ =	shalt  }
0x84: {  	_ =	shalt  }
0x85: {  	_ =	shalt  }
0x86: {  	_ =	shalt  }
0x87: {  	_ =	shalt  }
.Lfunc_end0:
.L_simem_size_0:
called_computation_lowered:
.L_overlay_start_0:
0x88: {  	s2 =	sld [smem:$0x3FD9]  }
0x89: {  	s3 =	sld [smem:$0x3FFE];
	_ =	sdelay $0x1  }
0x8a: {  	s1 =	srdreg.scid  }
0x8b: {  	s0 =	sand.u32 $0x1, s1  }
0x8c: {  	s14 =	sshll.u32 s0, $0xA;
	s2 =	sadd.s32 s3, s2  }
0x8d: {  	s2 =	sadd.s32 s2, s14  }
0x8e: {  	[smem:$0x3FB8] =	sst s2  }
0x8f: {  	_ = 	snop  }
0x90: {  	s2 =	sld [smem:$0x3FD0];
	_ =	sdelay $0x2  }
0x91: {  	s4 =	simm.s32 $0xA;
	s5 =	simm.s32 $0x10;
	s15 =	sld [smem:$0x3FC9]  }
0x92: {  	[smem:s5], [sflag:s4] =	dma.local [hbm:s2], $0x1  }
0x93: {  	_ =	swait.eq [sflag:s4], $0x1  }
0x94: {  	s16 =	sld [smem:$0x10];
	[sflag:s4] =	ssyncset.done $0x0  }
0x95: {  	s17 =	sld [smem:$0x12];
	[sflag:s4] =	ssyncadd.s32 $0xFFFFFFFF  }
0x96: {  	s18 =	sld [smem:$0x13];
	(tm) =	ssettm $0x1  }
0x97: {  	s6 =	sld [smem:$0x3FFB];
	_ =	sdelay $0x3  }
0x98: {  	_ =	strace s6  }
0x99: {  	s6 =	sld [smem:$0x3FFC];
	_ =	sdelay $0x3  }
0x9a: {  	_ =	strace s6  }
0x9b: {  	s6 =	sld [smem:$0x3FFD];
	_ =	sdelay $0x3  }
0x9c: {  	_ =	strace s6  }
0x9d: {  	_ =	strace $0x8FFFFFFF  }
0x9e: {  	s19 =	sld [smem:$0x3FDB];
	_ =	sdelay $0x1  }
0x9f: {  	s7 =	simm.s32 $_scs_section_size  }
0xa0: {  	s8 =	simm.s32 $_size__tile_overlayer_lowered;
	s9 =	simm.s32 $_tile_overlayer_lowered  }
0xa1: {  	s22 =	simm.s32 $0x1BFF;
	s21 =	sshll.u32 s9, $0x1;
	s6 =	sadd.s32 s7, s19  }
0xa2: {  	s10 =	simm.s32 $0x0;
	s20 =	sshll.u32 s8, $0x1;
	s8 =	sadd.s32 s21, s6  }
0xa3: {  	[timem:s10], [sflag:s22] =	dma.local [hbm:s8], s20  }
0xa4: {  	_ =	swait.ge [sflag:s22], s20  }
0xa5: {  	s7 =	ssub.s32 $0x0, s20;
	[sflag:s22] =	ssyncset.done $0x0  }
0xa6: {  	[sflag:s22] =	ssyncadd.s32 s7;
	_ =	sdelay $0x1  }
0xa7: {  	s23 =	simm.s32 $0x1B8B  }
0xa8: {  	_ =	swait.ge [sflag:s23], $0x1  }
0xa9: {  	[sflag:s23] =	ssyncset.done $0x0  }
0xaa: {  	s25 =	simm.s32 $0x1B8E;
	s24 =	sld [smem:$0x3FFE];
	[sflag:s23] =	ssyncadd.s32 $0xFFFFFFFF  }
0xab: {  	s26 =	simm.s32 $execute0_lowered;
	[smem:$0x3FD2] =	sst s25  }
0xac: {  	s8 =	sshll.u32 s26, $0x1;
	_ =	strace $0x80000046;
	[dreg:$0x1] =	wrdreg $0xFFFFFFFF  }
0xad: {  	s28 =	simm.s32 $_size_execute0_lowered;
	s6 =	sadd.s32 s6, s8;
	[dreg:$0x0] =	wrdreg $0x0  }
0xae: {  	s8 =	sshll.u32 s28, $0x1;
	[dreg:$0x2] =	wrdreg s6  }
0xaf: {  	[dreg:$0x3] =	wrdreg s8  }
0xb0: {  	[dreg:$0x4] =	wrdreg $0xC0  }
0xb1: {  	_ =	task [dreg:s10], $0x5FFFF  }
0xb2: {  	[dreg:$0x1] =	wrdreg $0xFFFFFFFF  }
0xb3: {  	[dreg:$0x0] =	wrdreg $0x60  }
0xb4: {  	[dreg:$0x2] =	wrdreg s18  }
0xb5: {  	[dreg:$0x3] =	wrdreg s24  }
0xb6: {  	[dreg:$0x4] =	wrdreg s16  }
0xb7: {  	[dreg:$0x5] =	wrdreg s17  }
0xb8: {  	[dreg:$0x6] =	wrdreg s15  }
0xb9: {  	[dreg:$0x7] =	wrdreg $0x9  }
0xba: {  	_ =	task.clear_ibuf [dreg:s10], $0x8FFFF;
	_ =	strace $0x90000046  }
0xbb: {  	s29 =	simm.s32 $0x9;
	_ =	strace $0x80000048  }
0xbc: {  	_ =	swait.ge [sflag:s29], $0x1  }
0xbd: {  	[sflag:s29] =	ssyncadd.s32 $0xFFFFFFFF  }
0xbe: {  	_ =	strace $0x90000048  }
0xbf: {  	_ =	sfence  }
0xc0: {  	s30 =	sld [smem:$0x0];
	_ =	sdelay $0x2  }
0xc1: {  	s31 =	sshll.u32 s1, $0xD;
	s1 =	sshrl.u32 s1, $0x2  }
0xc2: {  	s3 =	sand.u32 $0x4000, s31;
	s1 =	sadd.s32 s1, s30  }
0xc3: {  	s0 =	sor.u32 s3, s0;
	s1 =	sshll.u32 s1, $0x11  }
0xc4: {  	s0 =	sor.u32 s1, s0  }
0xc5: {  	s0 =	sadd.s32 $0x8F2B, s0  }
0xc6: {  	[sflag:s0] =	ssyncadd.remote.s32 $0x1  }
0xc7: {  	_ =	sfence.sel $0xFFFF  }
0xc8: {  	[dreg:$0x0] =	wrdreg $0xFFFFFFFF;
	(pc) =	sbr.abs _section_cstart, $3  }
0xc9: {  	[dreg:$0x1] =	wrdreg $0xFFFFFFFF  }
0xca: {  	_ =	task.clear_ibuf [dreg:s10], $0x2FFFF;
	_ =	strace $0x9FFFFFFF  }
0xcb: {  	(tm) =	ssettm $0x7FFFFFFF  }
tec
execute0_lowered:
.L_overlay_start_1:
0x0: {  	(tag) =	ssettag $0x1  }
0x1: {  	s0 =	rddreg [dreg:$0x0]  }
0x2: {  	s1 =	rddreg [dreg:$0x1]  }
0x3: {  	s5 =	rddreg [dreg:$0x2]  }
0x4: {  	s7 =	rddreg [dreg:$0x3]  }
0x5: {  	s2 =	rddreg [dreg:$0x4]  }
0x6: {  	s4 =	srdreg.scid;
	s19 =	stileid.u32  }
0x7: {  	s3 =	simm.s32 $0x0;
	s4 =	sand.u32 $0x1, s4;
	s6 =	sshll.u32 s19, $0x1  }
0x8: {  	[smem:$0x7FF] =	sst s3;
	s26 =	sadd.s32 $0xC3800, s1;
	s11 =	sadd.s32 $0x103900, s1  }
0x9: {  	s12 =	sadd.s32 $0x103A00, s1;
	s16 =	sadd.s32 $0x3900, s1;
	s17 =	sadd.s32 $0x3A00, s1  }
0xa: {  	p0 =	sgt.u32 s19, $0x7;
	s8 =	sor.u32 s4, s6;
	_ =	strace $0x80000047  }
0xb: {  	s9 =	ssub.s32 $0x2, s4;
	s4 =	sadd.s32 $0x103800, s1;
	[dreg:$0x6] =	wrdreg s26  }
0xc: {  	s6 =	sadd.s32 $0x3800, s1;
	s13 =	sshll.u32 s8, $0x4;
	s10 =	sshrl.u32 s9, $0x1  }
0xd: {  	s29 =	sshll.u32 s8, $0xB;
	s14 =	sadd.s32 s13, s1;
	s0 =	sadd.s32 s0, s13  }
.Ltmp0:
0xe: {  	s30 =	sadd.s32 s7, s13;
	[dreg:$0x7] =	wrdreg s0;
	(pc) =	sbr.rel .LBB2_1-.Ltmp0, $4  }
0xf: {  	s15 =	ssub.s32 s9, s10;
	s28 =	sadd.s32 $0x3400, s14;
	[dreg:$0xa] =	wrdreg s30  }
0x10: {  	v2 =	vlaneseq.u32;
	s9 =	sadd.s32 $0x100, s2;
	s0 =	sadd.s32 s5, s29;
	[dreg:$0x8] =	wrdreg s28  }
0x11: {  	vm0 =	vmmov $0xffff;
	v1 =	vshrl.u32 v2, $0x3;
	s10 =	sadd.s32 $0x200, s2;
	s31 =	sadd.s32 $0x3600, s14;
	[dreg:$0x9] =	wrdreg s0  }
0x12: {  	v0 =	vand.u32 $0x7, v2;
	v2 =	vor.u32 $0x8, v2;
	v1 =	vmul.u32 $0x8, v1;
	s18 =	smax.u32 s15, $0x1;
	s5 =	simm.s32 $0x1;
	[dreg:$0xb] =	wrdreg s31  }
.LBB2_3:
0x13: {  	s18 =	sadd.s32 $0xFFFFFFFF, s18  }
0x14: {  	p1 =	sne.s32 s18, $0x0  }
.Ltmp1:
0x15: {  	_ = 	snop;
	(pc) =	sbr.rel @!p1 .LBB2_4-.Ltmp1, $1  }
0x16: {  	_ =	sdelay $0x3  }
.LBB2_1:
0x17: {  	s1 =	rddreg [dreg:$0x7];
	s0 =	simm.s32 $0x2  }
0x18: {  	[tilespmem:s3], [sflag:$0x2] =	stream.linear.gather [hbm4b:s1+s3], $0x80, $0x38;
	[tilespmem:$0x1C100] =	vst v63  }
0x19: {  	_ =	swait.ge [sflag:s0], $0x80  }
0x1a: {  	[sflag:s0] =	ssyncset.done $0x0  }
0x1b: {  	s7 =	simm.s32 $0x80;
	s8 =	rddreg [dreg:$0x8];
	[sflag:s0] =	ssyncadd.s32 $0xFFFFFF80  }
0x1c: {  	[tilespmem:s7], [sflag:$0x2] =	stream.linear.gather [hbm4b:s8+s3], $0x80, $0x38;
	[tilespmem:$0x1C100] =	vst v63  }
0x1d: {  	_ =	swait.ge [sflag:s0], $0x80  }
0x1e: {  	[sflag:s0] =	ssyncset.done $0x0  }
0x1f: {  	[sflag:s0] =	ssyncadd.s32 $0xFFFFFF80  }
0x20: {  	v3 =	vld [tilespmem:$0x0];
	_ =	sdelay $0x4  }
0x21: {  	v4 =	vshrl.u32 v3, $0x3  }
0x22: {  	v4 =	vmul.u32 $0x30, v4  }
0x23: {  	v3 =	vand.u32 $0x7, v3  }
0x24: {  	v3 =	vor.u32 v3, v4  }
0x25: {  	v4 =	vperm.xlane v3, v0;
	_ =	sdelay $0x1  }
0x26: {  	v4 =	vadd.s32 v1, v4;
	_ =	sdelay $0x3  }
0x27: {  	s13 =	simm.s32 $0x4100;
	v3 =	vperm.xlane v3, v2  }
0x28: {  	[tilespmem:s13], [sflag:$0x1] =	stream.indirect_vreg.gather [hbm4b:s2+s3], $0x80, v4, vm0, $0xb8;
	[tilespmem:$0x1C100] =	vst v63  }
0x29: {  	s15 =	simm.s32 $0x4900;
	v3 =	vadd.s32 v1, v3  }
0x2a: {  	[tilespmem:s15], [sflag:$0x1] =	stream.indirect_vreg.gather [hbm4b:s9+s3], $0x80, v4, vm0, $0xb8;
	[tilespmem:$0x1C100] =	vst v63  }
0x2b: {  	s14 =	simm.s32 $0x5100  }
0x2c: {  	[tilespmem:s14], [sflag:$0x1] =	stream.indirect_vreg.gather [hbm4b:s10+s3], $0x80, v4, vm0, $0xb8;
	[tilespmem:$0x1C100] =	vst v63  }
0x2d: {  	s7 =	simm.s32 $0x5900  }
0x2e: {  	[tilespmem:s7], [sflag:$0x1] =	stream.indirect_vreg.gather [hbm4b:s2+s3], $0x80, v3, vm0, $0xb8;
	[tilespmem:$0x1C100] =	vst v63  }
0x2f: {  	s8 =	simm.s32 $0x6100  }
0x30: {  	[tilespmem:s8], [sflag:$0x1] =	stream.indirect_vreg.gather [hbm4b:s9+s3], $0x80, v3, vm0, $0xb8;
	[tilespmem:$0x1C100] =	vst v63  }
0x31: {  	s13 =	simm.s32 $0x6900  }
0x32: {  	[tilespmem:s13], [sflag:$0x1] =	stream.indirect_vreg.gather [hbm4b:s10+s3], $0x80, v3, vm0, $0xb8;
	[tilespmem:$0x1C100] =	vst v63  }
0x33: {  	v3 =	vld [tilespmem:$0x10];
	_ =	sdelay $0x4  }
0x34: {  	v49 =	vshrl.u32 v3, $0x3  }
0x35: {  	v4 =	vmul.u32 $0x30, v49  }
0x36: {  	v3 =	vand.u32 $0x7, v3  }
0x37: {  	v3 =	vor.u32 v3, v4  }
0x38: {  	v4 =	vperm.xlane v3, v0;
	_ =	sdelay $0x1  }
0x39: {  	v4 =	vadd.s32 v1, v4;
	_ =	sdelay $0x3  }
0x3a: {  	s20 =	simm.s32 $0x7100;
	v3 =	vperm.xlane v3, v2  }
0x3b: {  	[tilespmem:s20], [sflag:$0x1] =	stream.indirect_vreg.gather [hbm4b:s2+s3], $0x80, v4, vm0, $0xb8;
	[tilespmem:$0x1C100] =	vst v63  }
0x3c: {  	s21 =	simm.s32 $0x7900;
	v3 =	vadd.s32 v1, v3  }
0x3d: {  	[tilespmem:s21], [sflag:$0x1] =	stream.indirect_vreg.gather [hbm4b:s9+s3], $0x80, v4, vm0, $0xb8;
	[tilespmem:$0x1C100] =	vst v63  }
0x3e: {  	s22 =	simm.s32 $0x8100  }
0x3f: {  	[tilespmem:s22], [sflag:$0x1] =	stream.indirect_vreg.gather [hbm4b:s10+s3], $0x80, v4, vm0, $0xb8;
	[tilespmem:$0x1C100] =	vst v63  }
0x40: {  	s23 =	simm.s32 $0x8900  }
0x41: {  	[tilespmem:s23], [sflag:$0x1] =	stream.indirect_vreg.gather [hbm4b:s2+s3], $0x80, v3, vm0, $0xb8;
	[tilespmem:$0x1C100] =	vst v63  }
0x42: {  	s24 =	simm.s32 $0x9100  }
0x43: {  	[tilespmem:s24], [sflag:$0x1] =	stream.indirect_vreg.gather [hbm4b:s9+s3], $0x80, v3, vm0, $0xb8;
	[tilespmem:$0x1C100] =	vst v63  }
0x44: {  	s25 =	simm.s32 $0x9900  }
0x45: {  	[tilespmem:s25], [sflag:$0x1] =	stream.indirect_vreg.gather [hbm4b:s10+s3], $0x80, v3, vm0, $0xb8;
	[tilespmem:$0x1C100] =	vst v63  }
0x46: {  	v3 =	vld [tilespmem:$0x20];
	_ =	sdelay $0x4  }
0x47: {  	v50 =	vshrl.u32 v3, $0x3  }
0x48: {  	v4 =	vmul.u32 $0x30, v50  }
0x49: {  	v3 =	vand.u32 $0x7, v3  }
0x4a: {  	v3 =	vor.u32 v3, v4  }
0x4b: {  	v4 =	vperm.xlane v3, v0;
	_ =	sdelay $0x1  }
0x4c: {  	v4 =	vadd.s32 v1, v4;
	_ =	sdelay $0x3  }
0x4d: {  	s26 =	simm.s32 $0xA100;
	v3 =	vperm.xlane v3, v2  }
0x4e: {  	[tilespmem:s26], [sflag:$0x1] =	stream.indirect_vreg.gather [hbm4b:s2+s3], $0x80, v4, vm0, $0xb8;
	[tilespmem:$0x1C100] =	vst v63  }
0x4f: {  	s28 =	simm.s32 $0xA900;
	v3 =	vadd.s32 v1, v3  }
0x50: {  	[tilespmem:s28], [sflag:$0x1] =	stream.indirect_vreg.gather [hbm4b:s9+s3], $0x80, v4, vm0, $0xb8;
	[tilespmem:$0x1C100] =	vst v63  }
0x51: {  	s29 =	simm.s32 $0xB100  }
0x52: {  	[tilespmem:s29], [sflag:$0x1] =	stream.indirect_vreg.gather [hbm4b:s10+s3], $0x80, v4, vm0, $0xb8;
	[tilespmem:$0x1C100] =	vst v63  }
0x53: {  	s30 =	simm.s32 $0xB900  }
0x54: {  	[tilespmem:s30], [sflag:$0x1] =	stream.indirect_vreg.gather [hbm4b:s2+s3], $0x80, v3, vm0, $0xb8;
	[tilespmem:$0x1C100] =	vst v63  }
0x55: {  	s31 =	simm.s32 $0xC100  }
0x56: {  	[tilespmem:s31], [sflag:$0x1] =	stream.indirect_vreg.gather [hbm4b:s9+s3], $0x80, v3, vm0, $0xb8;
	[tilespmem:$0x1C100] =	vst v63  }
0x57: {  	s14 =	simm.s32 $0xC900  }
0x58: {  	[tilespmem:s14], [sflag:$0x1] =	stream.indirect_vreg.gather [hbm4b:s10+s3], $0x80, v3, vm0, $0xb8;
	[tilespmem:$0x1C100] =	vst v63  }
0x59: {  	v3 =	vld [tilespmem:$0x30];
	_ =	sdelay $0x4  }
0x5a: {  	v51 =	vshrl.u32 v3, $0x3  }
0x5b: {  	v4 =	vmul.u32 $0x30, v51  }
0x5c: {  	v3 =	vand.u32 $0x7, v3  }
0x5d: {  	v3 =	vor.u32 v3, v4  }
0x5e: {  	v4 =	vperm.xlane v3, v0;
	_ =	sdelay $0x1  }
0x5f: {  	v4 =	vadd.s32 v1, v4;
	_ =	sdelay $0x3  }
0x60: {  	s19 =	simm.s32 $0xD100;
	v3 =	vperm.xlane v3, v2  }
0x61: {  	[tilespmem:s19], [sflag:$0x1] =	stream.indirect_vreg.gather [hbm4b:s2+s3], $0x80, v4, vm0, $0xb8;
	[tilespmem:$0x1C100] =	vst v63  }
0x62: {  	s1 =	simm.s32 $0xD900;
	v3 =	vadd.s32 v1, v3  }
0x63: {  	[tilespmem:s1], [sflag:$0x1] =	stream.indirect_vreg.gather [hbm4b:s9+s3], $0x80, v4, vm0, $0xb8;
	[tilespmem:$0x1C100] =	vst v63  }
0x64: {  	s1 =	simm.s32 $0xE100  }
0x65: {  	[tilespmem:s1], [sflag:$0x1] =	stream.indirect_vreg.gather [hbm4b:s10+s3], $0x80, v4, vm0, $0xb8;
	[tilespmem:$0x1C100] =	vst v63  }
0x66: {  	s1 =	simm.s32 $0xE900  }
0x67: {  	[tilespmem:s1], [sflag:$0x1] =	stream.indirect_vreg.gather [hbm4b:s2+s3], $0x80, v3, vm0, $0xb8;
	[tilespmem:$0x1C100] =	vst v63  }
0x68: {  	s1 =	simm.s32 $0xF100  }
0x69: {  	[tilespmem:s1], [sflag:$0x1] =	stream.indirect_vreg.gather [hbm4b:s9+s3], $0x80, v3, vm0, $0xb8;
	[tilespmem:$0x1C100] =	vst v63  }
0x6a: {  	s1 =	simm.s32 $0xF900  }
0x6b: {  	[tilespmem:s1], [sflag:$0x1] =	stream.indirect_vreg.gather [hbm4b:s10+s3], $0x80, v3, vm0, $0xb8;
	[tilespmem:$0x1C100] =	vst v63  }
0x6c: {  	v3 =	vld [tilespmem:$0x40];
	_ =	sdelay $0x4  }
0x6d: {  	v52 =	vshrl.u32 v3, $0x3  }
0x6e: {  	v4 =	vmul.u32 $0x30, v52  }
0x6f: {  	v3 =	vand.u32 $0x7, v3  }
0x70: {  	v3 =	vor.u32 v3, v4  }
0x71: {  	v4 =	vperm.xlane v3, v0;
	_ =	sdelay $0x1  }
0x72: {  	v4 =	vadd.s32 v1, v4;
	_ =	sdelay $0x3  }
0x73: {  	s1 =	simm.s32 $0x10100;
	v3 =	vperm.xlane v3, v2  }
0x74: {  	[tilespmem:s1], [sflag:$0x1] =	stream.indirect_vreg.gather [hbm4b:s2+s3], $0x80, v4, vm0, $0xb8;
	[tilespmem:$0x1C100] =	vst v63  }
0x75: {  	v3 =	vadd.s32 v1, v3;
	s1 =	simm.s32 $0x10900  }
0x76: {  	[tilespmem:s1], [sflag:$0x1] =	stream.indirect_vreg.gather [hbm4b:s9+s3], $0x80, v4, vm0, $0xb8;
	[tilespmem:$0x1C100] =	vst v63  }
0x77: {  	s1 =	simm.s32 $0x11100  }
0x78: {  	[tilespmem:s1], [sflag:$0x1] =	stream.indirect_vreg.gather [hbm4b:s10+s3], $0x80, v4, vm0, $0xb8;
	[tilespmem:$0x1C100] =	vst v63  }
0x79: {  	s1 =	simm.s32 $0x11900  }
0x7a: {  	[tilespmem:s1], [sflag:$0x1] =	stream.indirect_vreg.gather [hbm4b:s2+s3], $0x80, v3, vm0, $0xb8;
	[tilespmem:$0x1C100] =	vst v63  }
0x7b: {  	s1 =	simm.s32 $0x12100  }
0x7c: {  	[tilespmem:s1], [sflag:$0x1] =	stream.indirect_vreg.gather [hbm4b:s9+s3], $0x80, v3, vm0, $0xb8;
	[tilespmem:$0x1C100] =	vst v63  }
0x7d: {  	s1 =	simm.s32 $0x12900  }
0x7e: {  	[tilespmem:s1], [sflag:$0x1] =	stream.indirect_vreg.gather [hbm4b:s10+s3], $0x80, v3, vm0, $0xb8;
	[tilespmem:$0x1C100] =	vst v63  }
0x7f: {  	v3 =	vld [tilespmem:$0x50];
	_ =	sdelay $0x4  }
0x80: {  	v53 =	vshrl.u32 v3, $0x3  }
0x81: {  	v4 =	vmul.u32 $0x30, v53  }
0x82: {  	v3 =	vand.u32 $0x7, v3  }
0x83: {  	v3 =	vor.u32 v3, v4  }
0x84: {  	v4 =	vperm.xlane v3, v0;
	_ =	sdelay $0x1  }
0x85: {  	v4 =	vadd.s32 v1, v4;
	_ =	sdelay $0x3  }
0x86: {  	s1 =	simm.s32 $0x13100;
	v3 =	vperm.xlane v3, v2  }
0x87: {  	[tilespmem:s1], [sflag:$0x1] =	stream.indirect_vreg.gather [hbm4b:s2+s3], $0x80, v4, vm0, $0xb8;
	[tilespmem:$0x1C100] =	vst v63  }
0x88: {  	v3 =	vadd.s32 v1, v3;
	s1 =	simm.s32 $0x13900  }
0x89: {  	[tilespmem:s1], [sflag:$0x1] =	stream.indirect_vreg.gather [hbm4b:s9+s3], $0x80, v4, vm0, $0xb8;
	[tilespmem:$0x1C100] =	vst v63  }
0x8a: {  	s1 =	simm.s32 $0x14100  }
0x8b: {  	[tilespmem:s1], [sflag:$0x1] =	stream.indirect_vreg.gather [hbm4b:s10+s3], $0x80, v4, vm0, $0xb8;
	[tilespmem:$0x1C100] =	vst v63  }
0x8c: {  	s1 =	simm.s32 $0x14900  }
0x8d: {  	[tilespmem:s1], [sflag:$0x1] =	stream.indirect_vreg.gather [hbm4b:s2+s3], $0x80, v3, vm0, $0xb8;
	[tilespmem:$0x1C100] =	vst v63  }
0x8e: {  	s1 =	simm.s32 $0x15100  }
0x8f: {  	[tilespmem:s1], [sflag:$0x1] =	stream.indirect_vreg.gather [hbm4b:s9+s3], $0x80, v3, vm0, $0xb8;
	[tilespmem:$0x1C100] =	vst v63  }
0x90: {  	s1 =	simm.s32 $0x15900  }
0x91: {  	[tilespmem:s1], [sflag:$0x1] =	stream.indirect_vreg.gather [hbm4b:s10+s3], $0x80, v3, vm0, $0xb8;
	[tilespmem:$0x1C100] =	vst v63  }
0x92: {  	v3 =	vld [tilespmem:$0x60];
	_ =	sdelay $0x4  }
0x93: {  	v54 =	vshrl.u32 v3, $0x3  }
0x94: {  	v4 =	vmul.u32 $0x30, v54  }
0x95: {  	v3 =	vand.u32 $0x7, v3  }
0x96: {  	v3 =	vor.u32 v3, v4  }
0x97: {  	v4 =	vperm.xlane v3, v0;
	_ =	sdelay $0x1  }
0x98: {  	v4 =	vadd.s32 v1, v4;
	_ =	sdelay $0x3  }
0x99: {  	s1 =	simm.s32 $0x16100;
	v3 =	vperm.xlane v3, v2  }
0x9a: {  	[tilespmem:s1], [sflag:$0x1] =	stream.indirect_vreg.gather [hbm4b:s2+s3], $0x80, v4, vm0, $0xb8;
	[tilespmem:$0x1C100] =	vst v63  }
0x9b: {  	v3 =	vadd.s32 v1, v3;
	s1 =	simm.s32 $0x16900  }
0x9c: {  	[tilespmem:s1], [sflag:$0x1] =	stream.indirect_vreg.gather [hbm4b:s9+s3], $0x80, v4, vm0, $0xb8;
	[tilespmem:$0x1C100] =	vst v63  }
0x9d: {  	s1 =	simm.s32 $0x17100  }
0x9e: {  	[tilespmem:s1], [sflag:$0x1] =	stream.indirect_vreg.gather [hbm4b:s10+s3], $0x80, v4, vm0, $0xb8;
	[tilespmem:$0x1C100] =	vst v63  }
0x9f: {  	s1 =	simm.s32 $0x17900  }
0xa0: {  	[tilespmem:s1], [sflag:$0x1] =	stream.indirect_vreg.gather [hbm4b:s2+s3], $0x80, v3, vm0, $0xb8;
	[tilespmem:$0x1C100] =	vst v63  }
0xa1: {  	s1 =	simm.s32 $0x18100  }
0xa2: {  	[tilespmem:s1], [sflag:$0x1] =	stream.indirect_vreg.gather [hbm4b:s9+s3], $0x80, v3, vm0, $0xb8;
	[tilespmem:$0x1C100] =	vst v63  }
0xa3: {  	s1 =	simm.s32 $0x18900  }
0xa4: {  	[tilespmem:s1], [sflag:$0x1] =	stream.indirect_vreg.gather [hbm4b:s10+s3], $0x80, v3, vm0, $0xb8;
	[tilespmem:$0x1C100] =	vst v63  }
0xa5: {  	v3 =	vld [tilespmem:$0x70];
	_ =	sdelay $0x4  }
0xa6: {  	v55 =	vshrl.u32 v3, $0x3  }
0xa7: {  	v4 =	vmul.u32 $0x30, v55  }
0xa8: {  	v3 =	vand.u32 $0x7, v3  }
0xa9: {  	v3 =	vor.u32 v3, v4  }
0xaa: {  	v4 =	vperm.xlane v3, v0;
	_ =	sdelay $0x1  }
0xab: {  	v4 =	vadd.s32 v1, v4;
	_ =	sdelay $0x3  }
0xac: {  	s1 =	simm.s32 $0x19100;
	v3 =	vperm.xlane v3, v2  }
0xad: {  	[tilespmem:s1], [sflag:$0x1] =	stream.indirect_vreg.gather [hbm4b:s2+s3], $0x80, v4, vm0, $0xb8;
	[tilespmem:$0x1C100] =	vst v63  }
0xae: {  	v3 =	vadd.s32 v1, v3;
	s1 =	simm.s32 $0x19900  }
0xaf: {  	[tilespmem:s1], [sflag:$0x1] =	stream.indirect_vreg.gather [hbm4b:s9+s3], $0x80, v4, vm0, $0xb8;
	[tilespmem:$0x1C100] =	vst v63  }
0xb0: {  	s1 =	simm.s32 $0x1A100  }
0xb1: {  	[tilespmem:s1], [sflag:$0x1] =	stream.indirect_vreg.gather [hbm4b:s10+s3], $0x80, v4, vm0, $0xb8;
	[tilespmem:$0x1C100] =	vst v63  }
0xb2: {  	s1 =	simm.s32 $0x1A900  }
0xb3: {  	[tilespmem:s1], [sflag:$0x1] =	stream.indirect_vreg.gather [hbm4b:s2+s3], $0x80, v3, vm0, $0xb8;
	[tilespmem:$0x1C100] =	vst v63  }
0xb4: {  	s1 =	simm.s32 $0x1B100  }
0xb5: {  	[tilespmem:s1], [sflag:$0x1] =	stream.indirect_vreg.gather [hbm4b:s9+s3], $0x80, v3, vm0, $0xb8;
	[tilespmem:$0x1C100] =	vst v63  }
0xb6: {  	s1 =	simm.s32 $0x1B900  }
0xb7: {  	[tilespmem:s1], [sflag:$0x1] =	stream.indirect_vreg.gather [hbm4b:s10+s3], $0x80, v3, vm0, $0xb8;
	[tilespmem:$0x1C100] =	vst v63  }
0xb8: {  	_ =	swait.ge [sflag:s5], $0x18000  }
0xb9: {  	[sflag:s5] =	ssyncset.done $0x0  }
0xba: {  	[sflag:s5] =	ssyncadd.s32 $0xFFFE8000  }
0xbb: {  	v3 =	vld [tilespmem:$0x80];
	_ =	sdelay $0x4  }
0xbc: {  	v56 =	vshrl.u32 v3, $0x3  }
0xbd: {  	v4 =	vmul.u32 $0x30, v56  }
0xbe: {  	v3 =	vand.u32 $0x7, v3  }
0xbf: {  	v3 =	vor.u32 v3, v4  }
0xc0: {  	v4 =	vperm.xlane v3, v0;
	_ =	sdelay $0x1  }
0xc1: {  	v4 =	vadd.s32 v1, v4;
	_ =	sdelay $0x3  }
0xc2: {  	s1 =	simm.s32 $0x4100;
	v3 =	vperm.xlane v3, v2  }
0xc3: {  	[hbm4b:s4+s3] =	stream.indirect_vreg.scatter [tilespmem:s1], [sflag:$0x1], $0x80, v4, vm0, $0xb8;
	[tilespmem:$0x1C100] =	vst v63  }
0xc4: {  	v3 =	vadd.s32 v1, v3  }
0xc5: {  	[hbm4b:s11+s3] =	stream.indirect_vreg.scatter [tilespmem:s15], [sflag:$0x1], $0x80, v4, vm0, $0xb8;
	[tilespmem:$0x1C100] =	vst v63  }
0xc6: {  	s15 =	simm.s32 $0x5100  }
0xc7: {  	[hbm4b:s12+s3] =	stream.indirect_vreg.scatter [tilespmem:s15], [sflag:$0x1], $0x80, v4, vm0, $0xb8;
	[tilespmem:$0x1C100] =	vst v63  }
0xc8: {  	_ = 	snop  }
0xc9: {  	[hbm4b:s4+s3] =	stream.indirect_vreg.scatter [tilespmem:s7], [sflag:$0x1], $0x80, v3, vm0, $0xb8;
	[tilespmem:$0x1C100] =	vst v63  }
0xca: {  	_ = 	snop  }
0xcb: {  	[hbm4b:s11+s3] =	stream.indirect_vreg.scatter [tilespmem:s8], [sflag:$0x1], $0x80, v3, vm0, $0xb8;
	[tilespmem:$0x1C100] =	vst v63  }
0xcc: {  	_ = 	snop  }
0xcd: {  	[hbm4b:s12+s3] =	stream.indirect_vreg.scatter [tilespmem:s13], [sflag:$0x1], $0x80, v3, vm0, $0xb8;
	[tilespmem:$0x1C100] =	vst v63  }
0xce: {  	v3 =	vld [tilespmem:$0x90];
	_ =	sdelay $0x4  }
0xcf: {  	v57 =	vshrl.u32 v3, $0x3  }
0xd0: {  	v4 =	vmul.u32 $0x30, v57  }
0xd1: {  	v3 =	vand.u32 $0x7, v3  }
0xd2: {  	v3 =	vor.u32 v3, v4  }
0xd3: {  	v4 =	vperm.xlane v3, v0;
	_ =	sdelay $0x1  }
0xd4: {  	v4 =	vadd.s32 v1, v4;
	_ =	sdelay $0x3  }
0xd5: {  	v3 =	vperm.xlane v3, v2  }
0xd6: {  	[hbm4b:s4+s3] =	stream.indirect_vreg.scatter [tilespmem:s20], [sflag:$0x1], $0x80, v4, vm0, $0xb8;
	[tilespmem:$0x1C100] =	vst v63  }
0xd7: {  	v3 =	vadd.s32 v1, v3  }
0xd8: {  	[hbm4b:s11+s3] =	stream.indirect_vreg.scatter [tilespmem:s21], [sflag:$0x1], $0x80, v4, vm0, $0xb8;
	[tilespmem:$0x1C100] =	vst v63  }
0xd9: {  	_ = 	snop  }
0xda: {  	[hbm4b:s12+s3] =	stream.indirect_vreg.scatter [tilespmem:s22], [sflag:$0x1], $0x80, v4, vm0, $0xb8;
	[tilespmem:$0x1C100] =	vst v63  }
0xdb: {  	_ = 	snop  }
0xdc: {  	[hbm4b:s4+s3] =	stream.indirect_vreg.scatter [tilespmem:s23], [sflag:$0x1], $0x80, v3, vm0, $0xb8;
	[tilespmem:$0x1C100] =	vst v63  }
0xdd: {  	_ = 	snop  }
0xde: {  	[hbm4b:s11+s3] =	stream.indirect_vreg.scatter [tilespmem:s24], [sflag:$0x1], $0x80, v3, vm0, $0xb8;
	[tilespmem:$0x1C100] =	vst v63  }
0xdf: {  	_ = 	snop  }
0xe0: {  	[hbm4b:s12+s3] =	stream.indirect_vreg.scatter [tilespmem:s25], [sflag:$0x1], $0x80, v3, vm0, $0xb8;
	[tilespmem:$0x1C100] =	vst v63  }
0xe1: {  	v3 =	vld [tilespmem:$0xA0];
	_ =	sdelay $0x4  }
0xe2: {  	v58 =	vshrl.u32 v3, $0x3  }
0xe3: {  	v4 =	vmul.u32 $0x30, v58  }
0xe4: {  	v3 =	vand.u32 $0x7, v3  }
0xe5: {  	v3 =	vor.u32 v3, v4  }
0xe6: {  	v4 =	vperm.xlane v3, v0;
	_ =	sdelay $0x1  }
0xe7: {  	v4 =	vadd.s32 v1, v4;
	_ =	sdelay $0x3  }
0xe8: {  	v3 =	vperm.xlane v3, v2  }
0xe9: {  	[hbm4b:s4+s3] =	stream.indirect_vreg.scatter [tilespmem:s26], [sflag:$0x1], $0x80, v4, vm0, $0xb8;
	[tilespmem:$0x1C100] =	vst v63  }
0xea: {  	v3 =	vadd.s32 v1, v3  }
0xeb: {  	[hbm4b:s11+s3] =	stream.indirect_vreg.scatter [tilespmem:s28], [sflag:$0x1], $0x80, v4, vm0, $0xb8;
	[tilespmem:$0x1C100] =	vst v63  }
0xec: {  	_ = 	snop  }
0xed: {  	[hbm4b:s12+s3] =	stream.indirect_vreg.scatter [tilespmem:s29], [sflag:$0x1], $0x80, v4, vm0, $0xb8;
	[tilespmem:$0x1C100] =	vst v63  }
0xee: {  	_ = 	snop  }
0xef: {  	[hbm4b:s4+s3] =	stream.indirect_vreg.scatter [tilespmem:s30], [sflag:$0x1], $0x80, v3, vm0, $0xb8;
	[tilespmem:$0x1C100] =	vst v63  }
0xf0: {  	_ = 	snop  }
0xf1: {  	[hbm4b:s11+s3] =	stream.indirect_vreg.scatter [tilespmem:s31], [sflag:$0x1], $0x80, v3, vm0, $0xb8;
	[tilespmem:$0x1C100] =	vst v63  }
0xf2: {  	_ = 	snop  }
0xf3: {  	[hbm4b:s12+s3] =	stream.indirect_vreg.scatter [tilespmem:s14], [sflag:$0x1], $0x80, v3, vm0, $0xb8;
	[tilespmem:$0x1C100] =	vst v63  }
0xf4: {  	v3 =	vld [tilespmem:$0xB0];
	_ =	sdelay $0x4  }
0xf5: {  	v59 =	vshrl.u32 v3, $0x3  }
0xf6: {  	v4 =	vmul.u32 $0x30, v59  }
0xf7: {  	v3 =	vand.u32 $0x7, v3  }
0xf8: {  	v3 =	vor.u32 v3, v4  }
0xf9: {  	v4 =	vperm.xlane v3, v0;
	_ =	sdelay $0x1  }
0xfa: {  	v4 =	vadd.s32 v1, v4;
	_ =	sdelay $0x3  }
0xfb: {  	v3 =	vperm.xlane v3, v2  }
0xfc: {  	[hbm4b:s4+s3] =	stream.indirect_vreg.scatter [tilespmem:s19], [sflag:$0x1], $0x80, v4, vm0, $0xb8;
	[tilespmem:$0x1C100] =	vst v63  }
0xfd: {  	s8 =	simm.s32 $0xD900;
	v3 =	vadd.s32 v1, v3  }
0xfe: {  	[hbm4b:s11+s3] =	stream.indirect_vreg.scatter [tilespmem:s8], [sflag:$0x1], $0x80, v4, vm0, $0xb8;
	[tilespmem:$0x1C100] =	vst v63  }
0xff: {  	s13 =	simm.s32 $0xE100  }
0x100: {  	[hbm4b:s12+s3] =	stream.indirect_vreg.scatter [tilespmem:s13], [sflag:$0x1], $0x80, v4, vm0, $0xb8;
	[tilespmem:$0x1C100] =	vst v63  }
0x101: {  	s14 =	simm.s32 $0xE900  }
0x102: {  	[hbm4b:s4+s3] =	stream.indirect_vreg.scatter [tilespmem:s14], [sflag:$0x1], $0x80, v3, vm0, $0xb8;
	[tilespmem:$0x1C100] =	vst v63  }
0x103: {  	s15 =	simm.s32 $0xF100  }
0x104: {  	[hbm4b:s11+s3] =	stream.indirect_vreg.scatter [tilespmem:s15], [sflag:$0x1], $0x80, v3, vm0, $0xb8;
	[tilespmem:$0x1C100] =	vst v63  }
0x105: {  	s19 =	simm.s32 $0xF900  }
0x106: {  	[hbm4b:s12+s3] =	stream.indirect_vreg.scatter [tilespmem:s19], [sflag:$0x1], $0x80, v3, vm0, $0xb8;
	[tilespmem:$0x1C100] =	vst v63  }
0x107: {  	v3 =	vld [tilespmem:$0xC0];
	_ =	sdelay $0x4  }
0x108: {  	v60 =	vshrl.u32 v3, $0x3  }
0x109: {  	v4 =	vmul.u32 $0x30, v60  }
0x10a: {  	v3 =	vand.u32 $0x7, v3  }
0x10b: {  	v3 =	vor.u32 v3, v4  }
0x10c: {  	v4 =	vperm.xlane v3, v0;
	_ =	sdelay $0x1  }
0x10d: {  	v4 =	vadd.s32 v1, v4;
	_ =	sdelay $0x3  }
0x10e: {  	s20 =	simm.s32 $0x10100;
	v3 =	vperm.xlane v3, v2  }
0x10f: {  	[hbm4b:s4+s3] =	stream.indirect_vreg.scatter [tilespmem:s20], [sflag:$0x1], $0x80, v4, vm0, $0xb8;
	[tilespmem:$0x1C100] =	vst v63  }
0x110: {  	s21 =	simm.s32 $0x10900;
	v3 =	vadd.s32 v1, v3  }
0x111: {  	[hbm4b:s11+s3] =	stream.indirect_vreg.scatter [tilespmem:s21], [sflag:$0x1], $0x80, v4, vm0, $0xb8;
	[tilespmem:$0x1C100] =	vst v63  }
0x112: {  	s22 =	simm.s32 $0x11100  }
0x113: {  	[hbm4b:s12+s3] =	stream.indirect_vreg.scatter [tilespmem:s22], [sflag:$0x1], $0x80, v4, vm0, $0xb8;
	[tilespmem:$0x1C100] =	vst v63  }
0x114: {  	s23 =	simm.s32 $0x11900  }
0x115: {  	[hbm4b:s4+s3] =	stream.indirect_vreg.scatter [tilespmem:s23], [sflag:$0x1], $0x80, v3, vm0, $0xb8;
	[tilespmem:$0x1C100] =	vst v63  }
0x116: {  	s24 =	simm.s32 $0x12100  }
0x117: {  	[hbm4b:s11+s3] =	stream.indirect_vreg.scatter [tilespmem:s24], [sflag:$0x1], $0x80, v3, vm0, $0xb8;
	[tilespmem:$0x1C100] =	vst v63  }
0x118: {  	s25 =	simm.s32 $0x12900  }
0x119: {  	[hbm4b:s12+s3] =	stream.indirect_vreg.scatter [tilespmem:s25], [sflag:$0x1], $0x80, v3, vm0, $0xb8;
	[tilespmem:$0x1C100] =	vst v63  }
0x11a: {  	v3 =	vld [tilespmem:$0xD0];
	_ =	sdelay $0x4  }
0x11b: {  	v61 =	vshrl.u32 v3, $0x3  }
0x11c: {  	v4 =	vmul.u32 $0x30, v61  }
0x11d: {  	v3 =	vand.u32 $0x7, v3  }
0x11e: {  	v3 =	vor.u32 v3, v4  }
0x11f: {  	v4 =	vperm.xlane v3, v0;
	_ =	sdelay $0x1  }
0x120: {  	v4 =	vadd.s32 v1, v4;
	_ =	sdelay $0x3  }
0x121: {  	s26 =	simm.s32 $0x13100;
	v3 =	vperm.xlane v3, v2  }
0x122: {  	[hbm4b:s4+s3] =	stream.indirect_vreg.scatter [tilespmem:s26], [sflag:$0x1], $0x80, v4, vm0, $0xb8;
	[tilespmem:$0x1C100] =	vst v63  }
0x123: {  	s28 =	simm.s32 $0x13900;
	v3 =	vadd.s32 v1, v3  }
0x124: {  	[hbm4b:s11+s3] =	stream.indirect_vreg.scatter [tilespmem:s28], [sflag:$0x1], $0x80, v4, vm0, $0xb8;
	[tilespmem:$0x1C100] =	vst v63  }
0x125: {  	s29 =	simm.s32 $0x14100  }
0x126: {  	[hbm4b:s12+s3] =	stream.indirect_vreg.scatter [tilespmem:s29], [sflag:$0x1], $0x80, v4, vm0, $0xb8;
	[tilespmem:$0x1C100] =	vst v63  }
0x127: {  	s30 =	simm.s32 $0x14900  }
0x128: {  	[hbm4b:s4+s3] =	stream.indirect_vreg.scatter [tilespmem:s30], [sflag:$0x1], $0x80, v3, vm0, $0xb8;
	[tilespmem:$0x1C100] =	vst v63  }
0x129: {  	s31 =	simm.s32 $0x15100  }
0x12a: {  	[hbm4b:s11+s3] =	stream.indirect_vreg.scatter [tilespmem:s31], [sflag:$0x1], $0x80, v3, vm0, $0xb8;
	[tilespmem:$0x1C100] =	vst v63  }
0x12b: {  	s7 =	simm.s32 $0x15900  }
0x12c: {  	[hbm4b:s12+s3] =	stream.indirect_vreg.scatter [tilespmem:s7], [sflag:$0x1], $0x80, v3, vm0, $0xb8;
	[tilespmem:$0x1C100] =	vst v63  }
0x12d: {  	v3 =	vld [tilespmem:$0xE0];
	_ =	sdelay $0x4  }
0x12e: {  	v62 =	vshrl.u32 v3, $0x3  }
0x12f: {  	v4 =	vmul.u32 $0x30, v62  }
0x130: {  	v3 =	vand.u32 $0x7, v3  }
0x131: {  	v3 =	vor.u32 v3, v4  }
0x132: {  	v4 =	vperm.xlane v3, v0;
	_ =	sdelay $0x1  }
0x133: {  	v4 =	vadd.s32 v1, v4;
	_ =	sdelay $0x3  }
0x134: {  	s8 =	simm.s32 $0x16100;
	v3 =	vperm.xlane v3, v2  }
0x135: {  	[hbm4b:s4+s3] =	stream.indirect_vreg.scatter [tilespmem:s8], [sflag:$0x1], $0x80, v4, vm0, $0xb8;
	[tilespmem:$0x1C100] =	vst v63  }
0x136: {  	s13 =	simm.s32 $0x16900;
	v3 =	vadd.s32 v1, v3  }
0x137: {  	[hbm4b:s11+s3] =	stream.indirect_vreg.scatter [tilespmem:s13], [sflag:$0x1], $0x80, v4, vm0, $0xb8;
	[tilespmem:$0x1C100] =	vst v63  }
0x138: {  	s14 =	simm.s32 $0x17100  }
0x139: {  	[hbm4b:s12+s3] =	stream.indirect_vreg.scatter [tilespmem:s14], [sflag:$0x1], $0x80, v4, vm0, $0xb8;
	[tilespmem:$0x1C100] =	vst v63  }
0x13a: {  	s15 =	simm.s32 $0x17900  }
0x13b: {  	[hbm4b:s4+s3] =	stream.indirect_vreg.scatter [tilespmem:s15], [sflag:$0x1], $0x80, v3, vm0, $0xb8;
	[tilespmem:$0x1C100] =	vst v63  }
0x13c: {  	s19 =	simm.s32 $0x18100  }
0x13d: {  	[hbm4b:s11+s3] =	stream.indirect_vreg.scatter [tilespmem:s19], [sflag:$0x1], $0x80, v3, vm0, $0xb8;
	[tilespmem:$0x1C100] =	vst v63  }
0x13e: {  	s20 =	simm.s32 $0x18900  }
0x13f: {  	[hbm4b:s12+s3] =	stream.indirect_vreg.scatter [tilespmem:s20], [sflag:$0x1], $0x80, v3, vm0, $0xb8;
	[tilespmem:$0x1C100] =	vst v63  }
0x140: {  	v3 =	vld [tilespmem:$0xF0];
	_ =	sdelay $0x4  }
0x141: {  	v63 =	vshrl.u32 v3, $0x3  }
0x142: {  	v4 =	vmul.u32 $0x30, v63  }
0x143: {  	v3 =	vand.u32 $0x7, v3  }
0x144: {  	v3 =	vor.u32 v3, v4  }
0x145: {  	v4 =	vperm.xlane v3, v0;
	_ =	sdelay $0x1  }
0x146: {  	v4 =	vadd.s32 v1, v4;
	_ =	sdelay $0x3  }
0x147: {  	s21 =	simm.s32 $0x19100;
	v3 =	vperm.xlane v3, v2  }
0x148: {  	[hbm4b:s4+s3] =	stream.indirect_vreg.scatter [tilespmem:s21], [sflag:$0x1], $0x80, v4, vm0, $0xb8;
	[tilespmem:$0x1C100] =	vst v63  }
0x149: {  	s22 =	simm.s32 $0x19900;
	v3 =	vadd.s32 v1, v3  }
0x14a: {  	[hbm4b:s11+s3] =	stream.indirect_vreg.scatter [tilespmem:s22], [sflag:$0x1], $0x80, v4, vm0, $0xb8;
	[tilespmem:$0x1C100] =	vst v63  }
0x14b: {  	s23 =	simm.s32 $0x1A100  }
0x14c: {  	[hbm4b:s12+s3] =	stream.indirect_vreg.scatter [tilespmem:s23], [sflag:$0x1], $0x80, v4, vm0, $0xb8;
	[tilespmem:$0x1C100] =	vst v63  }
0x14d: {  	s24 =	simm.s32 $0x1A900  }
0x14e: {  	[hbm4b:s4+s3] =	stream.indirect_vreg.scatter [tilespmem:s24], [sflag:$0x1], $0x80, v3, vm0, $0xb8;
	[tilespmem:$0x1C100] =	vst v63  }
0x14f: {  	s25 =	simm.s32 $0x1B100  }
0x150: {  	[hbm4b:s11+s3] =	stream.indirect_vreg.scatter [tilespmem:s25], [sflag:$0x1], $0x80, v3, vm0, $0xb8;
	[tilespmem:$0x1C100] =	vst v63  }
0x151: {  	s26 =	simm.s32 $0x1B900  }
0x152: {  	[hbm4b:s12+s3] =	stream.indirect_vreg.scatter [tilespmem:s26], [sflag:$0x1], $0x80, v3, vm0, $0xb8;
	[tilespmem:$0x1C100] =	vst v63  }
0x153: {  	_ =	swait.ge [sflag:s5], $0x18000  }
0x154: {  	[sflag:s5] =	ssyncset.done $0x0  }
0x155: {  	s29 =	simm.s32 $0x100;
	s28 =	rddreg [dreg:$0x9];
	[sflag:s5] =	ssyncadd.s32 $0xFFFE8000  }
0x156: {  	[tilespmem:s29], [sflag:$0x2] =	stream.linear.gather [hbm4b:s28+s3], $0x4000, $0x38;
	[tilespmem:$0x1C100] =	vst v63  }
0x157: {  	_ =	swait.ge [sflag:s0], $0x4000  }
0x158: {  	s31 =	simm.s32 $0x80;
	[sflag:s0] =	ssyncset.done $0x0  }
.Ltmp2:
0x159: {  	s30 =	rddreg [dreg:$0x6];
	[sflag:s0] =	ssyncadd.s32 $0xFFFFC000;
	(pc) =	sbr.rel @p0 .LBB2_3-.Ltmp2, $4  }
0x15a: {  	[hbm4b:s30+s31] =	stream.indirect.scatter [tilespmem:s29], [sflag:$0x1], $0x80, s31, s31, $0xb8;
	[tilespmem:$0x1C100] =	vst v63  }
0x15b: {  	_ =	swait.ge [sflag:s5], $0x4000  }
0x15c: {  	[sflag:s5] =	ssyncset.done $0x0  }
0x15d: {  	s15 =	simm.s32 $0x80;
	[sflag:s5] =	ssyncadd.s32 $0xFFFFC000  }
0x15e: {  	s1 =	rddreg [dreg:$0xa];
	s0 =	simm.s32 $0x2  }
0x15f: {  	[tilespmem:s3], [sflag:$0x2] =	stream.linear.gather [hbm4b:s1+s3], $0x80, $0x38;
	[tilespmem:$0x1C100] =	vst v63  }
0x160: {  	_ =	swait.ge [sflag:s0], $0x80  }
0x161: {  	[sflag:s0] =	ssyncset.done $0x0  }
0x162: {  	s8 =	rddreg [dreg:$0xb];
	[sflag:s0] =	ssyncadd.s32 $0xFFFFFF80  }
0x163: {  	[tilespmem:s15], [sflag:$0x2] =	stream.linear.gather [hbm4b:s8+s3], $0x80, $0x38;
	[tilespmem:$0x1C100] =	vst v63  }
0x164: {  	_ =	swait.ge [sflag:s0], $0x80  }
0x165: {  	[sflag:s0] =	ssyncset.done $0x0  }
0x166: {  	[sflag:s0] =	ssyncadd.s32 $0xFFFFFF80  }
0x167: {  	v3 =	vld [tilespmem:$0x0];
	_ =	sdelay $0x4  }
0x168: {  	v4 =	vshrl.u32 v3, $0x3  }
0x169: {  	v4 =	vmul.u32 $0x30, v4  }
0x16a: {  	v3 =	vand.u32 $0x7, v3  }
0x16b: {  	v3 =	vor.u32 v3, v4  }
0x16c: {  	v4 =	vperm.xlane v3, v0;
	_ =	sdelay $0x1  }
0x16d: {  	v4 =	vadd.s32 v1, v4;
	_ =	sdelay $0x3  }
0x16e: {  	s1 =	simm.s32 $0x4100;
	v3 =	vperm.xlane v3, v2  }
0x16f: {  	[tilespmem:s1], [sflag:$0x1] =	stream.indirect_vreg.gather [hbm4b:s2+s3], $0x80, v4, vm0, $0xb8;
	[tilespmem:$0x1C100] =	vst v63  }
0x170: {  	s14 =	simm.s32 $0x4900;
	v3 =	vadd.s32 v1, v3  }
0x171: {  	[tilespmem:s14], [sflag:$0x1] =	stream.indirect_vreg.gather [hbm4b:s9+s3], $0x80, v4, vm0, $0xb8;
	[tilespmem:$0x1C100] =	vst v63  }
0x172: {  	s13 =	simm.s32 $0x5100  }
0x173: {  	[tilespmem:s13], [sflag:$0x1] =	stream.indirect_vreg.gather [hbm4b:s10+s3], $0x80, v4, vm0, $0xb8;
	[tilespmem:$0x1C100] =	vst v63  }
0x174: {  	s7 =	simm.s32 $0x5900  }
0x175: {  	[tilespmem:s7], [sflag:$0x1] =	stream.indirect_vreg.gather [hbm4b:s2+s3], $0x80, v3, vm0, $0xb8;
	[tilespmem:$0x1C100] =	vst v63  }
0x176: {  	s8 =	simm.s32 $0x6100  }
0x177: {  	[tilespmem:s8], [sflag:$0x1] =	stream.indirect_vreg.gather [hbm4b:s9+s3], $0x80, v3, vm0, $0xb8;
	[tilespmem:$0x1C100] =	vst v63  }
0x178: {  	s13 =	simm.s32 $0x6900  }
0x179: {  	[tilespmem:s13], [sflag:$0x1] =	stream.indirect_vreg.gather [hbm4b:s10+s3], $0x80, v3, vm0, $0xb8;
	[tilespmem:$0x1C100] =	vst v63  }
0x17a: {  	v3 =	vld [tilespmem:$0x10];
	_ =	sdelay $0x4  }
0x17b: {  	v49 =	vshrl.u32 v3, $0x3  }
0x17c: {  	v4 =	vmul.u32 $0x30, v49  }
0x17d: {  	v3 =	vand.u32 $0x7, v3  }
0x17e: {  	v3 =	vor.u32 v3, v4  }
0x17f: {  	v4 =	vperm.xlane v3, v0;
	_ =	sdelay $0x1  }
0x180: {  	v4 =	vadd.s32 v1, v4;
	_ =	sdelay $0x3  }
0x181: {  	s15 =	simm.s32 $0x7100;
	v3 =	vperm.xlane v3, v2  }
0x182: {  	[tilespmem:s15], [sflag:$0x1] =	stream.indirect_vreg.gather [hbm4b:s2+s3], $0x80, v4, vm0, $0xb8;
	[tilespmem:$0x1C100] =	vst v63  }
0x183: {  	s20 =	simm.s32 $0x7900;
	v3 =	vadd.s32 v1, v3  }
0x184: {  	[tilespmem:s20], [sflag:$0x1] =	stream.indirect_vreg.gather [hbm4b:s9+s3], $0x80, v4, vm0, $0xb8;
	[tilespmem:$0x1C100] =	vst v63  }
0x185: {  	s21 =	simm.s32 $0x8100  }
0x186: {  	[tilespmem:s21], [sflag:$0x1] =	stream.indirect_vreg.gather [hbm4b:s10+s3], $0x80, v4, vm0, $0xb8;
	[tilespmem:$0x1C100] =	vst v63  }
0x187: {  	s22 =	simm.s32 $0x8900  }
0x188: {  	[tilespmem:s22], [sflag:$0x1] =	stream.indirect_vreg.gather [hbm4b:s2+s3], $0x80, v3, vm0, $0xb8;
	[tilespmem:$0x1C100] =	vst v63  }
0x189: {  	s23 =	simm.s32 $0x9100  }
0x18a: {  	[tilespmem:s23], [sflag:$0x1] =	stream.indirect_vreg.gather [hbm4b:s9+s3], $0x80, v3, vm0, $0xb8;
	[tilespmem:$0x1C100] =	vst v63  }
0x18b: {  	s24 =	simm.s32 $0x9900  }
0x18c: {  	[tilespmem:s24], [sflag:$0x1] =	stream.indirect_vreg.gather [hbm4b:s10+s3], $0x80, v3, vm0, $0xb8;
	[tilespmem:$0x1C100] =	vst v63  }
0x18d: {  	v3 =	vld [tilespmem:$0x20];
	_ =	sdelay $0x4  }
0x18e: {  	v50 =	vshrl.u32 v3, $0x3  }
0x18f: {  	v4 =	vmul.u32 $0x30, v50  }
0x190: {  	v3 =	vand.u32 $0x7, v3  }
0x191: {  	v3 =	vor.u32 v3, v4  }
0x192: {  	v4 =	vperm.xlane v3, v0;
	_ =	sdelay $0x1  }
0x193: {  	v4 =	vadd.s32 v1, v4;
	_ =	sdelay $0x3  }
0x194: {  	s25 =	simm.s32 $0xA100;
	v3 =	vperm.xlane v3, v2  }
0x195: {  	[tilespmem:s25], [sflag:$0x1] =	stream.indirect_vreg.gather [hbm4b:s2+s3], $0x80, v4, vm0, $0xb8;
	[tilespmem:$0x1C100] =	vst v63  }
0x196: {  	s26 =	simm.s32 $0xA900;
	v3 =	vadd.s32 v1, v3  }
0x197: {  	[tilespmem:s26], [sflag:$0x1] =	stream.indirect_vreg.gather [hbm4b:s9+s3], $0x80, v4, vm0, $0xb8;
	[tilespmem:$0x1C100] =	vst v63  }
0x198: {  	s28 =	simm.s32 $0xB100  }
0x199: {  	[tilespmem:s28], [sflag:$0x1] =	stream.indirect_vreg.gather [hbm4b:s10+s3], $0x80, v4, vm0, $0xb8;
	[tilespmem:$0x1C100] =	vst v63  }
0x19a: {  	s29 =	simm.s32 $0xB900  }
0x19b: {  	[tilespmem:s29], [sflag:$0x1] =	stream.indirect_vreg.gather [hbm4b:s2+s3], $0x80, v3, vm0, $0xb8;
	[tilespmem:$0x1C100] =	vst v63  }
0x19c: {  	s30 =	simm.s32 $0xC100  }
0x19d: {  	[tilespmem:s30], [sflag:$0x1] =	stream.indirect_vreg.gather [hbm4b:s9+s3], $0x80, v3, vm0, $0xb8;
	[tilespmem:$0x1C100] =	vst v63  }
0x19e: {  	s31 =	simm.s32 $0xC900  }
0x19f: {  	[tilespmem:s31], [sflag:$0x1] =	stream.indirect_vreg.gather [hbm4b:s10+s3], $0x80, v3, vm0, $0xb8;
	[tilespmem:$0x1C100] =	vst v63  }
0x1a0: {  	v3 =	vld [tilespmem:$0x30];
	_ =	sdelay $0x4  }
0x1a1: {  	v51 =	vshrl.u32 v3, $0x3  }
0x1a2: {  	v4 =	vmul.u32 $0x30, v51  }
0x1a3: {  	v3 =	vand.u32 $0x7, v3  }
0x1a4: {  	v3 =	vor.u32 v3, v4  }
0x1a5: {  	v4 =	vperm.xlane v3, v0;
	_ =	sdelay $0x1  }
0x1a6: {  	v4 =	vadd.s32 v1, v4;
	_ =	sdelay $0x3  }
0x1a7: {  	s19 =	simm.s32 $0xD100;
	v3 =	vperm.xlane v3, v2  }
0x1a8: {  	[tilespmem:s19], [sflag:$0x1] =	stream.indirect_vreg.gather [hbm4b:s2+s3], $0x80, v4, vm0, $0xb8;
	[tilespmem:$0x1C100] =	vst v63  }
0x1a9: {  	s0 =	simm.s32 $0xD900;
	v3 =	vadd.s32 v1, v3  }
0x1aa: {  	[tilespmem:s0], [sflag:$0x1] =	stream.indirect_vreg.gather [hbm4b:s9+s3], $0x80, v4, vm0, $0xb8;
	[tilespmem:$0x1C100] =	vst v63  }
0x1ab: {  	s0 =	simm.s32 $0xE100  }
0x1ac: {  	[tilespmem:s0], [sflag:$0x1] =	stream.indirect_vreg.gather [hbm4b:s10+s3], $0x80, v4, vm0, $0xb8;
	[tilespmem:$0x1C100] =	vst v63  }
0x1ad: {  	s0 =	simm.s32 $0xE900  }
0x1ae: {  	[tilespmem:s0], [sflag:$0x1] =	stream.indirect_vreg.gather [hbm4b:s2+s3], $0x80, v3, vm0, $0xb8;
	[tilespmem:$0x1C100] =	vst v63  }
0x1af: {  	s0 =	simm.s32 $0xF100  }
0x1b0: {  	[tilespmem:s0], [sflag:$0x1] =	stream.indirect_vreg.gather [hbm4b:s9+s3], $0x80, v3, vm0, $0xb8;
	[tilespmem:$0x1C100] =	vst v63  }
0x1b1: {  	s0 =	simm.s32 $0xF900  }
0x1b2: {  	[tilespmem:s0], [sflag:$0x1] =	stream.indirect_vreg.gather [hbm4b:s10+s3], $0x80, v3, vm0, $0xb8;
	[tilespmem:$0x1C100] =	vst v63  }
0x1b3: {  	v3 =	vld [tilespmem:$0x40];
	_ =	sdelay $0x4  }
0x1b4: {  	v52 =	vshrl.u32 v3, $0x3  }
0x1b5: {  	v4 =	vmul.u32 $0x30, v52  }
0x1b6: {  	v3 =	vand.u32 $0x7, v3  }
0x1b7: {  	v3 =	vor.u32 v3, v4  }
0x1b8: {  	v4 =	vperm.xlane v3, v0;
	_ =	sdelay $0x1  }
0x1b9: {  	v4 =	vadd.s32 v1, v4;
	_ =	sdelay $0x3  }
0x1ba: {  	s0 =	simm.s32 $0x10100;
	v3 =	vperm.xlane v3, v2  }
0x1bb: {  	[tilespmem:s0], [sflag:$0x1] =	stream.indirect_vreg.gather [hbm4b:s2+s3], $0x80, v4, vm0, $0xb8;
	[tilespmem:$0x1C100] =	vst v63  }
0x1bc: {  	v3 =	vadd.s32 v1, v3;
	s0 =	simm.s32 $0x10900  }
0x1bd: {  	[tilespmem:s0], [sflag:$0x1] =	stream.indirect_vreg.gather [hbm4b:s9+s3], $0x80, v4, vm0, $0xb8;
	[tilespmem:$0x1C100] =	vst v63  }
0x1be: {  	s0 =	simm.s32 $0x11100  }
0x1bf: {  	[tilespmem:s0], [sflag:$0x1] =	stream.indirect_vreg.gather [hbm4b:s10+s3], $0x80, v4, vm0, $0xb8;
	[tilespmem:$0x1C100] =	vst v63  }
0x1c0: {  	s0 =	simm.s32 $0x11900  }
0x1c1: {  	[tilespmem:s0], [sflag:$0x1] =	stream.indirect_vreg.gather [hbm4b:s2+s3], $0x80, v3, vm0, $0xb8;
	[tilespmem:$0x1C100] =	vst v63  }
0x1c2: {  	s0 =	simm.s32 $0x12100  }
0x1c3: {  	[tilespmem:s0], [sflag:$0x1] =	stream.indirect_vreg.gather [hbm4b:s9+s3], $0x80, v3, vm0, $0xb8;
	[tilespmem:$0x1C100] =	vst v63  }
0x1c4: {  	s0 =	simm.s32 $0x12900  }
0x1c5: {  	[tilespmem:s0], [sflag:$0x1] =	stream.indirect_vreg.gather [hbm4b:s10+s3], $0x80, v3, vm0, $0xb8;
	[tilespmem:$0x1C100] =	vst v63  }
0x1c6: {  	v3 =	vld [tilespmem:$0x50];
	_ =	sdelay $0x4  }
0x1c7: {  	v53 =	vshrl.u32 v3, $0x3  }
0x1c8: {  	v4 =	vmul.u32 $0x30, v53  }
0x1c9: {  	v3 =	vand.u32 $0x7, v3  }
0x1ca: {  	v3 =	vor.u32 v3, v4  }
0x1cb: {  	v4 =	vperm.xlane v3, v0;
	_ =	sdelay $0x1  }
0x1cc: {  	v4 =	vadd.s32 v1, v4;
	_ =	sdelay $0x3  }
0x1cd: {  	s0 =	simm.s32 $0x13100;
	v3 =	vperm.xlane v3, v2  }
0x1ce: {  	[tilespmem:s0], [sflag:$0x1] =	stream.indirect_vreg.gather [hbm4b:s2+s3], $0x80, v4, vm0, $0xb8;
	[tilespmem:$0x1C100] =	vst v63  }
0x1cf: {  	v3 =	vadd.s32 v1, v3;
	s0 =	simm.s32 $0x13900  }
0x1d0: {  	[tilespmem:s0], [sflag:$0x1] =	stream.indirect_vreg.gather [hbm4b:s9+s3], $0x80, v4, vm0, $0xb8;
	[tilespmem:$0x1C100] =	vst v63  }
0x1d1: {  	s0 =	simm.s32 $0x14100  }
0x1d2: {  	[tilespmem:s0], [sflag:$0x1] =	stream.indirect_vreg.gather [hbm4b:s10+s3], $0x80, v4, vm0, $0xb8;
	[tilespmem:$0x1C100] =	vst v63  }
0x1d3: {  	s0 =	simm.s32 $0x14900  }
0x1d4: {  	[tilespmem:s0], [sflag:$0x1] =	stream.indirect_vreg.gather [hbm4b:s2+s3], $0x80, v3, vm0, $0xb8;
	[tilespmem:$0x1C100] =	vst v63  }
0x1d5: {  	s0 =	simm.s32 $0x15100  }
0x1d6: {  	[tilespmem:s0], [sflag:$0x1] =	stream.indirect_vreg.gather [hbm4b:s9+s3], $0x80, v3, vm0, $0xb8;
	[tilespmem:$0x1C100] =	vst v63  }
0x1d7: {  	s0 =	simm.s32 $0x15900  }
0x1d8: {  	[tilespmem:s0], [sflag:$0x1] =	stream.indirect_vreg.gather [hbm4b:s10+s3], $0x80, v3, vm0, $0xb8;
	[tilespmem:$0x1C100] =	vst v63  }
0x1d9: {  	v3 =	vld [tilespmem:$0x60];
	_ =	sdelay $0x4  }
0x1da: {  	v54 =	vshrl.u32 v3, $0x3  }
0x1db: {  	v4 =	vmul.u32 $0x30, v54  }
0x1dc: {  	v3 =	vand.u32 $0x7, v3  }
0x1dd: {  	v3 =	vor.u32 v3, v4  }
0x1de: {  	v4 =	vperm.xlane v3, v0;
	_ =	sdelay $0x1  }
0x1df: {  	v4 =	vadd.s32 v1, v4;
	_ =	sdelay $0x3  }
0x1e0: {  	s0 =	simm.s32 $0x16100;
	v3 =	vperm.xlane v3, v2  }
0x1e1: {  	[tilespmem:s0], [sflag:$0x1] =	stream.indirect_vreg.gather [hbm4b:s2+s3], $0x80, v4, vm0, $0xb8;
	[tilespmem:$0x1C100] =	vst v63  }
0x1e2: {  	v3 =	vadd.s32 v1, v3;
	s0 =	simm.s32 $0x16900  }
0x1e3: {  	[tilespmem:s0], [sflag:$0x1] =	stream.indirect_vreg.gather [hbm4b:s9+s3], $0x80, v4, vm0, $0xb8;
	[tilespmem:$0x1C100] =	vst v63  }
0x1e4: {  	s0 =	simm.s32 $0x17100  }
0x1e5: {  	[tilespmem:s0], [sflag:$0x1] =	stream.indirect_vreg.gather [hbm4b:s10+s3], $0x80, v4, vm0, $0xb8;
	[tilespmem:$0x1C100] =	vst v63  }
0x1e6: {  	s0 =	simm.s32 $0x17900  }
0x1e7: {  	[tilespmem:s0], [sflag:$0x1] =	stream.indirect_vreg.gather [hbm4b:s2+s3], $0x80, v3, vm0, $0xb8;
	[tilespmem:$0x1C100] =	vst v63  }
0x1e8: {  	s0 =	simm.s32 $0x18100  }
0x1e9: {  	[tilespmem:s0], [sflag:$0x1] =	stream.indirect_vreg.gather [hbm4b:s9+s3], $0x80, v3, vm0, $0xb8;
	[tilespmem:$0x1C100] =	vst v63  }
0x1ea: {  	s0 =	simm.s32 $0x18900  }
0x1eb: {  	[tilespmem:s0], [sflag:$0x1] =	stream.indirect_vreg.gather [hbm4b:s10+s3], $0x80, v3, vm0, $0xb8;
	[tilespmem:$0x1C100] =	vst v63  }
0x1ec: {  	v3 =	vld [tilespmem:$0x70];
	_ =	sdelay $0x4  }
0x1ed: {  	v55 =	vshrl.u32 v3, $0x3  }
0x1ee: {  	v4 =	vmul.u32 $0x30, v55  }
0x1ef: {  	v3 =	vand.u32 $0x7, v3  }
0x1f0: {  	v3 =	vor.u32 v3, v4  }
0x1f1: {  	v4 =	vperm.xlane v3, v0;
	_ =	sdelay $0x1  }
0x1f2: {  	v4 =	vadd.s32 v1, v4;
	_ =	sdelay $0x3  }
0x1f3: {  	s0 =	simm.s32 $0x19100;
	v3 =	vperm.xlane v3, v2  }
0x1f4: {  	[tilespmem:s0], [sflag:$0x1] =	stream.indirect_vreg.gather [hbm4b:s2+s3], $0x80, v4, vm0, $0xb8;
	[tilespmem:$0x1C100] =	vst v63  }
0x1f5: {  	v3 =	vadd.s32 v1, v3;
	s0 =	simm.s32 $0x19900  }
0x1f6: {  	[tilespmem:s0], [sflag:$0x1] =	stream.indirect_vreg.gather [hbm4b:s9+s3], $0x80, v4, vm0, $0xb8;
	[tilespmem:$0x1C100] =	vst v63  }
0x1f7: {  	s0 =	simm.s32 $0x1A100  }
0x1f8: {  	[tilespmem:s0], [sflag:$0x1] =	stream.indirect_vreg.gather [hbm4b:s10+s3], $0x80, v4, vm0, $0xb8;
	[tilespmem:$0x1C100] =	vst v63  }
0x1f9: {  	s0 =	simm.s32 $0x1A900  }
0x1fa: {  	[tilespmem:s0], [sflag:$0x1] =	stream.indirect_vreg.gather [hbm4b:s2+s3], $0x80, v3, vm0, $0xb8;
	[tilespmem:$0x1C100] =	vst v63  }
0x1fb: {  	s0 =	simm.s32 $0x1B100  }
0x1fc: {  	[tilespmem:s0], [sflag:$0x1] =	stream.indirect_vreg.gather [hbm4b:s9+s3], $0x80, v3, vm0, $0xb8;
	[tilespmem:$0x1C100] =	vst v63  }
0x1fd: {  	s0 =	simm.s32 $0x1B900  }
0x1fe: {  	[tilespmem:s0], [sflag:$0x1] =	stream.indirect_vreg.gather [hbm4b:s10+s3], $0x80, v3, vm0, $0xb8;
	[tilespmem:$0x1C100] =	vst v63  }
0x1ff: {  	_ =	swait.ge [sflag:s5], $0x18000  }
0x200: {  	[sflag:s5] =	ssyncset.done $0x0  }
0x201: {  	[sflag:s5] =	ssyncadd.s32 $0xFFFE8000  }
0x202: {  	v3 =	vld [tilespmem:$0x80];
	_ =	sdelay $0x4  }
0x203: {  	v56 =	vshrl.u32 v3, $0x3  }
0x204: {  	v4 =	vmul.u32 $0x30, v56  }
0x205: {  	v3 =	vand.u32 $0x7, v3  }
0x206: {  	v3 =	vor.u32 v3, v4  }
0x207: {  	v4 =	vperm.xlane v3, v0;
	_ =	sdelay $0x1  }
0x208: {  	v4 =	vadd.s32 v1, v4;
	_ =	sdelay $0x3  }
0x209: {  	v3 =	vperm.xlane v3, v2  }
0x20a: {  	[hbm4b:s6+s3] =	stream.indirect_vreg.scatter [tilespmem:s1], [sflag:$0x1], $0x80, v4, vm0, $0xb8;
	[tilespmem:$0x1C100] =	vst v63  }
0x20b: {  	v3 =	vadd.s32 v1, v3  }
0x20c: {  	[hbm4b:s16+s3] =	stream.indirect_vreg.scatter [tilespmem:s14], [sflag:$0x1], $0x80, v4, vm0, $0xb8;
	[tilespmem:$0x1C100] =	vst v63  }
0x20d: {  	s14 =	simm.s32 $0x5100  }
0x20e: {  	[hbm4b:s17+s3] =	stream.indirect_vreg.scatter [tilespmem:s14], [sflag:$0x1], $0x80, v4, vm0, $0xb8;
	[tilespmem:$0x1C100] =	vst v63  }
0x20f: {  	_ = 	snop  }
0x210: {  	[hbm4b:s6+s3] =	stream.indirect_vreg.scatter [tilespmem:s7], [sflag:$0x1], $0x80, v3, vm0, $0xb8;
	[tilespmem:$0x1C100] =	vst v63  }
0x211: {  	_ = 	snop  }
0x212: {  	[hbm4b:s16+s3] =	stream.indirect_vreg.scatter [tilespmem:s8], [sflag:$0x1], $0x80, v3, vm0, $0xb8;
	[tilespmem:$0x1C100] =	vst v63  }
0x213: {  	_ = 	snop  }
0x214: {  	[hbm4b:s17+s3] =	stream.indirect_vreg.scatter [tilespmem:s13], [sflag:$0x1], $0x80, v3, vm0, $0xb8;
	[tilespmem:$0x1C100] =	vst v63  }
0x215: {  	v3 =	vld [tilespmem:$0x90];
	_ =	sdelay $0x4  }
0x216: {  	v57 =	vshrl.u32 v3, $0x3  }
0x217: {  	v4 =	vmul.u32 $0x30, v57  }
0x218: {  	v3 =	vand.u32 $0x7, v3  }
0x219: {  	v3 =	vor.u32 v3, v4  }
0x21a: {  	v4 =	vperm.xlane v3, v0;
	_ =	sdelay $0x1  }
0x21b: {  	v4 =	vadd.s32 v1, v4;
	_ =	sdelay $0x3  }
0x21c: {  	v3 =	vperm.xlane v3, v2  }
0x21d: {  	[hbm4b:s6+s3] =	stream.indirect_vreg.scatter [tilespmem:s15], [sflag:$0x1], $0x80, v4, vm0, $0xb8;
	[tilespmem:$0x1C100] =	vst v63  }
0x21e: {  	v3 =	vadd.s32 v1, v3  }
0x21f: {  	[hbm4b:s16+s3] =	stream.indirect_vreg.scatter [tilespmem:s20], [sflag:$0x1], $0x80, v4, vm0, $0xb8;
	[tilespmem:$0x1C100] =	vst v63  }
0x220: {  	_ = 	snop  }
0x221: {  	[hbm4b:s17+s3] =	stream.indirect_vreg.scatter [tilespmem:s21], [sflag:$0x1], $0x80, v4, vm0, $0xb8;
	[tilespmem:$0x1C100] =	vst v63  }
0x222: {  	_ = 	snop  }
0x223: {  	[hbm4b:s6+s3] =	stream.indirect_vreg.scatter [tilespmem:s22], [sflag:$0x1], $0x80, v3, vm0, $0xb8;
	[tilespmem:$0x1C100] =	vst v63  }
0x224: {  	_ = 	snop  }
0x225: {  	[hbm4b:s16+s3] =	stream.indirect_vreg.scatter [tilespmem:s23], [sflag:$0x1], $0x80, v3, vm0, $0xb8;
	[tilespmem:$0x1C100] =	vst v63  }
0x226: {  	_ = 	snop  }
0x227: {  	[hbm4b:s17+s3] =	stream.indirect_vreg.scatter [tilespmem:s24], [sflag:$0x1], $0x80, v3, vm0, $0xb8;
	[tilespmem:$0x1C100] =	vst v63  }
0x228: {  	v3 =	vld [tilespmem:$0xA0];
	_ =	sdelay $0x4  }
0x229: {  	v58 =	vshrl.u32 v3, $0x3  }
0x22a: {  	v4 =	vmul.u32 $0x30, v58  }
0x22b: {  	v3 =	vand.u32 $0x7, v3  }
0x22c: {  	v3 =	vor.u32 v3, v4  }
0x22d: {  	v4 =	vperm.xlane v3, v0;
	_ =	sdelay $0x1  }
0x22e: {  	v4 =	vadd.s32 v1, v4;
	_ =	sdelay $0x3  }
0x22f: {  	v3 =	vperm.xlane v3, v2  }
0x230: {  	[hbm4b:s6+s3] =	stream.indirect_vreg.scatter [tilespmem:s25], [sflag:$0x1], $0x80, v4, vm0, $0xb8;
	[tilespmem:$0x1C100] =	vst v63  }
0x231: {  	v3 =	vadd.s32 v1, v3  }
0x232: {  	[hbm4b:s16+s3] =	stream.indirect_vreg.scatter [tilespmem:s26], [sflag:$0x1], $0x80, v4, vm0, $0xb8;
	[tilespmem:$0x1C100] =	vst v63  }
0x233: {  	_ = 	snop  }
0x234: {  	[hbm4b:s17+s3] =	stream.indirect_vreg.scatter [tilespmem:s28], [sflag:$0x1], $0x80, v4, vm0, $0xb8;
	[tilespmem:$0x1C100] =	vst v63  }
0x235: {  	_ = 	snop  }
0x236: {  	[hbm4b:s6+s3] =	stream.indirect_vreg.scatter [tilespmem:s29], [sflag:$0x1], $0x80, v3, vm0, $0xb8;
	[tilespmem:$0x1C100] =	vst v63  }
0x237: {  	_ = 	snop  }
0x238: {  	[hbm4b:s16+s3] =	stream.indirect_vreg.scatter [tilespmem:s30], [sflag:$0x1], $0x80, v3, vm0, $0xb8;
	[tilespmem:$0x1C100] =	vst v63  }
0x239: {  	_ = 	snop  }
0x23a: {  	[hbm4b:s17+s3] =	stream.indirect_vreg.scatter [tilespmem:s31], [sflag:$0x1], $0x80, v3, vm0, $0xb8;
	[tilespmem:$0x1C100] =	vst v63  }
0x23b: {  	v3 =	vld [tilespmem:$0xB0];
	_ =	sdelay $0x4  }
0x23c: {  	v59 =	vshrl.u32 v3, $0x3  }
0x23d: {  	v4 =	vmul.u32 $0x30, v59  }
0x23e: {  	v3 =	vand.u32 $0x7, v3  }
0x23f: {  	v3 =	vor.u32 v3, v4  }
0x240: {  	v4 =	vperm.xlane v3, v0;
	_ =	sdelay $0x1  }
0x241: {  	v4 =	vadd.s32 v1, v4;
	_ =	sdelay $0x3  }
0x242: {  	v3 =	vperm.xlane v3, v2  }
0x243: {  	[hbm4b:s6+s3] =	stream.indirect_vreg.scatter [tilespmem:s19], [sflag:$0x1], $0x80, v4, vm0, $0xb8;
	[tilespmem:$0x1C100] =	vst v63  }
0x244: {  	s20 =	simm.s32 $0xD900;
	v3 =	vadd.s32 v1, v3  }
0x245: {  	[hbm4b:s16+s3] =	stream.indirect_vreg.scatter [tilespmem:s20], [sflag:$0x1], $0x80, v4, vm0, $0xb8;
	[tilespmem:$0x1C100] =	vst v63  }
0x246: {  	s21 =	simm.s32 $0xE100  }
0x247: {  	[hbm4b:s17+s3] =	stream.indirect_vreg.scatter [tilespmem:s21], [sflag:$0x1], $0x80, v4, vm0, $0xb8;
	[tilespmem:$0x1C100] =	vst v63  }
0x248: {  	s22 =	simm.s32 $0xE900  }
0x249: {  	[hbm4b:s6+s3] =	stream.indirect_vreg.scatter [tilespmem:s22], [sflag:$0x1], $0x80, v3, vm0, $0xb8;
	[tilespmem:$0x1C100] =	vst v63  }
0x24a: {  	s23 =	simm.s32 $0xF100  }
0x24b: {  	[hbm4b:s16+s3] =	stream.indirect_vreg.scatter [tilespmem:s23], [sflag:$0x1], $0x80, v3, vm0, $0xb8;
	[tilespmem:$0x1C100] =	vst v63  }
0x24c: {  	s24 =	simm.s32 $0xF900  }
0x24d: {  	[hbm4b:s17+s3] =	stream.indirect_vreg.scatter [tilespmem:s24], [sflag:$0x1], $0x80, v3, vm0, $0xb8;
	[tilespmem:$0x1C100] =	vst v63  }
0x24e: {  	v3 =	vld [tilespmem:$0xC0];
	_ =	sdelay $0x4  }
0x24f: {  	v60 =	vshrl.u32 v3, $0x3  }
0x250: {  	v4 =	vmul.u32 $0x30, v60  }
0x251: {  	v3 =	vand.u32 $0x7, v3  }
0x252: {  	v3 =	vor.u32 v3, v4  }
0x253: {  	v4 =	vperm.xlane v3, v0;
	_ =	sdelay $0x1  }
0x254: {  	v4 =	vadd.s32 v1, v4;
	_ =	sdelay $0x3  }
0x255: {  	s25 =	simm.s32 $0x10100;
	v3 =	vperm.xlane v3, v2  }
0x256: {  	[hbm4b:s6+s3] =	stream.indirect_vreg.scatter [tilespmem:s25], [sflag:$0x1], $0x80, v4, vm0, $0xb8;
	[tilespmem:$0x1C100] =	vst v63  }
0x257: {  	s26 =	simm.s32 $0x10900;
	v3 =	vadd.s32 v1, v3  }
0x258: {  	[hbm4b:s16+s3] =	stream.indirect_vreg.scatter [tilespmem:s26], [sflag:$0x1], $0x80, v4, vm0, $0xb8;
	[tilespmem:$0x1C100] =	vst v63  }
0x259: {  	s28 =	simm.s32 $0x11100  }
0x25a: {  	[hbm4b:s17+s3] =	stream.indirect_vreg.scatter [tilespmem:s28], [sflag:$0x1], $0x80, v4, vm0, $0xb8;
	[tilespmem:$0x1C100] =	vst v63  }
0x25b: {  	s29 =	simm.s32 $0x11900  }
0x25c: {  	[hbm4b:s6+s3] =	stream.indirect_vreg.scatter [tilespmem:s29], [sflag:$0x1], $0x80, v3, vm0, $0xb8;
	[tilespmem:$0x1C100] =	vst v63  }
0x25d: {  	s30 =	simm.s32 $0x12100  }
0x25e: {  	[hbm4b:s16+s3] =	stream.indirect_vreg.scatter [tilespmem:s30], [sflag:$0x1], $0x80, v3, vm0, $0xb8;
	[tilespmem:$0x1C100] =	vst v63  }
0x25f: {  	s31 =	simm.s32 $0x12900  }
0x260: {  	[hbm4b:s17+s3] =	stream.indirect_vreg.scatter [tilespmem:s31], [sflag:$0x1], $0x80, v3, vm0, $0xb8;
	[tilespmem:$0x1C100] =	vst v63  }
0x261: {  	v3 =	vld [tilespmem:$0xD0];
	_ =	sdelay $0x4  }
0x262: {  	v61 =	vshrl.u32 v3, $0x3  }
0x263: {  	v4 =	vmul.u32 $0x30, v61  }
0x264: {  	v3 =	vand.u32 $0x7, v3  }
0x265: {  	v3 =	vor.u32 v3, v4  }
0x266: {  	v4 =	vperm.xlane v3, v0;
	_ =	sdelay $0x1  }
0x267: {  	v4 =	vadd.s32 v1, v4;
	_ =	sdelay $0x3  }
0x268: {  	s1 =	simm.s32 $0x13100;
	v3 =	vperm.xlane v3, v2  }
0x269: {  	[hbm4b:s6+s3] =	stream.indirect_vreg.scatter [tilespmem:s1], [sflag:$0x1], $0x80, v4, vm0, $0xb8;
	[tilespmem:$0x1C100] =	vst v63  }
0x26a: {  	s7 =	simm.s32 $0x13900;
	v3 =	vadd.s32 v1, v3  }
0x26b: {  	[hbm4b:s16+s3] =	stream.indirect_vreg.scatter [tilespmem:s7], [sflag:$0x1], $0x80, v4, vm0, $0xb8;
	[tilespmem:$0x1C100] =	vst v63  }
0x26c: {  	s8 =	simm.s32 $0x14100  }
0x26d: {  	[hbm4b:s17+s3] =	stream.indirect_vreg.scatter [tilespmem:s8], [sflag:$0x1], $0x80, v4, vm0, $0xb8;
	[tilespmem:$0x1C100] =	vst v63  }
0x26e: {  	s13 =	simm.s32 $0x14900  }
0x26f: {  	[hbm4b:s6+s3] =	stream.indirect_vreg.scatter [tilespmem:s13], [sflag:$0x1], $0x80, v3, vm0, $0xb8;
	[tilespmem:$0x1C100] =	vst v63  }
0x270: {  	s14 =	simm.s32 $0x15100  }
0x271: {  	[hbm4b:s16+s3] =	stream.indirect_vreg.scatter [tilespmem:s14], [sflag:$0x1], $0x80, v3, vm0, $0xb8;
	[tilespmem:$0x1C100] =	vst v63  }
0x272: {  	s15 =	simm.s32 $0x15900  }
0x273: {  	[hbm4b:s17+s3] =	stream.indirect_vreg.scatter [tilespmem:s15], [sflag:$0x1], $0x80, v3, vm0, $0xb8;
	[tilespmem:$0x1C100] =	vst v63  }
0x274: {  	v3 =	vld [tilespmem:$0xE0];
	_ =	sdelay $0x4  }
0x275: {  	v62 =	vshrl.u32 v3, $0x3  }
0x276: {  	v4 =	vmul.u32 $0x30, v62  }
0x277: {  	v3 =	vand.u32 $0x7, v3  }
0x278: {  	v3 =	vor.u32 v3, v4  }
0x279: {  	v4 =	vperm.xlane v3, v0;
	_ =	sdelay $0x1  }
0x27a: {  	v4 =	vadd.s32 v1, v4;
	_ =	sdelay $0x3  }
0x27b: {  	s19 =	simm.s32 $0x16100;
	v3 =	vperm.xlane v3, v2  }
0x27c: {  	[hbm4b:s6+s3] =	stream.indirect_vreg.scatter [tilespmem:s19], [sflag:$0x1], $0x80, v4, vm0, $0xb8;
	[tilespmem:$0x1C100] =	vst v63  }
0x27d: {  	s20 =	simm.s32 $0x16900;
	v3 =	vadd.s32 v1, v3  }
0x27e: {  	[hbm4b:s16+s3] =	stream.indirect_vreg.scatter [tilespmem:s20], [sflag:$0x1], $0x80, v4, vm0, $0xb8;
	[tilespmem:$0x1C100] =	vst v63  }
0x27f: {  	s21 =	simm.s32 $0x17100  }
0x280: {  	[hbm4b:s17+s3] =	stream.indirect_vreg.scatter [tilespmem:s21], [sflag:$0x1], $0x80, v4, vm0, $0xb8;
	[tilespmem:$0x1C100] =	vst v63  }
0x281: {  	s22 =	simm.s32 $0x17900  }
0x282: {  	[hbm4b:s6+s3] =	stream.indirect_vreg.scatter [tilespmem:s22], [sflag:$0x1], $0x80, v3, vm0, $0xb8;
	[tilespmem:$0x1C100] =	vst v63  }
0x283: {  	s23 =	simm.s32 $0x18100  }
0x284: {  	[hbm4b:s16+s3] =	stream.indirect_vreg.scatter [tilespmem:s23], [sflag:$0x1], $0x80, v3, vm0, $0xb8;
	[tilespmem:$0x1C100] =	vst v63  }
0x285: {  	s24 =	simm.s32 $0x18900  }
0x286: {  	[hbm4b:s17+s3] =	stream.indirect_vreg.scatter [tilespmem:s24], [sflag:$0x1], $0x80, v3, vm0, $0xb8;
	[tilespmem:$0x1C100] =	vst v63  }
0x287: {  	v3 =	vld [tilespmem:$0xF0];
	_ =	sdelay $0x4  }
0x288: {  	v63 =	vshrl.u32 v3, $0x3  }
0x289: {  	v4 =	vmul.u32 $0x30, v63  }
0x28a: {  	v3 =	vand.u32 $0x7, v3  }
0x28b: {  	v3 =	vor.u32 v3, v4  }
0x28c: {  	v4 =	vperm.xlane v3, v0;
	_ =	sdelay $0x1  }
0x28d: {  	v4 =	vadd.s32 v1, v4;
	_ =	sdelay $0x3  }
0x28e: {  	s25 =	simm.s32 $0x19100;
	v3 =	vperm.xlane v3, v2  }
0x28f: {  	[hbm4b:s6+s3] =	stream.indirect_vreg.scatter [tilespmem:s25], [sflag:$0x1], $0x80, v4, vm0, $0xb8;
	[tilespmem:$0x1C100] =	vst v63  }
0x290: {  	s26 =	simm.s32 $0x19900;
	v3 =	vadd.s32 v1, v3  }
0x291: {  	[hbm4b:s16+s3] =	stream.indirect_vreg.scatter [tilespmem:s26], [sflag:$0x1], $0x80, v4, vm0, $0xb8;
	[tilespmem:$0x1C100] =	vst v63  }
0x292: {  	s28 =	simm.s32 $0x1A100  }
0x293: {  	[hbm4b:s17+s3] =	stream.indirect_vreg.scatter [tilespmem:s28], [sflag:$0x1], $0x80, v4, vm0, $0xb8;
	[tilespmem:$0x1C100] =	vst v63  }
0x294: {  	s29 =	simm.s32 $0x1A900  }
0x295: {  	[hbm4b:s6+s3] =	stream.indirect_vreg.scatter [tilespmem:s29], [sflag:$0x1], $0x80, v3, vm0, $0xb8;
	[tilespmem:$0x1C100] =	vst v63  }
0x296: {  	s30 =	simm.s32 $0x1B100  }
0x297: {  	[hbm4b:s16+s3] =	stream.indirect_vreg.scatter [tilespmem:s30], [sflag:$0x1], $0x80, v3, vm0, $0xb8;
	[tilespmem:$0x1C100] =	vst v63  }
.Ltmp3:
0x298: {  	s31 =	simm.s32 $0x1B900;
	(pc) =	sbr.rel .LBB2_3-.Ltmp3, $4  }
0x299: {  	[hbm4b:s17+s3] =	stream.indirect_vreg.scatter [tilespmem:s31], [sflag:$0x1], $0x80, v3, vm0, $0xb8;
	[tilespmem:$0x1C100] =	vst v63  }
0x29a: {  	_ =	swait.ge [sflag:s5], $0x18000  }
0x29b: {  	[sflag:s5] =	ssyncset.done $0x0  }
0x29c: {  	[sflag:s5] =	ssyncadd.s32 $0xFFFE8000  }
.LBB2_4:
0x29d: {  	_ =	sfence.sel $0x180000  }
0x29e: {  	[bflag:$0x0] =	sbarrier.arrive $0xFFFF  }
0x29f: {  	_ =	strace $0x90000047  }
0x2a0: {  	s0 =	stileid.u32;
	[bflag:$0x2] =	sbarrier.arrive $0xFFFF  }
0x2a1: {  	p0 =	sne.s32 s0, $0x0;
	s0 =	rddreg [dreg:$0x5]  }
0x2a2: {  	s0 =	sadd.s32 @!p0 $0x100000, s0  }
0x2a3: {  	[sflag:s0] =	ssyncadd.tile.s32 @!p0 $0x1;
	_ =	shalt  }
.Lfunc_end2:
_tile_overlayer_lowered:
.L_overlay_start_2:
0x2a4: {  	(tag) =	ssettag $0x2  }
0x2a5: {  	s0 =	rddreg [dreg:$0x0];
	s2 =	stileid.u32  }
0x2a6: {  	s1 =	rddreg [dreg:$0x1];
	p0 =	sne.s32 s2, $0x0  }
0x2a7: {  	s3 =	rddreg [dreg:$0x2];
	[bflag:$0x3] =	sbarrier.arrive $0xFFFF;
	s2 =	simm.s32 @!p0 $0x1C02  }
0x2a8: {  	[timem:s3], [sflag:s2] =	dma.local @!p0 [hbm:s0], s1  }
0x2a9: {  	s0 =	simm.s32 @!p0 $0x2  }
0x2aa: {  	_ =	swait.ge @!p0 [sflag:s0], s1  }
0x2ab: {  	s1 =	ssub.s32 @!p0 $0x0, s1;
	[sflag:s0] =	ssyncset.done @!p0 $0x0  }
0x2ac: {  	[sflag:s0] =	ssyncadd.s32 @!p0 s1  }
0x2ad: {  	[bflag:$0x3] =	sbarrier.arrive $0xFFFF  }
0x2ae: {  	_ =	shalt  }

</sc_bundles>
